<compile_context>
chip_gen: v7x
topology: tpu7x:2x2x1
jax: 0.10.2.dev20260603
libtpu: 0.0.44.dev20260713+nightly
codegen_flags: <defaults>
</compile_context>

<pallas_src>
import functools

import jax
import jax.numpy as jnp
from jax import lax
from jax.experimental import pallas as pl
from jax.experimental.pallas import tpu as pltpu
from jax.experimental.pallas import tpu_sc as plsc

N = 50000
C = 96
G = 12
S = 16
CG = C // G

BA = 2000
BC = 400

NC_SC = 2
NS_SC = 16
NW = NC_SC * NS_SC
PER_W = (N * S) // NW
KCH = 200


def _ln_c(dx, g, b, eps=1e-5):
    d = dx.shape[-1]
    J = jnp.full((d, d), 1.0 / d, jnp.float32)
    v = jnp.dot(dx * dx, J)
    return dx * lax.rsqrt(v + eps) * g + b


def _center(W):
    return W - jnp.mean(W, axis=1, keepdims=True)


def _proj_body(q_ref, k_ref, v_ref, xyz_ref,
               WqT_ref, bq_ref, gq_ref, betq_ref,
               WkT_ref, bk_ref, gk_ref, betk_ref,
               WvT_ref, bv_ref, Ww1T_ref, bp2_ref, bw1_ref,
               T_ref, qw_ref):
    q = q_ref[...]
    k = k_ref[...]
    v = v_ref[...]
    bqc = bq_ref[...] - jnp.mean(bq_ref[...])
    bkc = bk_ref[...] - jnp.mean(bk_ref[...])
    query = jax.nn.relu(_ln_c(jnp.dot(q, _center(WqT_ref[...])) + bqc,
                              gq_ref[...], betq_ref[...]))
    keyf = jax.nn.relu(_ln_c(jnp.dot(k, _center(WkT_ref[...])) + bkc,
                             gk_ref[...], betk_ref[...]))
    value = jnp.dot(v, WvT_ref[...]) + bv_ref[...]
    Ww1Tc = _center(Ww1T_ref[...])
    kw = jnp.dot(keyf, Ww1Tc)
    bias12 = jnp.dot(bp2_ref[...], Ww1Tc) \
        + (bw1_ref[...] - jnp.mean(bw1_ref[...]))
    qw_ref[...] = jnp.dot(query, Ww1Tc) - bias12
    z13 = jnp.zeros((q.shape[0], 13), jnp.float32)
    z4 = jnp.zeros((q.shape[0], 4), jnp.float32)
    T_ref[...] = jnp.concatenate([value, xyz_ref[...], z13, kw, z4], axis=1)


def _attn_body(g_ref, xyz_ref, qw_ref,
               Wsel_ref, Wp1T_ref, bp1_ref, gp_ref, betp_ref,
               Wp2T_ref, bp2_ref, Ww1T_ref,
               gw_ref, betw_ref,
               Ww2T_ref, bw2_ref,
               out_ref):
    g3 = g_ref[...]
    kw3 = g3[:, :, 112:124] - qw_ref[...][None]

    Wp1Tc = _center(Wp1T_ref[...])
    bp1c = bp1_ref[...] - jnp.mean(bp1_ref[...])
    cen = jnp.dot(xyz_ref[...], Wp1Tc) - bp1c
    phA = jnp.dot(g3.reshape(S * BC, 128), Wsel_ref[...])
    ph = (phA.reshape(S, BC, C) - cen[None]).reshape(S * BC, C)
    h = jax.nn.relu(_ln_c(ph, gp_ref[...], betp_ref[...]))
    peb = jnp.dot(h, Wp2T_ref[...]) + bp2_ref[...]

    Ww1Tc = _center(Ww1T_ref[...])
    Wpwc = jnp.dot(Wp2T_ref[...], Ww1Tc)
    pw = jnp.dot(h, Wpwc)
    t = kw3.reshape(S * BC, G) + pw

    u = jax.nn.relu(_ln_c(t, gw_ref[...], betw_ref[...]))

    ubound = jnp.sqrt(G - 1.0) * jnp.max(jnp.abs(gw_ref[...])) \
        + jnp.max(jnp.abs(betw_ref[...]))
    B = ubound * jnp.max(jnp.sum(jnp.abs(Ww2T_ref[...]), axis=0)) \
        + jnp.max(jnp.abs(bw2_ref[...]))
    B = jnp.minimum(B, 60.0)
    gid = lax.broadcasted_iota(jnp.int32, (G, C), 0)
    cid = lax.broadcasted_iota(jnp.int32, (G, C), 1)
    E = jnp.where(cid // CG == gid, 1.0, 0.0).astype(jnp.float32)
    EB = jnp.dot(bw2_ref[...] - B, E)
    l96 = jnp.dot(u, jnp.dot(Ww2T_ref[...], E)) + EB

    e = jnp.exp(l96)
    val = g3[:, :, 0:C].reshape(S * BC, C)
    contrib = e * (val + peb)
    acc = jnp.sum(contrib.reshape(S, BC, C), axis=0)
    ssum = jnp.sum(e.reshape(S, BC, C), axis=0)
    out_ref[...] = acc * (1.0 / ssum)


def _gather(idx_flat, T, col0, ni):
    nidx = ni * S
    per_w = nidx // NW
    nch = per_w // KCH
    npairs = nch // 2
    tail = nch % 2

    def body(idx_hbm, t_hbm, g_hbm, idx0, idx1, rows0, rows1, sem0, sem1):
        wid = lax.axis_index("s") * NC_SC + lax.axis_index("c")
        base = wid * per_w

        def load_idx(off, dst):
            fo = (off // ni) * N + col0 + off % ni
            pltpu.sync_copy(idx_hbm.at[pl.ds(fo, KCH)], dst)

        def pair(j, carry):
            o0 = base + (2 * j) * KCH
            o1 = o0 + KCH
            load_idx(o0, idx0)
            g0 = pltpu.async_copy(t_hbm.at[idx0], rows0, sem0)
            load_idx(o1, idx1)
            g0.wait()
            g1 = pltpu.async_copy(t_hbm.at[idx1], rows1, sem1)
            pltpu.sync_copy(rows0, g_hbm.at[pl.ds(o0, KCH)])
            g1.wait()
            pltpu.sync_copy(rows1, g_hbm.at[pl.ds(o1, KCH)])
            return carry

        lax.fori_loop(0, npairs, pair, 0)
        if tail:
            otail = base + 2 * npairs * KCH
            load_idx(otail, idx0)
            pltpu.async_copy(t_hbm.at[idx0], rows0, sem0).wait()
            pltpu.sync_copy(rows0, g_hbm.at[pl.ds(otail, KCH)])

    gk = functools.partial(
        pl.kernel,
        mesh=plsc.VectorSubcoreMesh(core_axis_name="c", subcore_axis_name="s"),
        out_type=jax.ShapeDtypeStruct((nidx, 128), jnp.float32),
        scratch_types=[
            pltpu.VMEM((KCH,), jnp.int32),
            pltpu.VMEM((KCH,), jnp.int32),
            pltpu.VMEM((KCH, 128), jnp.float32),
            pltpu.VMEM((KCH, 128), jnp.float32),
            pltpu.SemaphoreType.DMA,
            pltpu.SemaphoreType.DMA,
        ],
    )(body)
    return gk(idx_flat, T)


def _row(x):
    return x.reshape(1, -1)


def kernel(q, k, v, xyz, reference_index,
           Wq, bq, gq, betq, Wk, bk, gk, betk, Wv, bv,
           Wp1, bp1, gp, betp, Wp2, bp2,
           Ww1, bw1, gw, betw, Ww2, bw2):
    full = lambda shape: pl.BlockSpec(shape, lambda i: (0,) * len(shape))

    T, qw = pl.pallas_call(
        _proj_body,
        grid=(N // BA,),
        in_specs=[
            pl.BlockSpec((BA, C), lambda i: (i, 0)),
            pl.BlockSpec((BA, C), lambda i: (i, 0)),
            pl.BlockSpec((BA, C), lambda i: (i, 0)),
            pl.BlockSpec((BA, 3), lambda i: (i, 0)),
            full((C, C)), full((1, C)), full((1, C)), full((1, C)),
            full((C, C)), full((1, C)), full((1, C)), full((1, C)),
            full((C, C)), full((1, C)), full((C, G)), full((1, C)),
            full((1, G)),
        ],
        out_specs=[
            pl.BlockSpec((BA, 128), lambda i: (i, 0)),
            pl.BlockSpec((BA, G), lambda i: (i, 0)),
        ],
        out_shape=[
            jax.ShapeDtypeStruct((N, 128), jnp.float32),
            jax.ShapeDtypeStruct((N, G), jnp.float32),
        ],
    )(q, k, v, xyz,
      Wq.T, _row(bq), _row(gq), _row(betq),
      Wk.T, _row(bk), _row(gk), _row(betk),
      Wv.T, _row(bv), Ww1.T, _row(bp2), _row(bw1))

    splits = [8000, 14000, 14000, 14000]
    idx_flat = reference_index.T.astype(jnp.int32).reshape(-1)
    Wp1Tc = Wp1.T - jnp.mean(Wp1.T, axis=1, keepdims=True)
    Wsel = jnp.zeros((128, C), jnp.float32).at[96:99, :].set(Wp1Tc)
    feats = []
    a = 0
    for ni in splits:
        gat = _gather(idx_flat, T, a, ni)
        g3 = gat.reshape(S, ni, 128)
        feats.append(pl.pallas_call(
            _attn_body,
            grid=(ni // BC,),
            in_specs=[
                pl.BlockSpec((S, BC, 128), lambda i: (0, i, 0)),
                pl.BlockSpec((BC, 3), lambda i: (i, 0)),
                pl.BlockSpec((BC, G), lambda i: (i, 0)),
                full((128, C)),
                full((3, C)), full((1, C)), full((1, C)), full((1, C)),
                full((C, C)), full((1, C)), full((C, G)),
                full((1, G)), full((1, G)),
                full((G, G)), full((1, G)),
            ],
            out_specs=pl.BlockSpec((BC, C), lambda i: (i, 0)),
            out_shape=jax.ShapeDtypeStruct((ni, C), jnp.float32),
        )(g3, lax.slice(xyz, (a, 0), (a + ni, 3)),
          lax.slice(qw, (a, 0), (a + ni, G)),
          Wsel,
          Wp1.T, _row(bp1), _row(gp), _row(betp),
          Wp2.T, _row(bp2), Ww1.T,
          _row(gw), _row(betw),
          Ww2.T, _row(bw2)))
        a += ni

    return jnp.concatenate(feats, axis=0)

# --- scband reference (transcript-rebuilt; emitter-appended) ---
"""Pipeline reference for scband-grouped-vector-attention-63479616634986 (READ-ONLY COPY).

The authoritative reference and input builder live on the scoring server;
editing this copy changes nothing except your own understanding.
"""

import jax, jax.numpy as jnp
import numpy as np

N = 50000
C = 96
G = 12
S = 16


def _ln(x, g, b, eps=1e-5):
    m = jnp.mean(x, axis=-1, keepdims=True)
    v = jnp.var(x, axis=-1, keepdims=True)
    return (x - m) * jax.lax.rsqrt(v + eps) * g + b


def setup_inputs(seed: int = 0):
    key = jax.random.key(seed)
    ks = jax.random.split(key, 16)
    s_c = 1.0 / np.sqrt(C)
    s_3 = 1.0 / np.sqrt(3.0)
    s_g = 1.0 / np.sqrt(G)
    return {
        'q': jax.random.normal(ks[0], (N, C), dtype=jnp.float32),
        'k': jax.random.normal(ks[1], (N, C), dtype=jnp.float32),
        'v': jax.random.normal(ks[2], (N, C), dtype=jnp.float32),
        'xyz': jax.random.uniform(ks[3], (N, 3), dtype=jnp.float32),
        'reference_index': jax.random.randint(ks[4], (N, S), 0, N, dtype=jnp.int32),
        'Wq': (jax.random.normal(ks[5], (C, C), dtype=jnp.float32) * s_c), 'bq': jnp.zeros((C,), jnp.float32),
        'gq': jnp.ones((C,), jnp.float32), 'betq': jnp.zeros((C,), jnp.float32),
        'Wk': (jax.random.normal(ks[6], (C, C), dtype=jnp.float32) * s_c), 'bk': jnp.zeros((C,), jnp.float32),
        'gk': jnp.ones((C,), jnp.float32), 'betk': jnp.zeros((C,), jnp.float32),
        'Wv': (jax.random.normal(ks[7], (C, C), dtype=jnp.float32) * s_c), 'bv': jnp.zeros((C,), jnp.float32),
        'Wp1': (jax.random.normal(ks[8], (C, 3), dtype=jnp.float32) * s_3), 'bp1': jnp.zeros((C,), jnp.float32),
        'gp': jnp.ones((C,), jnp.float32), 'betp': jnp.zeros((C,), jnp.float32),
        'Wp2': (jax.random.normal(ks[9], (C, C), dtype=jnp.float32) * s_c), 'bp2': jnp.zeros((C,), jnp.float32),
        'Ww1': (jax.random.normal(ks[10], (G, C), dtype=jnp.float32) * s_c), 'bw1': jnp.zeros((G,), jnp.float32),
        'gw': jnp.ones((G,), jnp.float32), 'betw': jnp.zeros((G,), jnp.float32),
        'Ww2': (jax.random.normal(ks[11], (G, G), dtype=jnp.float32) * s_g), 'bw2': jnp.zeros((G,), jnp.float32),
    }


def reference(q, k, v, xyz, reference_index, Wq, bq, gq, betq, Wk, bk, gk, betk, Wv, bv, Wp1, bp1, gp, betp, Wp2, bp2, Ww1, bw1, gw, betw, Ww2, bw2):
    # linear_q / linear_k: Linear -> LayerNorm -> ReLU ; linear_v: Linear
    query = jax.nn.relu(_ln(q @ Wq.T + bq, gq, betq))
    keyf = jax.nn.relu(_ln(k @ Wk.T + bk, gk, betk))
    value = v @ Wv.T + bv
    idx = reference_index
    # pointops.grouping: gather neighbor features; with_xyz=True prepends relative coords
    pos = jnp.take(xyz, idx, axis=0) - xyz[:, None, :]            # [N, S, 3]
    key_g = jnp.take(keyf, idx, axis=0)                           # [N, S, C]
    val_g = jnp.take(value, idx, axis=0)                          # [N, S, C]
    relation_qk = key_g - query[:, None, :]
    # pe_bias branch
    peb = jax.nn.relu(_ln(pos @ Wp1.T + bp1, gp, betp)) @ Wp2.T + bp2
    relation_qk = relation_qk + peb
    val_g = val_g + peb
    # weight_encoding: Linear(C->G) -> LN(G) -> ReLU -> Linear(G->G)
    weight = jax.nn.relu(_ln(relation_qk @ Ww1.T + bw1, gw, betw)) @ Ww2.T + bw2
    weight = jax.nn.softmax(weight, axis=1)                       # softmax over neighbors
    mask = jnp.sign(idx + 1).astype(weight.dtype)                 # [N, S]
    weight = weight * mask[:, :, None]
    val_g = val_g.reshape(N, S, G, C // G)
    feat = jnp.einsum('nsgi,nsg->ngi', val_g, weight)
    return feat.reshape(N, C)

if __name__ == "__main__":
    import jax
    _d = setup_inputs()
    print(jax.jit(kernel)(*tuple(_d.values())))

</pallas_src>

<mosaic_0001>
#map = affine_map<(d0, d1) -> (0)>
#map1 = affine_map<(d0, d1) -> (0, 0)>
module attributes {stable_mosaic.version = 14 : i64} {
  func.func @body(%arg0: i32, %arg1: i32, %arg2: memref<800000xi32, #tpu.memory_space<hbm>>, %arg3: memref<50000x128xf32, #tpu.memory_space<hbm>>, %arg4: memref<128000x128xf32, #tpu.memory_space<hbm>>, %arg5: memref<200xi32, #tpu.memory_space<vmem>>, %arg6: memref<200xi32, #tpu.memory_space<vmem>>, %arg7: memref<200x128xf32, #tpu.memory_space<vmem>>, %arg8: memref<200x128xf32, #tpu.memory_space<vmem>>, %arg9: memref<!tpu.dma_semaphore, #tpu.memory_space<semaphore_mem>>, %arg10: memref<!tpu.dma_semaphore, #tpu.memory_space<semaphore_mem>>) attributes {dimension_semantics = [#tpu.dimension_semantics<core_parallel>, #tpu.dimension_semantics<subcore_parallel>], iteration_bounds = array<i64: 2, 16>, scalar_prefetch = 0 : i64, scratch_operands = 6 : i64, tpu.core_type = #tpu.core_type<sc_vector_subcore>, window_params = [{transform_indices = #map}, {transform_indices = #map1}, {transform_indices = #map1}]} {
    %mul3A = arith.constant 2 : i32
    %mul3A_0 = arith.muli %arg1, %mul3A : i32
    %add3A = arith.addi %mul3A_0, %arg0 : i32
    %mul3A_1 = arith.constant 4000 : i32
    %mul3A_2 = arith.muli %add3A, %mul3A_1 : i32
    %scan3A = arith.constant 0 : i32
    %scan3A_3 = arith.constant 0 : i32
    %scan3A_4 = arith.constant 10 : i32
    %scan3A_5 = arith.addi %scan3A_3, %scan3A_4 : i32
    %scan3A_6 = arith.constant 1 : i32
    scf.for %scan3A_8 = %scan3A_3 to %scan3A_5 step %scan3A_6  : i32 {
      %mul3A_9 = arith.constant 2 : i32
      %mul3A_10 = arith.muli %mul3A_9, %scan3A_8 : i32
      %mul3A_11 = arith.constant 200 : i32
      %mul3A_12 = arith.muli %mul3A_10, %mul3A_11 : i32
      %add3A_13 = arith.addi %mul3A_2, %mul3A_12 : i32
      %add3A_14 = arith.constant 200 : i32
      %add3A_15 = arith.addi %add3A_13, %add3A_14 : i32
      %jit3A = arith.constant 8000 : i32
      %div3A = arith.divsi %add3A_13, %jit3A : i32
      %sign3A = arith.constant 0 : i32
      %sign3A_16 = arith.cmpi sgt, %add3A_13, %sign3A : i32
      %sign3A_17 = arith.extui %sign3A_16 : i1 to i32
      %sign3A_18 = arith.constant 0 : i32
      %sign3A_19 = arith.cmpi slt, %add3A_13, %sign3A_18 : i32
      %sign3A_20 = arith.extui %sign3A_19 : i1 to i32
      %sign3A_21 = arith.subi %sign3A_17, %sign3A_20 : i32
      %sign3A_22 = arith.constant 0 : i32
      %sign3A_23 = arith.cmpi sgt, %jit3A, %sign3A_22 : i32
      %sign3A_24 = arith.extui %sign3A_23 : i1 to i32
      %sign3A_25 = arith.constant 0 : i32
      %sign3A_26 = arith.cmpi slt, %jit3A, %sign3A_25 : i32
      %sign3A_27 = arith.extui %sign3A_26 : i1 to i32
      %sign3A_28 = arith.subi %sign3A_24, %sign3A_27 : i32
      %ne3A = arith.cmpi ne, %sign3A_21, %sign3A_28 : i32
      %rem3A = arith.remsi %add3A_13, %jit3A : i32
      %ne3A_29 = arith.constant 0 : i32
      %ne3A_30 = arith.cmpi ne, %rem3A, %ne3A_29 : i32
      %and3A = arith.andi %ne3A, %ne3A_30 : i1
      %sub3A = arith.constant 1 : i32
      %sub3A_31 = arith.subi %div3A, %sub3A : i32
      %select_n3A = arith.select %and3A, %sub3A_31, %div3A : i32
      %mul3A_32 = arith.constant 50000 : i32
      %mul3A_33 = arith.muli %select_n3A, %mul3A_32 : i32
      %add3A_34 = arith.constant 0 : i32
      %add3A_35 = arith.addi %mul3A_33, %add3A_34 : i32
      %jit3A_36 = arith.constant 8000 : i32
      %eq3A = arith.constant 0 : i32
      %eq3A_37 = arith.cmpi eq, %jit3A_36, %eq3A : i32
      %jit3A_38 = arith.constant 1 : i32
      %select_n3A_39 = arith.select %eq3A_37, %jit3A_38, %jit3A_36 : i32
      %rem3A_40 = arith.remsi %add3A_13, %select_n3A_39 : i32
      %ne3A_41 = arith.constant 0 : i32
      %ne3A_42 = arith.cmpi ne, %rem3A_40, %ne3A_41 : i32
      %lt3A = arith.constant 0 : i32
      %lt3A_43 = arith.cmpi slt, %rem3A_40, %lt3A : i32
      %lt3A_44 = arith.constant 0 : i32
      %lt3A_45 = arith.cmpi slt, %select_n3A_39, %lt3A_44 : i32
      %ne3A_46 = arith.xori %lt3A_43, %lt3A_45 : i1
      %and3A_47 = arith.andi %ne3A_46, %ne3A_42 : i1
      %add3A_48 = arith.addi %rem3A_40, %select_n3A_39 : i32
      %select_n3A_49 = arith.select %and3A_47, %add3A_48, %rem3A_40 : i32
      %add3A_50 = arith.addi %add3A_35, %select_n3A_49 : i32
      "tpu.region"() ({
        %run_scoped3A = tpu.sem_alloc : memref<!tpu.dma_semaphore, #tpu.memory_space<semaphore_mem>>
        %dma_start3A_106 = tpu.memref_slice %arg2[%add3A_50] : memref<800000xi32, #tpu.memory_space<hbm>> -> memref<200xi32, #tpu.memory_space<hbm>>
        %dma_start3A_107 = tpu.memref_slice %arg2[%add3A_50] : memref<800000xi32, #tpu.memory_space<hbm>> -> memref<200xi32, #tpu.memory_space<hbm>>
        tpu.enqueue_dma source(%dma_start3A_107 : memref<200xi32, #tpu.memory_space<hbm>>) target(%arg5 : memref<200xi32, #tpu.memory_space<vmem>>) target_semaphore(%run_scoped3A : memref<!tpu.dma_semaphore, #tpu.memory_space<semaphore_mem>>)
        %dma_wait3A_108 = tpu.memref_slice %arg2[%add3A_50] : memref<800000xi32, #tpu.memory_space<hbm>> -> memref<200xi32, #tpu.memory_space<hbm>>
        %dma_wait3A_109 = tpu.memref_slice %arg2[%add3A_50] : memref<800000xi32, #tpu.memory_space<hbm>> -> memref<200xi32, #tpu.memory_space<hbm>>
        tpu.wait_dma2 semaphore(%run_scoped3A : memref<!tpu.dma_semaphore, #tpu.memory_space<semaphore_mem>>) src(%dma_wait3A_109 : memref<200xi32, #tpu.memory_space<hbm>>) dst(%arg5 : memref<200xi32, #tpu.memory_space<vmem>>)
        tpu.yield
      }) : () -> ()
      %dma_start3A = arith.constant 0 : i32
      %dma_start3A_51 = arith.constant 0 : i32
      %dma_start3A_52 = tpu.memref_slice %arg3[%dma_start3A, %dma_start3A_51] : memref<50000x128xf32, #tpu.memory_space<hbm>> -> memref<50000x128xf32, #tpu.memory_space<hbm>>
      tpu.enqueue_indirect_dma source(%dma_start3A_52 : memref<50000x128xf32, #tpu.memory_space<hbm>>) target(%arg7 : memref<200x128xf32, #tpu.memory_space<vmem>>) offsets(%arg5 : memref<200xi32, #tpu.memory_space<vmem>>) semaphore(%arg9 : memref<!tpu.dma_semaphore, #tpu.memory_space<semaphore_mem>>)
      %jit3A_53 = arith.constant 8000 : i32
      %div3A_54 = arith.divsi %add3A_15, %jit3A_53 : i32
      %sign3A_55 = arith.constant 0 : i32
      %sign3A_56 = arith.cmpi sgt, %add3A_15, %sign3A_55 : i32
      %sign3A_57 = arith.extui %sign3A_56 : i1 to i32
      %sign3A_58 = arith.constant 0 : i32
      %sign3A_59 = arith.cmpi slt, %add3A_15, %sign3A_58 : i32
      %sign3A_60 = arith.extui %sign3A_59 : i1 to i32
      %sign3A_61 = arith.subi %sign3A_57, %sign3A_60 : i32
      %sign3A_62 = arith.constant 0 : i32
      %sign3A_63 = arith.cmpi sgt, %jit3A_53, %sign3A_62 : i32
      %sign3A_64 = arith.extui %sign3A_63 : i1 to i32
      %sign3A_65 = arith.constant 0 : i32
      %sign3A_66 = arith.cmpi slt, %jit3A_53, %sign3A_65 : i32
      %sign3A_67 = arith.extui %sign3A_66 : i1 to i32
      %sign3A_68 = arith.subi %sign3A_64, %sign3A_67 : i32
      %ne3A_69 = arith.cmpi ne, %sign3A_61, %sign3A_68 : i32
      %rem3A_70 = arith.remsi %add3A_15, %jit3A_53 : i32
      %ne3A_71 = arith.constant 0 : i32
      %ne3A_72 = arith.cmpi ne, %rem3A_70, %ne3A_71 : i32
      %and3A_73 = arith.andi %ne3A_69, %ne3A_72 : i1
      %sub3A_74 = arith.constant 1 : i32
      %sub3A_75 = arith.subi %div3A_54, %sub3A_74 : i32
      %select_n3A_76 = arith.select %and3A_73, %sub3A_75, %div3A_54 : i32
      %mul3A_77 = arith.constant 50000 : i32
      %mul3A_78 = arith.muli %select_n3A_76, %mul3A_77 : i32
      %add3A_79 = arith.constant 0 : i32
      %add3A_80 = arith.addi %mul3A_78, %add3A_79 : i32
      %jit3A_81 = arith.constant 8000 : i32
      %eq3A_82 = arith.constant 0 : i32
      %eq3A_83 = arith.cmpi eq, %jit3A_81, %eq3A_82 : i32
      %jit3A_84 = arith.constant 1 : i32
      %select_n3A_85 = arith.select %eq3A_83, %jit3A_84, %jit3A_81 : i32
      %rem3A_86 = arith.remsi %add3A_15, %select_n3A_85 : i32
      %ne3A_87 = arith.constant 0 : i32
      %ne3A_88 = arith.cmpi ne, %rem3A_86, %ne3A_87 : i32
      %lt3A_89 = arith.constant 0 : i32
      %lt3A_90 = arith.cmpi slt, %rem3A_86, %lt3A_89 : i32
      %lt3A_91 = arith.constant 0 : i32
      %lt3A_92 = arith.cmpi slt, %select_n3A_85, %lt3A_91 : i32
      %ne3A_93 = arith.xori %lt3A_90, %lt3A_92 : i1
      %and3A_94 = arith.andi %ne3A_93, %ne3A_88 : i1
      %add3A_95 = arith.addi %rem3A_86, %select_n3A_85 : i32
      %select_n3A_96 = arith.select %and3A_94, %add3A_95, %rem3A_86 : i32
      %add3A_97 = arith.addi %add3A_80, %select_n3A_96 : i32
      "tpu.region"() ({
        %run_scoped3A = tpu.sem_alloc : memref<!tpu.dma_semaphore, #tpu.memory_space<semaphore_mem>>
        %dma_start3A_106 = tpu.memref_slice %arg2[%add3A_97] : memref<800000xi32, #tpu.memory_space<hbm>> -> memref<200xi32, #tpu.memory_space<hbm>>
        %dma_start3A_107 = tpu.memref_slice %arg2[%add3A_97] : memref<800000xi32, #tpu.memory_space<hbm>> -> memref<200xi32, #tpu.memory_space<hbm>>
        tpu.enqueue_dma source(%dma_start3A_107 : memref<200xi32, #tpu.memory_space<hbm>>) target(%arg6 : memref<200xi32, #tpu.memory_space<vmem>>) target_semaphore(%run_scoped3A : memref<!tpu.dma_semaphore, #tpu.memory_space<semaphore_mem>>)
        %dma_wait3A_108 = tpu.memref_slice %arg2[%add3A_97] : memref<800000xi32, #tpu.memory_space<hbm>> -> memref<200xi32, #tpu.memory_space<hbm>>
        %dma_wait3A_109 = tpu.memref_slice %arg2[%add3A_97] : memref<800000xi32, #tpu.memory_space<hbm>> -> memref<200xi32, #tpu.memory_space<hbm>>
        tpu.wait_dma2 semaphore(%run_scoped3A : memref<!tpu.dma_semaphore, #tpu.memory_space<semaphore_mem>>) src(%dma_wait3A_109 : memref<200xi32, #tpu.memory_space<hbm>>) dst(%arg6 : memref<200xi32, #tpu.memory_space<vmem>>)
        tpu.yield
      }) : () -> ()
      %dma_wait3A = arith.constant 0 : i32
      %dma_wait3A_98 = arith.constant 0 : i32
      %dma_wait3A_99 = tpu.memref_slice %arg3[%dma_wait3A, %dma_wait3A_98] : memref<50000x128xf32, #tpu.memory_space<hbm>> -> memref<50000x128xf32, #tpu.memory_space<hbm>>
      tpu.wait_indirect_dma semaphore(%arg9 : memref<!tpu.dma_semaphore, #tpu.memory_space<semaphore_mem>>) src(%dma_wait3A_99 : memref<50000x128xf32, #tpu.memory_space<hbm>>) dst(%arg7 : memref<200x128xf32, #tpu.memory_space<vmem>>)
      %dma_start3A_100 = arith.constant 0 : i32
      %dma_start3A_101 = arith.constant 0 : i32
      %dma_start3A_102 = tpu.memref_slice %arg3[%dma_start3A_100, %dma_start3A_101] : memref<50000x128xf32, #tpu.memory_space<hbm>> -> memref<50000x128xf32, #tpu.memory_space<hbm>>
      tpu.enqueue_indirect_dma source(%dma_start3A_102 : memref<50000x128xf32, #tpu.memory_space<hbm>>) target(%arg8 : memref<200x128xf32, #tpu.memory_space<vmem>>) offsets(%arg6 : memref<200xi32, #tpu.memory_space<vmem>>) semaphore(%arg10 : memref<!tpu.dma_semaphore, #tpu.memory_space<semaphore_mem>>)
      "tpu.region"() ({
        %run_scoped3A = tpu.sem_alloc : memref<!tpu.dma_semaphore, #tpu.memory_space<semaphore_mem>>
        %dma_start3A_106 = arith.constant 0 : i32
        %dma_start3A_107 = tpu.memref_slice %arg4[%add3A_13, %dma_start3A_106] : memref<128000x128xf32, #tpu.memory_space<hbm>> -> memref<200x128xf32, #tpu.memory_space<hbm>>
        %dma_start3A_108 = arith.constant 0 : i32
        %dma_start3A_109 = tpu.memref_slice %arg4[%add3A_13, %dma_start3A_108] : memref<128000x128xf32, #tpu.memory_space<hbm>> -> memref<200x128xf32, #tpu.memory_space<hbm>>
        tpu.enqueue_dma source(%arg7 : memref<200x128xf32, #tpu.memory_space<vmem>>) target(%dma_start3A_109 : memref<200x128xf32, #tpu.memory_space<hbm>>) target_semaphore(%run_scoped3A : memref<!tpu.dma_semaphore, #tpu.memory_space<semaphore_mem>>)
        %dma_wait3A_110 = arith.constant 0 : i32
        %dma_wait3A_111 = tpu.memref_slice %arg4[%add3A_13, %dma_wait3A_110] : memref<128000x128xf32, #tpu.memory_space<hbm>> -> memref<200x128xf32, #tpu.memory_space<hbm>>
        %dma_wait3A_112 = arith.constant 0 : i32
        %dma_wait3A_113 = tpu.memref_slice %arg4[%add3A_13, %dma_wait3A_112] : memref<128000x128xf32, #tpu.memory_space<hbm>> -> memref<200x128xf32, #tpu.memory_space<hbm>>
        tpu.wait_dma2 semaphore(%run_scoped3A : memref<!tpu.dma_semaphore, #tpu.memory_space<semaphore_mem>>) src(%arg7 : memref<200x128xf32, #tpu.memory_space<vmem>>) dst(%dma_wait3A_113 : memref<200x128xf32, #tpu.memory_space<hbm>>)
        tpu.yield
      }) : () -> ()
      %dma_wait3A_103 = arith.constant 0 : i32
      %dma_wait3A_104 = arith.constant 0 : i32
      %dma_wait3A_105 = tpu.memref_slice %arg3[%dma_wait3A_103, %dma_wait3A_104] : memref<50000x128xf32, #tpu.memory_space<hbm>> -> memref<50000x128xf32, #tpu.memory_space<hbm>>
      tpu.wait_indirect_dma semaphore(%arg10 : memref<!tpu.dma_semaphore, #tpu.memory_space<semaphore_mem>>) src(%dma_wait3A_105 : memref<50000x128xf32, #tpu.memory_space<hbm>>) dst(%arg8 : memref<200x128xf32, #tpu.memory_space<vmem>>)
      "tpu.region"() ({
        %run_scoped3A = tpu.sem_alloc : memref<!tpu.dma_semaphore, #tpu.memory_space<semaphore_mem>>
        %dma_start3A_106 = arith.constant 0 : i32
        %dma_start3A_107 = tpu.memref_slice %arg4[%add3A_15, %dma_start3A_106] : memref<128000x128xf32, #tpu.memory_space<hbm>> -> memref<200x128xf32, #tpu.memory_space<hbm>>
        %dma_start3A_108 = arith.constant 0 : i32
        %dma_start3A_109 = tpu.memref_slice %arg4[%add3A_15, %dma_start3A_108] : memref<128000x128xf32, #tpu.memory_space<hbm>> -> memref<200x128xf32, #tpu.memory_space<hbm>>
        tpu.enqueue_dma source(%arg8 : memref<200x128xf32, #tpu.memory_space<vmem>>) target(%dma_start3A_109 : memref<200x128xf32, #tpu.memory_space<hbm>>) target_semaphore(%run_scoped3A : memref<!tpu.dma_semaphore, #tpu.memory_space<semaphore_mem>>)
        %dma_wait3A_110 = arith.constant 0 : i32
        %dma_wait3A_111 = tpu.memref_slice %arg4[%add3A_15, %dma_wait3A_110] : memref<128000x128xf32, #tpu.memory_space<hbm>> -> memref<200x128xf32, #tpu.memory_space<hbm>>
        %dma_wait3A_112 = arith.constant 0 : i32
        %dma_wait3A_113 = tpu.memref_slice %arg4[%add3A_15, %dma_wait3A_112] : memref<128000x128xf32, #tpu.memory_space<hbm>> -> memref<200x128xf32, #tpu.memory_space<hbm>>
        tpu.wait_dma2 semaphore(%run_scoped3A : memref<!tpu.dma_semaphore, #tpu.memory_space<semaphore_mem>>) src(%arg8 : memref<200x128xf32, #tpu.memory_space<vmem>>) dst(%dma_wait3A_113 : memref<200x128xf32, #tpu.memory_space<hbm>>)
        tpu.yield
      }) : () -> ()
    }
    %scan3A_7 = arith.constant 10 : i32
    return
  }
}

#map = affine_map<(d0, d1) -> (0)>
#map1 = affine_map<(d0, d1) -> (0, 0)>
module attributes {stable_mosaic.version = 14 : i64} {
  func.func @body(%arg0: i32, %arg1: i32, %arg2: memref<800000xi32, #tpu.memory_space<hbm>>, %arg3: memref<50000x128xf32, #tpu.memory_space<hbm>>, %arg4: memref<224000x128xf32, #tpu.memory_space<hbm>>, %arg5: memref<200xi32, #tpu.memory_space<vmem>>, %arg6: memref<200xi32, #tpu.memory_space<vmem>>, %arg7: memref<200x128xf32, #tpu.memory_space<vmem>>, %arg8: memref<200x128xf32, #tpu.memory_space<vmem>>, %arg9: memref<!tpu.dma_semaphore, #tpu.memory_space<semaphore_mem>>, %arg10: memref<!tpu.dma_semaphore, #tpu.memory_space<semaphore_mem>>) attributes {dimension_semantics = [#tpu.dimension_semantics<core_parallel>, #tpu.dimension_semantics<subcore_parallel>], iteration_bounds = array<i64: 2, 16>, scalar_prefetch = 0 : i64, scratch_operands = 6 : i64, tpu.core_type = #tpu.core_type<sc_vector_subcore>, window_params = [{transform_indices = #map}, {transform_indices = #map1}, {transform_indices = #map1}]} {
    %mul3A = arith.constant 2 : i32
    %mul3A_0 = arith.muli %arg1, %mul3A : i32
    %add3A = arith.addi %mul3A_0, %arg0 : i32
    %mul3A_1 = arith.constant 7000 : i32
    %mul3A_2 = arith.muli %add3A, %mul3A_1 : i32
    %scan3A = arith.constant 0 : i32
    %scan3A_3 = arith.constant 0 : i32
    %scan3A_4 = arith.constant 17 : i32
    %scan3A_5 = arith.addi %scan3A_3, %scan3A_4 : i32
    %scan3A_6 = arith.constant 1 : i32
    scf.for %scan3A_49 = %scan3A_3 to %scan3A_5 step %scan3A_6  : i32 {
      %mul3A_50 = arith.constant 2 : i32
      %mul3A_51 = arith.muli %mul3A_50, %scan3A_49 : i32
      %mul3A_52 = arith.constant 200 : i32
      %mul3A_53 = arith.muli %mul3A_51, %mul3A_52 : i32
      %add3A_54 = arith.addi %mul3A_2, %mul3A_53 : i32
      %add3A_55 = arith.constant 200 : i32
      %add3A_56 = arith.addi %add3A_54, %add3A_55 : i32
      %jit3A_57 = arith.constant 14000 : i32
      %div3A_58 = arith.divsi %add3A_54, %jit3A_57 : i32
      %sign3A_59 = arith.constant 0 : i32
      %sign3A_60 = arith.cmpi sgt, %add3A_54, %sign3A_59 : i32
      %sign3A_61 = arith.extui %sign3A_60 : i1 to i32
      %sign3A_62 = arith.constant 0 : i32
      %sign3A_63 = arith.cmpi slt, %add3A_54, %sign3A_62 : i32
      %sign3A_64 = arith.extui %sign3A_63 : i1 to i32
      %sign3A_65 = arith.subi %sign3A_61, %sign3A_64 : i32
      %sign3A_66 = arith.constant 0 : i32
      %sign3A_67 = arith.cmpi sgt, %jit3A_57, %sign3A_66 : i32
      %sign3A_68 = arith.extui %sign3A_67 : i1 to i32
      %sign3A_69 = arith.constant 0 : i32
      %sign3A_70 = arith.cmpi slt, %jit3A_57, %sign3A_69 : i32
      %sign3A_71 = arith.extui %sign3A_70 : i1 to i32
      %sign3A_72 = arith.subi %sign3A_68, %sign3A_71 : i32
      %ne3A_73 = arith.cmpi ne, %sign3A_65, %sign3A_72 : i32
      %rem3A_74 = arith.remsi %add3A_54, %jit3A_57 : i32
      %ne3A_75 = arith.constant 0 : i32
      %ne3A_76 = arith.cmpi ne, %rem3A_74, %ne3A_75 : i32
      %and3A_77 = arith.andi %ne3A_73, %ne3A_76 : i1
      %sub3A_78 = arith.constant 1 : i32
      %sub3A_79 = arith.subi %div3A_58, %sub3A_78 : i32
      %select_n3A_80 = arith.select %and3A_77, %sub3A_79, %div3A_58 : i32
      %mul3A_81 = arith.constant 50000 : i32
      %mul3A_82 = arith.muli %select_n3A_80, %mul3A_81 : i32
      %add3A_83 = arith.constant 22000 : i32
      %add3A_84 = arith.addi %mul3A_82, %add3A_83 : i32
      %jit3A_85 = arith.constant 14000 : i32
      %eq3A_86 = arith.constant 0 : i32
      %eq3A_87 = arith.cmpi eq, %jit3A_85, %eq3A_86 : i32
      %jit3A_88 = arith.constant 1 : i32
      %select_n3A_89 = arith.select %eq3A_87, %jit3A_88, %jit3A_85 : i32
      %rem3A_90 = arith.remsi %add3A_54, %select_n3A_89 : i32
      %ne3A_91 = arith.constant 0 : i32
      %ne3A_92 = arith.cmpi ne, %rem3A_90, %ne3A_91 : i32
      %lt3A_93 = arith.constant 0 : i32
      %lt3A_94 = arith.cmpi slt, %rem3A_90, %lt3A_93 : i32
      %lt3A_95 = arith.constant 0 : i32
      %lt3A_96 = arith.cmpi slt, %select_n3A_89, %lt3A_95 : i32
      %ne3A_97 = arith.xori %lt3A_94, %lt3A_96 : i1
      %and3A_98 = arith.andi %ne3A_97, %ne3A_92 : i1
      %add3A_99 = arith.addi %rem3A_90, %select_n3A_89 : i32
      %select_n3A_100 = arith.select %and3A_98, %add3A_99, %rem3A_90 : i32
      %add3A_101 = arith.addi %add3A_84, %select_n3A_100 : i32
      "tpu.region"() ({
        %run_scoped3A = tpu.sem_alloc : memref<!tpu.dma_semaphore, #tpu.memory_space<semaphore_mem>>
        %dma_start3A_159 = tpu.memref_slice %arg2[%add3A_101] : memref<800000xi32, #tpu.memory_space<hbm>> -> memref<200xi32, #tpu.memory_space<hbm>>
        %dma_start3A_160 = tpu.memref_slice %arg2[%add3A_101] : memref<800000xi32, #tpu.memory_space<hbm>> -> memref<200xi32, #tpu.memory_space<hbm>>
        tpu.enqueue_dma source(%dma_start3A_160 : memref<200xi32, #tpu.memory_space<hbm>>) target(%arg5 : memref<200xi32, #tpu.memory_space<vmem>>) target_semaphore(%run_scoped3A : memref<!tpu.dma_semaphore, #tpu.memory_space<semaphore_mem>>)
        %dma_wait3A_161 = tpu.memref_slice %arg2[%add3A_101] : memref<800000xi32, #tpu.memory_space<hbm>> -> memref<200xi32, #tpu.memory_space<hbm>>
        %dma_wait3A_162 = tpu.memref_slice %arg2[%add3A_101] : memref<800000xi32, #tpu.memory_space<hbm>> -> memref<200xi32, #tpu.memory_space<hbm>>
        tpu.wait_dma2 semaphore(%run_scoped3A : memref<!tpu.dma_semaphore, #tpu.memory_space<semaphore_mem>>) src(%dma_wait3A_162 : memref<200xi32, #tpu.memory_space<hbm>>) dst(%arg5 : memref<200xi32, #tpu.memory_space<vmem>>)
        tpu.yield
      }) : () -> ()
      %dma_start3A_102 = arith.constant 0 : i32
      %dma_start3A_103 = arith.constant 0 : i32
      %dma_start3A_104 = tpu.memref_slice %arg3[%dma_start3A_102, %dma_start3A_103] : memref<50000x128xf32, #tpu.memory_space<hbm>> -> memref<50000x128xf32, #tpu.memory_space<hbm>>
      tpu.enqueue_indirect_dma source(%dma_start3A_104 : memref<50000x128xf32, #tpu.memory_space<hbm>>) target(%arg7 : memref<200x128xf32, #tpu.memory_space<vmem>>) offsets(%arg5 : memref<200xi32, #tpu.memory_space<vmem>>) semaphore(%arg9 : memref<!tpu.dma_semaphore, #tpu.memory_space<semaphore_mem>>)
      %jit3A_105 = arith.constant 14000 : i32
      %div3A_106 = arith.divsi %add3A_56, %jit3A_105 : i32
      %sign3A_107 = arith.constant 0 : i32
      %sign3A_108 = arith.cmpi sgt, %add3A_56, %sign3A_107 : i32
      %sign3A_109 = arith.extui %sign3A_108 : i1 to i32
      %sign3A_110 = arith.constant 0 : i32
      %sign3A_111 = arith.cmpi slt, %add3A_56, %sign3A_110 : i32
      %sign3A_112 = arith.extui %sign3A_111 : i1 to i32
      %sign3A_113 = arith.subi %sign3A_109, %sign3A_112 : i32
      %sign3A_114 = arith.constant 0 : i32
      %sign3A_115 = arith.cmpi sgt, %jit3A_105, %sign3A_114 : i32
      %sign3A_116 = arith.extui %sign3A_115 : i1 to i32
      %sign3A_117 = arith.constant 0 : i32
      %sign3A_118 = arith.cmpi slt, %jit3A_105, %sign3A_117 : i32
      %sign3A_119 = arith.extui %sign3A_118 : i1 to i32
      %sign3A_120 = arith.subi %sign3A_116, %sign3A_119 : i32
      %ne3A_121 = arith.cmpi ne, %sign3A_113, %sign3A_120 : i32
      %rem3A_122 = arith.remsi %add3A_56, %jit3A_105 : i32
      %ne3A_123 = arith.constant 0 : i32
      %ne3A_124 = arith.cmpi ne, %rem3A_122, %ne3A_123 : i32
      %and3A_125 = arith.andi %ne3A_121, %ne3A_124 : i1
      %sub3A_126 = arith.constant 1 : i32
      %sub3A_127 = arith.subi %div3A_106, %sub3A_126 : i32
      %select_n3A_128 = arith.select %and3A_125, %sub3A_127, %div3A_106 : i32
      %mul3A_129 = arith.constant 50000 : i32
      %mul3A_130 = arith.muli %select_n3A_128, %mul3A_129 : i32
      %add3A_131 = arith.constant 22000 : i32
      %add3A_132 = arith.addi %mul3A_130, %add3A_131 : i32
      %jit3A_133 = arith.constant 14000 : i32
      %eq3A_134 = arith.constant 0 : i32
      %eq3A_135 = arith.cmpi eq, %jit3A_133, %eq3A_134 : i32
      %jit3A_136 = arith.constant 1 : i32
      %select_n3A_137 = arith.select %eq3A_135, %jit3A_136, %jit3A_133 : i32
      %rem3A_138 = arith.remsi %add3A_56, %select_n3A_137 : i32
      %ne3A_139 = arith.constant 0 : i32
      %ne3A_140 = arith.cmpi ne, %rem3A_138, %ne3A_139 : i32
      %lt3A_141 = arith.constant 0 : i32
      %lt3A_142 = arith.cmpi slt, %rem3A_138, %lt3A_141 : i32
      %lt3A_143 = arith.constant 0 : i32
      %lt3A_144 = arith.cmpi slt, %select_n3A_137, %lt3A_143 : i32
      %ne3A_145 = arith.xori %lt3A_142, %lt3A_144 : i1
      %and3A_146 = arith.andi %ne3A_145, %ne3A_140 : i1
      %add3A_147 = arith.addi %rem3A_138, %select_n3A_137 : i32
      %select_n3A_148 = arith.select %and3A_146, %add3A_147, %rem3A_138 : i32
      %add3A_149 = arith.addi %add3A_132, %select_n3A_148 : i32
      "tpu.region"() ({
        %run_scoped3A = tpu.sem_alloc : memref<!tpu.dma_semaphore, #tpu.memory_space<semaphore_mem>>
        %dma_start3A_159 = tpu.memref_slice %arg2[%add3A_149] : memref<800000xi32, #tpu.memory_space<hbm>> -> memref<200xi32, #tpu.memory_space<hbm>>
        %dma_start3A_160 = tpu.memref_slice %arg2[%add3A_149] : memref<800000xi32, #tpu.memory_space<hbm>> -> memref<200xi32, #tpu.memory_space<hbm>>
        tpu.enqueue_dma source(%dma_start3A_160 : memref<200xi32, #tpu.memory_space<hbm>>) target(%arg6 : memref<200xi32, #tpu.memory_space<vmem>>) target_semaphore(%run_scoped3A : memref<!tpu.dma_semaphore, #tpu.memory_space<semaphore_mem>>)
        %dma_wait3A_161 = tpu.memref_slice %arg2[%add3A_149] : memref<800000xi32, #tpu.memory_space<hbm>> -> memref<200xi32, #tpu.memory_space<hbm>>
        %dma_wait3A_162 = tpu.memref_slice %arg2[%add3A_149] : memref<800000xi32, #tpu.memory_space<hbm>> -> memref<200xi32, #tpu.memory_space<hbm>>
        tpu.wait_dma2 semaphore(%run_scoped3A : memref<!tpu.dma_semaphore, #tpu.memory_space<semaphore_mem>>) src(%dma_wait3A_162 : memref<200xi32, #tpu.memory_space<hbm>>) dst(%arg6 : memref<200xi32, #tpu.memory_space<vmem>>)
        tpu.yield
      }) : () -> ()
      %dma_wait3A_150 = arith.constant 0 : i32
      %dma_wait3A_151 = arith.constant 0 : i32
      %dma_wait3A_152 = tpu.memref_slice %arg3[%dma_wait3A_150, %dma_wait3A_151] : memref<50000x128xf32, #tpu.memory_space<hbm>> -> memref<50000x128xf32, #tpu.memory_space<hbm>>
      tpu.wait_indirect_dma semaphore(%arg9 : memref<!tpu.dma_semaphore, #tpu.memory_space<semaphore_mem>>) src(%dma_wait3A_152 : memref<50000x128xf32, #tpu.memory_space<hbm>>) dst(%arg7 : memref<200x128xf32, #tpu.memory_space<vmem>>)
      %dma_start3A_153 = arith.constant 0 : i32
      %dma_start3A_154 = arith.constant 0 : i32
      %dma_start3A_155 = tpu.memref_slice %arg3[%dma_start3A_153, %dma_start3A_154] : memref<50000x128xf32, #tpu.memory_space<hbm>> -> memref<50000x128xf32, #tpu.memory_space<hbm>>
      tpu.enqueue_indirect_dma source(%dma_start3A_155 : memref<50000x128xf32, #tpu.memory_space<hbm>>) target(%arg8 : memref<200x128xf32, #tpu.memory_space<vmem>>) offsets(%arg6 : memref<200xi32, #tpu.memory_space<vmem>>) semaphore(%arg10 : memref<!tpu.dma_semaphore, #tpu.memory_space<semaphore_mem>>)
      "tpu.region"() ({
        %run_scoped3A = tpu.sem_alloc : memref<!tpu.dma_semaphore, #tpu.memory_space<semaphore_mem>>
        %dma_start3A_159 = arith.constant 0 : i32
        %dma_start3A_160 = tpu.memref_slice %arg4[%add3A_54, %dma_start3A_159] : memref<224000x128xf32, #tpu.memory_space<hbm>> -> memref<200x128xf32, #tpu.memory_space<hbm>>
        %dma_start3A_161 = arith.constant 0 : i32
        %dma_start3A_162 = tpu.memref_slice %arg4[%add3A_54, %dma_start3A_161] : memref<224000x128xf32, #tpu.memory_space<hbm>> -> memref<200x128xf32, #tpu.memory_space<hbm>>
        tpu.enqueue_dma source(%arg7 : memref<200x128xf32, #tpu.memory_space<vmem>>) target(%dma_start3A_162 : memref<200x128xf32, #tpu.memory_space<hbm>>) target_semaphore(%run_scoped3A : memref<!tpu.dma_semaphore, #tpu.memory_space<semaphore_mem>>)
        %dma_wait3A_163 = arith.constant 0 : i32
        %dma_wait3A_164 = tpu.memref_slice %arg4[%add3A_54, %dma_wait3A_163] : memref<224000x128xf32, #tpu.memory_space<hbm>> -> memref<200x128xf32, #tpu.memory_space<hbm>>
        %dma_wait3A_165 = arith.constant 0 : i32
        %dma_wait3A_166 = tpu.memref_slice %arg4[%add3A_54, %dma_wait3A_165] : memref<224000x128xf32, #tpu.memory_space<hbm>> -> memref<200x128xf32, #tpu.memory_space<hbm>>
        tpu.wait_dma2 semaphore(%run_scoped3A : memref<!tpu.dma_semaphore, #tpu.memory_space<semaphore_mem>>) src(%arg7 : memref<200x128xf32, #tpu.memory_space<vmem>>) dst(%dma_wait3A_166 : memref<200x128xf32, #tpu.memory_space<hbm>>)
        tpu.yield
      }) : () -> ()
      %dma_wait3A_156 = arith.constant 0 : i32
      %dma_wait3A_157 = arith.constant 0 : i32
      %dma_wait3A_158 = tpu.memref_slice %arg3[%dma_wait3A_156, %dma_wait3A_157] : memref<50000x128xf32, #tpu.memory_space<hbm>> -> memref<50000x128xf32, #tpu.memory_space<hbm>>
      tpu.wait_indirect_dma semaphore(%arg10 : memref<!tpu.dma_semaphore, #tpu.memory_space<semaphore_mem>>) src(%dma_wait3A_158 : memref<50000x128xf32, #tpu.memory_space<hbm>>) dst(%arg8 : memref<200x128xf32, #tpu.memory_space<vmem>>)
      "tpu.region"() ({
        %run_scoped3A = tpu.sem_alloc : memref<!tpu.dma_semaphore, #tpu.memory_space<semaphore_mem>>
        %dma_start3A_159 = arith.constant 0 : i32
        %dma_start3A_160 = tpu.memref_slice %arg4[%add3A_56, %dma_start3A_159] : memref<224000x128xf32, #tpu.memory_space<hbm>> -> memref<200x128xf32, #tpu.memory_space<hbm>>
        %dma_start3A_161 = arith.constant 0 : i32
        %dma_start3A_162 = tpu.memref_slice %arg4[%add3A_56, %dma_start3A_161] : memref<224000x128xf32, #tpu.memory_space<hbm>> -> memref<200x128xf32, #tpu.memory_space<hbm>>
        tpu.enqueue_dma source(%arg8 : memref<200x128xf32, #tpu.memory_space<vmem>>) target(%dma_start3A_162 : memref<200x128xf32, #tpu.memory_space<hbm>>) target_semaphore(%run_scoped3A : memref<!tpu.dma_semaphore, #tpu.memory_space<semaphore_mem>>)
        %dma_wait3A_163 = arith.constant 0 : i32
        %dma_wait3A_164 = tpu.memref_slice %arg4[%add3A_56, %dma_wait3A_163] : memref<224000x128xf32, #tpu.memory_space<hbm>> -> memref<200x128xf32, #tpu.memory_space<hbm>>
        %dma_wait3A_165 = arith.constant 0 : i32
        %dma_wait3A_166 = tpu.memref_slice %arg4[%add3A_56, %dma_wait3A_165] : memref<224000x128xf32, #tpu.memory_space<hbm>> -> memref<200x128xf32, #tpu.memory_space<hbm>>
        tpu.wait_dma2 semaphore(%run_scoped3A : memref<!tpu.dma_semaphore, #tpu.memory_space<semaphore_mem>>) src(%arg8 : memref<200x128xf32, #tpu.memory_space<vmem>>) dst(%dma_wait3A_166 : memref<200x128xf32, #tpu.memory_space<hbm>>)
        tpu.yield
      }) : () -> ()
    }
    %scan3A_7 = arith.constant 17 : i32
    %add3A_8 = arith.constant 6800 : i32
    %add3A_9 = arith.addi %mul3A_2, %add3A_8 : i32
    %jit3A = arith.constant 14000 : i32
    %div3A = arith.divsi %add3A_9, %jit3A : i32
    %sign3A = arith.constant 0 : i32
    %sign3A_10 = arith.cmpi sgt, %add3A_9, %sign3A : i32
    %sign3A_11 = arith.extui %sign3A_10 : i1 to i32
    %sign3A_12 = arith.constant 0 : i32
    %sign3A_13 = arith.cmpi slt, %add3A_9, %sign3A_12 : i32
    %sign3A_14 = arith.extui %sign3A_13 : i1 to i32
    %sign3A_15 = arith.subi %sign3A_11, %sign3A_14 : i32
    %sign3A_16 = arith.constant 0 : i32
    %sign3A_17 = arith.cmpi sgt, %jit3A, %sign3A_16 : i32
    %sign3A_18 = arith.extui %sign3A_17 : i1 to i32
    %sign3A_19 = arith.constant 0 : i32
    %sign3A_20 = arith.cmpi slt, %jit3A, %sign3A_19 : i32
    %sign3A_21 = arith.extui %sign3A_20 : i1 to i32
    %sign3A_22 = arith.subi %sign3A_18, %sign3A_21 : i32
    %ne3A = arith.cmpi ne, %sign3A_15, %sign3A_22 : i32
    %rem3A = arith.remsi %add3A_9, %jit3A : i32
    %ne3A_23 = arith.constant 0 : i32
    %ne3A_24 = arith.cmpi ne, %rem3A, %ne3A_23 : i32
    %and3A = arith.andi %ne3A, %ne3A_24 : i1
    %sub3A = arith.constant 1 : i32
    %sub3A_25 = arith.subi %div3A, %sub3A : i32
    %select_n3A = arith.select %and3A, %sub3A_25, %div3A : i32
    %mul3A_26 = arith.constant 50000 : i32
    %mul3A_27 = arith.muli %select_n3A, %mul3A_26 : i32
    %add3A_28 = arith.constant 22000 : i32
    %add3A_29 = arith.addi %mul3A_27, %add3A_28 : i32
    %jit3A_30 = arith.constant 14000 : i32
    %eq3A = arith.constant 0 : i32
    %eq3A_31 = arith.cmpi eq, %jit3A_30, %eq3A : i32
    %jit3A_32 = arith.constant 1 : i32
    %select_n3A_33 = arith.select %eq3A_31, %jit3A_32, %jit3A_30 : i32
    %rem3A_34 = arith.remsi %add3A_9, %select_n3A_33 : i32
    %ne3A_35 = arith.constant 0 : i32
    %ne3A_36 = arith.cmpi ne, %rem3A_34, %ne3A_35 : i32
    %lt3A = arith.constant 0 : i32
    %lt3A_37 = arith.cmpi slt, %rem3A_34, %lt3A : i32
    %lt3A_38 = arith.constant 0 : i32
    %lt3A_39 = arith.cmpi slt, %select_n3A_33, %lt3A_38 : i32
    %ne3A_40 = arith.xori %lt3A_37, %lt3A_39 : i1
    %and3A_41 = arith.andi %ne3A_40, %ne3A_36 : i1
    %add3A_42 = arith.addi %rem3A_34, %select_n3A_33 : i32
    %select_n3A_43 = arith.select %and3A_41, %add3A_42, %rem3A_34 : i32
    %add3A_44 = arith.addi %add3A_29, %select_n3A_43 : i32
    "tpu.region"() ({
      %run_scoped3A = tpu.sem_alloc : memref<!tpu.dma_semaphore, #tpu.memory_space<semaphore_mem>>
      %dma_start3A_49 = tpu.memref_slice %arg2[%add3A_44] : memref<800000xi32, #tpu.memory_space<hbm>> -> memref<200xi32, #tpu.memory_space<hbm>>
      %dma_start3A_50 = tpu.memref_slice %arg2[%add3A_44] : memref<800000xi32, #tpu.memory_space<hbm>> -> memref<200xi32, #tpu.memory_space<hbm>>
      tpu.enqueue_dma source(%dma_start3A_50 : memref<200xi32, #tpu.memory_space<hbm>>) target(%arg5 : memref<200xi32, #tpu.memory_space<vmem>>) target_semaphore(%run_scoped3A : memref<!tpu.dma_semaphore, #tpu.memory_space<semaphore_mem>>)
      %dma_wait3A_51 = tpu.memref_slice %arg2[%add3A_44] : memref<800000xi32, #tpu.memory_space<hbm>> -> memref<200xi32, #tpu.memory_space<hbm>>
      %dma_wait3A_52 = tpu.memref_slice %arg2[%add3A_44] : memref<800000xi32, #tpu.memory_space<hbm>> -> memref<200xi32, #tpu.memory_space<hbm>>
      tpu.wait_dma2 semaphore(%run_scoped3A : memref<!tpu.dma_semaphore, #tpu.memory_space<semaphore_mem>>) src(%dma_wait3A_52 : memref<200xi32, #tpu.memory_space<hbm>>) dst(%arg5 : memref<200xi32, #tpu.memory_space<vmem>>)
      tpu.yield
    }) : () -> ()
    %dma_start3A = arith.constant 0 : i32
    %dma_start3A_45 = arith.constant 0 : i32
    %dma_start3A_46 = tpu.memref_slice %arg3[%dma_start3A, %dma_start3A_45] : memref<50000x128xf32, #tpu.memory_space<hbm>> -> memref<50000x128xf32, #tpu.memory_space<hbm>>
    tpu.enqueue_indirect_dma source(%dma_start3A_46 : memref<50000x128xf32, #tpu.memory_space<hbm>>) target(%arg7 : memref<200x128xf32, #tpu.memory_space<vmem>>) offsets(%arg5 : memref<200xi32, #tpu.memory_space<vmem>>) semaphore(%arg9 : memref<!tpu.dma_semaphore, #tpu.memory_space<semaphore_mem>>)
    %dma_wait3A = arith.constant 0 : i32
    %dma_wait3A_47 = arith.constant 0 : i32
    %dma_wait3A_48 = tpu.memref_slice %arg3[%dma_wait3A, %dma_wait3A_47] : memref<50000x128xf32, #tpu.memory_space<hbm>> -> memref<50000x128xf32, #tpu.memory_space<hbm>>
    tpu.wait_indirect_dma semaphore(%arg9 : memref<!tpu.dma_semaphore, #tpu.memory_space<semaphore_mem>>) src(%dma_wait3A_48 : memref<50000x128xf32, #tpu.memory_space<hbm>>) dst(%arg7 : memref<200x128xf32, #tpu.memory_space<vmem>>)
    "tpu.region"() ({
      %run_scoped3A = tpu.sem_alloc : memref<!tpu.dma_semaphore, #tpu.memory_space<semaphore_mem>>
      %dma_start3A_49 = arith.constant 0 : i32
      %dma_start3A_50 = tpu.memref_slice %arg4[%add3A_9, %dma_start3A_49] : memref<224000x128xf32, #tpu.memory_space<hbm>> -> memref<200x128xf32, #tpu.memory_space<hbm>>
      %dma_start3A_51 = arith.constant 0 : i32
      %dma_start3A_52 = tpu.memref_slice %arg4[%add3A_9, %dma_start3A_51] : memref<224000x128xf32, #tpu.memory_space<hbm>> -> memref<200x128xf32, #tpu.memory_space<hbm>>
      tpu.enqueue_dma source(%arg7 : memref<200x128xf32, #tpu.memory_space<vmem>>) target(%dma_start3A_52 : memref<200x128xf32, #tpu.memory_space<hbm>>) target_semaphore(%run_scoped3A : memref<!tpu.dma_semaphore, #tpu.memory_space<semaphore_mem>>)
      %dma_wait3A_53 = arith.constant 0 : i32
      %dma_wait3A_54 = tpu.memref_slice %arg4[%add3A_9, %dma_wait3A_53] : memref<224000x128xf32, #tpu.memory_space<hbm>> -> memref<200x128xf32, #tpu.memory_space<hbm>>
      %dma_wait3A_55 = arith.constant 0 : i32
      %dma_wait3A_56 = tpu.memref_slice %arg4[%add3A_9, %dma_wait3A_55] : memref<224000x128xf32, #tpu.memory_space<hbm>> -> memref<200x128xf32, #tpu.memory_space<hbm>>
      tpu.wait_dma2 semaphore(%run_scoped3A : memref<!tpu.dma_semaphore, #tpu.memory_space<semaphore_mem>>) src(%arg7 : memref<200x128xf32, #tpu.memory_space<vmem>>) dst(%dma_wait3A_56 : memref<200x128xf32, #tpu.memory_space<hbm>>)
      tpu.yield
    }) : () -> ()
    return
  }
}

#map = affine_map<(d0, d1) -> (0)>
#map1 = affine_map<(d0, d1) -> (0, 0)>
module attributes {stable_mosaic.version = 14 : i64} {
  func.func @body(%arg0: i32, %arg1: i32, %arg2: memref<800000xi32, #tpu.memory_space<hbm>>, %arg3: memref<50000x128xf32, #tpu.memory_space<hbm>>, %arg4: memref<224000x128xf32, #tpu.memory_space<hbm>>, %arg5: memref<200xi32, #tpu.memory_space<vmem>>, %arg6: memref<200xi32, #tpu.memory_space<vmem>>, %arg7: memref<200x128xf32, #tpu.memory_space<vmem>>, %arg8: memref<200x128xf32, #tpu.memory_space<vmem>>, %arg9: memref<!tpu.dma_semaphore, #tpu.memory_space<semaphore_mem>>, %arg10: memref<!tpu.dma_semaphore, #tpu.memory_space<semaphore_mem>>) attributes {dimension_semantics = [#tpu.dimension_semantics<core_parallel>, #tpu.dimension_semantics<subcore_parallel>], iteration_bounds = array<i64: 2, 16>, scalar_prefetch = 0 : i64, scratch_operands = 6 : i64, tpu.core_type = #tpu.core_type<sc_vector_subcore>, window_params = [{transform_indices = #map}, {transform_indices = #map1}, {transform_indices = #map1}]} {
    %mul3A = arith.constant 2 : i32
    %mul3A_0 = arith.muli %arg1, %mul3A : i32
    %add3A = arith.addi %mul3A_0, %arg0 : i32
    %mul3A_1 = arith.constant 7000 : i32
    %mul3A_2 = arith.muli %add3A, %mul3A_1 : i32
    %scan3A = arith.constant 0 : i32
    %scan3A_3 = arith.constant 0 : i32
    %scan3A_4 = arith.constant 17 : i32
    %scan3A_5 = arith.addi %scan3A_3, %scan3A_4 : i32
    %scan3A_6 = arith.constant 1 : i32
    scf.for %scan3A_49 = %scan3A_3 to %scan3A_5 step %scan3A_6  : i32 {
      %mul3A_50 = arith.constant 2 : i32
      %mul3A_51 = arith.muli %mul3A_50, %scan3A_49 : i32
      %mul3A_52 = arith.constant 200 : i32
      %mul3A_53 = arith.muli %mul3A_51, %mul3A_52 : i32
      %add3A_54 = arith.addi %mul3A_2, %mul3A_53 : i32
      %add3A_55 = arith.constant 200 : i32
      %add3A_56 = arith.addi %add3A_54, %add3A_55 : i32
      %jit3A_57 = arith.constant 14000 : i32
      %div3A_58 = arith.divsi %add3A_54, %jit3A_57 : i32
      %sign3A_59 = arith.constant 0 : i32
      %sign3A_60 = arith.cmpi sgt, %add3A_54, %sign3A_59 : i32
      %sign3A_61 = arith.extui %sign3A_60 : i1 to i32
      %sign3A_62 = arith.constant 0 : i32
      %sign3A_63 = arith.cmpi slt, %add3A_54, %sign3A_62 : i32
      %sign3A_64 = arith.extui %sign3A_63 : i1 to i32
      %sign3A_65 = arith.subi %sign3A_61, %sign3A_64 : i32
      %sign3A_66 = arith.constant 0 : i32
      %sign3A_67 = arith.cmpi sgt, %jit3A_57, %sign3A_66 : i32
      %sign3A_68 = arith.extui %sign3A_67 : i1 to i32
      %sign3A_69 = arith.constant 0 : i32
      %sign3A_70 = arith.cmpi slt, %jit3A_57, %sign3A_69 : i32
      %sign3A_71 = arith.extui %sign3A_70 : i1 to i32
      %sign3A_72 = arith.subi %sign3A_68, %sign3A_71 : i32
      %ne3A_73 = arith.cmpi ne, %sign3A_65, %sign3A_72 : i32
      %rem3A_74 = arith.remsi %add3A_54, %jit3A_57 : i32
      %ne3A_75 = arith.constant 0 : i32
      %ne3A_76 = arith.cmpi ne, %rem3A_74, %ne3A_75 : i32
      %and3A_77 = arith.andi %ne3A_73, %ne3A_76 : i1
      %sub3A_78 = arith.constant 1 : i32
      %sub3A_79 = arith.subi %div3A_58, %sub3A_78 : i32
      %select_n3A_80 = arith.select %and3A_77, %sub3A_79, %div3A_58 : i32
      %mul3A_81 = arith.constant 50000 : i32
      %mul3A_82 = arith.muli %select_n3A_80, %mul3A_81 : i32
      %add3A_83 = arith.constant 36000 : i32
      %add3A_84 = arith.addi %mul3A_82, %add3A_83 : i32
      %jit3A_85 = arith.constant 14000 : i32
      %eq3A_86 = arith.constant 0 : i32
      %eq3A_87 = arith.cmpi eq, %jit3A_85, %eq3A_86 : i32
      %jit3A_88 = arith.constant 1 : i32
      %select_n3A_89 = arith.select %eq3A_87, %jit3A_88, %jit3A_85 : i32
      %rem3A_90 = arith.remsi %add3A_54, %select_n3A_89 : i32
      %ne3A_91 = arith.constant 0 : i32
      %ne3A_92 = arith.cmpi ne, %rem3A_90, %ne3A_91 : i32
      %lt3A_93 = arith.constant 0 : i32
      %lt3A_94 = arith.cmpi slt, %rem3A_90, %lt3A_93 : i32
      %lt3A_95 = arith.constant 0 : i32
      %lt3A_96 = arith.cmpi slt, %select_n3A_89, %lt3A_95 : i32
      %ne3A_97 = arith.xori %lt3A_94, %lt3A_96 : i1
      %and3A_98 = arith.andi %ne3A_97, %ne3A_92 : i1
      %add3A_99 = arith.addi %rem3A_90, %select_n3A_89 : i32
      %select_n3A_100 = arith.select %and3A_98, %add3A_99, %rem3A_90 : i32
      %add3A_101 = arith.addi %add3A_84, %select_n3A_100 : i32
      "tpu.region"() ({
        %run_scoped3A = tpu.sem_alloc : memref<!tpu.dma_semaphore, #tpu.memory_space<semaphore_mem>>
        %dma_start3A_159 = tpu.memref_slice %arg2[%add3A_101] : memref<800000xi32, #tpu.memory_space<hbm>> -> memref<200xi32, #tpu.memory_space<hbm>>
        %dma_start3A_160 = tpu.memref_slice %arg2[%add3A_101] : memref<800000xi32, #tpu.memory_space<hbm>> -> memref<200xi32, #tpu.memory_space<hbm>>
        tpu.enqueue_dma source(%dma_start3A_160 : memref<200xi32, #tpu.memory_space<hbm>>) target(%arg5 : memref<200xi32, #tpu.memory_space<vmem>>) target_semaphore(%run_scoped3A : memref<!tpu.dma_semaphore, #tpu.memory_space<semaphore_mem>>)
        %dma_wait3A_161 = tpu.memref_slice %arg2[%add3A_101] : memref<800000xi32, #tpu.memory_space<hbm>> -> memref<200xi32, #tpu.memory_space<hbm>>
        %dma_wait3A_162 = tpu.memref_slice %arg2[%add3A_101] : memref<800000xi32, #tpu.memory_space<hbm>> -> memref<200xi32, #tpu.memory_space<hbm>>
        tpu.wait_dma2 semaphore(%run_scoped3A : memref<!tpu.dma_semaphore, #tpu.memory_space<semaphore_mem>>) src(%dma_wait3A_162 : memref<200xi32, #tpu.memory_space<hbm>>) dst(%arg5 : memref<200xi32, #tpu.memory_space<vmem>>)
        tpu.yield
      }) : () -> ()
      %dma_start3A_102 = arith.constant 0 : i32
      %dma_start3A_103 = arith.constant 0 : i32
      %dma_start3A_104 = tpu.memref_slice %arg3[%dma_start3A_102, %dma_start3A_103] : memref<50000x128xf32, #tpu.memory_space<hbm>> -> memref<50000x128xf32, #tpu.memory_space<hbm>>
      tpu.enqueue_indirect_dma source(%dma_start3A_104 : memref<50000x128xf32, #tpu.memory_space<hbm>>) target(%arg7 : memref<200x128xf32, #tpu.memory_space<vmem>>) offsets(%arg5 : memref<200xi32, #tpu.memory_space<vmem>>) semaphore(%arg9 : memref<!tpu.dma_semaphore, #tpu.memory_space<semaphore_mem>>)
      %jit3A_105 = arith.constant 14000 : i32
      %div3A_106 = arith.divsi %add3A_56, %jit3A_105 : i32
      %sign3A_107 = arith.constant 0 : i32
      %sign3A_108 = arith.cmpi sgt, %add3A_56, %sign3A_107 : i32
      %sign3A_109 = arith.extui %sign3A_108 : i1 to i32
      %sign3A_110 = arith.constant 0 : i32
      %sign3A_111 = arith.cmpi slt, %add3A_56, %sign3A_110 : i32
      %sign3A_112 = arith.extui %sign3A_111 : i1 to i32
      %sign3A_113 = arith.subi %sign3A_109, %sign3A_112 : i32
      %sign3A_114 = arith.constant 0 : i32
      %sign3A_115 = arith.cmpi sgt, %jit3A_105, %sign3A_114 : i32
      %sign3A_116 = arith.extui %sign3A_115 : i1 to i32
      %sign3A_117 = arith.constant 0 : i32
      %sign3A_118 = arith.cmpi slt, %jit3A_105, %sign3A_117 : i32
      %sign3A_119 = arith.extui %sign3A_118 : i1 to i32
      %sign3A_120 = arith.subi %sign3A_116, %sign3A_119 : i32
      %ne3A_121 = arith.cmpi ne, %sign3A_113, %sign3A_120 : i32
      %rem3A_122 = arith.remsi %add3A_56, %jit3A_105 : i32
      %ne3A_123 = arith.constant 0 : i32
      %ne3A_124 = arith.cmpi ne, %rem3A_122, %ne3A_123 : i32
      %and3A_125 = arith.andi %ne3A_121, %ne3A_124 : i1
      %sub3A_126 = arith.constant 1 : i32
      %sub3A_127 = arith.subi %div3A_106, %sub3A_126 : i32
      %select_n3A_128 = arith.select %and3A_125, %sub3A_127, %div3A_106 : i32
      %mul3A_129 = arith.constant 50000 : i32
      %mul3A_130 = arith.muli %select_n3A_128, %mul3A_129 : i32
      %add3A_131 = arith.constant 36000 : i32
      %add3A_132 = arith.addi %mul3A_130, %add3A_131 : i32
      %jit3A_133 = arith.constant 14000 : i32
      %eq3A_134 = arith.constant 0 : i32
      %eq3A_135 = arith.cmpi eq, %jit3A_133, %eq3A_134 : i32
      %jit3A_136 = arith.constant 1 : i32
      %select_n3A_137 = arith.select %eq3A_135, %jit3A_136, %jit3A_133 : i32
      %rem3A_138 = arith.remsi %add3A_56, %select_n3A_137 : i32
      %ne3A_139 = arith.constant 0 : i32
      %ne3A_140 = arith.cmpi ne, %rem3A_138, %ne3A_139 : i32
      %lt3A_141 = arith.constant 0 : i32
      %lt3A_142 = arith.cmpi slt, %rem3A_138, %lt3A_141 : i32
      %lt3A_143 = arith.constant 0 : i32
      %lt3A_144 = arith.cmpi slt, %select_n3A_137, %lt3A_143 : i32
      %ne3A_145 = arith.xori %lt3A_142, %lt3A_144 : i1
      %and3A_146 = arith.andi %ne3A_145, %ne3A_140 : i1
      %add3A_147 = arith.addi %rem3A_138, %select_n3A_137 : i32
      %select_n3A_148 = arith.select %and3A_146, %add3A_147, %rem3A_138 : i32
      %add3A_149 = arith.addi %add3A_132, %select_n3A_148 : i32
      "tpu.region"() ({
        %run_scoped3A = tpu.sem_alloc : memref<!tpu.dma_semaphore, #tpu.memory_space<semaphore_mem>>
        %dma_start3A_159 = tpu.memref_slice %arg2[%add3A_149] : memref<800000xi32, #tpu.memory_space<hbm>> -> memref<200xi32, #tpu.memory_space<hbm>>
        %dma_start3A_160 = tpu.memref_slice %arg2[%add3A_149] : memref<800000xi32, #tpu.memory_space<hbm>> -> memref<200xi32, #tpu.memory_space<hbm>>
        tpu.enqueue_dma source(%dma_start3A_160 : memref<200xi32, #tpu.memory_space<hbm>>) target(%arg6 : memref<200xi32, #tpu.memory_space<vmem>>) target_semaphore(%run_scoped3A : memref<!tpu.dma_semaphore, #tpu.memory_space<semaphore_mem>>)
        %dma_wait3A_161 = tpu.memref_slice %arg2[%add3A_149] : memref<800000xi32, #tpu.memory_space<hbm>> -> memref<200xi32, #tpu.memory_space<hbm>>
        %dma_wait3A_162 = tpu.memref_slice %arg2[%add3A_149] : memref<800000xi32, #tpu.memory_space<hbm>> -> memref<200xi32, #tpu.memory_space<hbm>>
        tpu.wait_dma2 semaphore(%run_scoped3A : memref<!tpu.dma_semaphore, #tpu.memory_space<semaphore_mem>>) src(%dma_wait3A_162 : memref<200xi32, #tpu.memory_space<hbm>>) dst(%arg6 : memref<200xi32, #tpu.memory_space<vmem>>)
        tpu.yield
      }) : () -> ()
      %dma_wait3A_150 = arith.constant 0 : i32
      %dma_wait3A_151 = arith.constant 0 : i32
      %dma_wait3A_152 = tpu.memref_slice %arg3[%dma_wait3A_150, %dma_wait3A_151] : memref<50000x128xf32, #tpu.memory_space<hbm>> -> memref<50000x128xf32, #tpu.memory_space<hbm>>
      tpu.wait_indirect_dma semaphore(%arg9 : memref<!tpu.dma_semaphore, #tpu.memory_space<semaphore_mem>>) src(%dma_wait3A_152 : memref<50000x128xf32, #tpu.memory_space<hbm>>) dst(%arg7 : memref<200x128xf32, #tpu.memory_space<vmem>>)
      %dma_start3A_153 = arith.constant 0 : i32
      %dma_start3A_154 = arith.constant 0 : i32
      %dma_start3A_155 = tpu.memref_slice %arg3[%dma_start3A_153, %dma_start3A_154] : memref<50000x128xf32, #tpu.memory_space<hbm>> -> memref<50000x128xf32, #tpu.memory_space<hbm>>
      tpu.enqueue_indirect_dma source(%dma_start3A_155 : memref<50000x128xf32, #tpu.memory_space<hbm>>) target(%arg8 : memref<200x128xf32, #tpu.memory_space<vmem>>) offsets(%arg6 : memref<200xi32, #tpu.memory_space<vmem>>) semaphore(%arg10 : memref<!tpu.dma_semaphore, #tpu.memory_space<semaphore_mem>>)
      "tpu.region"() ({
        %run_scoped3A = tpu.sem_alloc : memref<!tpu.dma_semaphore, #tpu.memory_space<semaphore_mem>>
        %dma_start3A_159 = arith.constant 0 : i32
        %dma_start3A_160 = tpu.memref_slice %arg4[%add3A_54, %dma_start3A_159] : memref<224000x128xf32, #tpu.memory_space<hbm>> -> memref<200x128xf32, #tpu.memory_space<hbm>>
        %dma_start3A_161 = arith.constant 0 : i32
        %dma_start3A_162 = tpu.memref_slice %arg4[%add3A_54, %dma_start3A_161] : memref<224000x128xf32, #tpu.memory_space<hbm>> -> memref<200x128xf32, #tpu.memory_space<hbm>>
        tpu.enqueue_dma source(%arg7 : memref<200x128xf32, #tpu.memory_space<vmem>>) target(%dma_start3A_162 : memref<200x128xf32, #tpu.memory_space<hbm>>) target_semaphore(%run_scoped3A : memref<!tpu.dma_semaphore, #tpu.memory_space<semaphore_mem>>)
        %dma_wait3A_163 = arith.constant 0 : i32
        %dma_wait3A_164 = tpu.memref_slice %arg4[%add3A_54, %dma_wait3A_163] : memref<224000x128xf32, #tpu.memory_space<hbm>> -> memref<200x128xf32, #tpu.memory_space<hbm>>
        %dma_wait3A_165 = arith.constant 0 : i32
        %dma_wait3A_166 = tpu.memref_slice %arg4[%add3A_54, %dma_wait3A_165] : memref<224000x128xf32, #tpu.memory_space<hbm>> -> memref<200x128xf32, #tpu.memory_space<hbm>>
        tpu.wait_dma2 semaphore(%run_scoped3A : memref<!tpu.dma_semaphore, #tpu.memory_space<semaphore_mem>>) src(%arg7 : memref<200x128xf32, #tpu.memory_space<vmem>>) dst(%dma_wait3A_166 : memref<200x128xf32, #tpu.memory_space<hbm>>)
        tpu.yield
      }) : () -> ()
      %dma_wait3A_156 = arith.constant 0 : i32
      %dma_wait3A_157 = arith.constant 0 : i32
      %dma_wait3A_158 = tpu.memref_slice %arg3[%dma_wait3A_156, %dma_wait3A_157] : memref<50000x128xf32, #tpu.memory_space<hbm>> -> memref<50000x128xf32, #tpu.memory_space<hbm>>
      tpu.wait_indirect_dma semaphore(%arg10 : memref<!tpu.dma_semaphore, #tpu.memory_space<semaphore_mem>>) src(%dma_wait3A_158 : memref<50000x128xf32, #tpu.memory_space<hbm>>) dst(%arg8 : memref<200x128xf32, #tpu.memory_space<vmem>>)
      "tpu.region"() ({
        %run_scoped3A = tpu.sem_alloc : memref<!tpu.dma_semaphore, #tpu.memory_space<semaphore_mem>>
        %dma_start3A_159 = arith.constant 0 : i32
        %dma_start3A_160 = tpu.memref_slice %arg4[%add3A_56, %dma_start3A_159] : memref<224000x128xf32, #tpu.memory_space<hbm>> -> memref<200x128xf32, #tpu.memory_space<hbm>>
        %dma_start3A_161 = arith.constant 0 : i32
        %dma_start3A_162 = tpu.memref_slice %arg4[%add3A_56, %dma_start3A_161] : memref<224000x128xf32, #tpu.memory_space<hbm>> -> memref<200x128xf32, #tpu.memory_space<hbm>>
        tpu.enqueue_dma source(%arg8 : memref<200x128xf32, #tpu.memory_space<vmem>>) target(%dma_start3A_162 : memref<200x128xf32, #tpu.memory_space<hbm>>) target_semaphore(%run_scoped3A : memref<!tpu.dma_semaphore, #tpu.memory_space<semaphore_mem>>)
        %dma_wait3A_163 = arith.constant 0 : i32
        %dma_wait3A_164 = tpu.memref_slice %arg4[%add3A_56, %dma_wait3A_163] : memref<224000x128xf32, #tpu.memory_space<hbm>> -> memref<200x128xf32, #tpu.memory_space<hbm>>
        %dma_wait3A_165 = arith.constant 0 : i32
        %dma_wait3A_166 = tpu.memref_slice %arg4[%add3A_56, %dma_wait3A_165] : memref<224000x128xf32, #tpu.memory_space<hbm>> -> memref<200x128xf32, #tpu.memory_space<hbm>>
        tpu.wait_dma2 semaphore(%run_scoped3A : memref<!tpu.dma_semaphore, #tpu.memory_space<semaphore_mem>>) src(%arg8 : memref<200x128xf32, #tpu.memory_space<vmem>>) dst(%dma_wait3A_166 : memref<200x128xf32, #tpu.memory_space<hbm>>)
        tpu.yield
      }) : () -> ()
    }
    %scan3A_7 = arith.constant 17 : i32
    %add3A_8 = arith.constant 6800 : i32
    %add3A_9 = arith.addi %mul3A_2, %add3A_8 : i32
    %jit3A = arith.constant 14000 : i32
    %div3A = arith.divsi %add3A_9, %jit3A : i32
    %sign3A = arith.constant 0 : i32
    %sign3A_10 = arith.cmpi sgt, %add3A_9, %sign3A : i32
    %sign3A_11 = arith.extui %sign3A_10 : i1 to i32
    %sign3A_12 = arith.constant 0 : i32
    %sign3A_13 = arith.cmpi slt, %add3A_9, %sign3A_12 : i32
    %sign3A_14 = arith.extui %sign3A_13 : i1 to i32
    %sign3A_15 = arith.subi %sign3A_11, %sign3A_14 : i32
    %sign3A_16 = arith.constant 0 : i32
    %sign3A_17 = arith.cmpi sgt, %jit3A, %sign3A_16 : i32
    %sign3A_18 = arith.extui %sign3A_17 : i1 to i32
    %sign3A_19 = arith.constant 0 : i32
    %sign3A_20 = arith.cmpi slt, %jit3A, %sign3A_19 : i32
    %sign3A_21 = arith.extui %sign3A_20 : i1 to i32
    %sign3A_22 = arith.subi %sign3A_18, %sign3A_21 : i32
    %ne3A = arith.cmpi ne, %sign3A_15, %sign3A_22 : i32
    %rem3A = arith.remsi %add3A_9, %jit3A : i32
    %ne3A_23 = arith.constant 0 : i32
    %ne3A_24 = arith.cmpi ne, %rem3A, %ne3A_23 : i32
    %and3A = arith.andi %ne3A, %ne3A_24 : i1
    %sub3A = arith.constant 1 : i32
    %sub3A_25 = arith.subi %div3A, %sub3A : i32
    %select_n3A = arith.select %and3A, %sub3A_25, %div3A : i32
    %mul3A_26 = arith.constant 50000 : i32
    %mul3A_27 = arith.muli %select_n3A, %mul3A_26 : i32
    %add3A_28 = arith.constant 36000 : i32
    %add3A_29 = arith.addi %mul3A_27, %add3A_28 : i32
    %jit3A_30 = arith.constant 14000 : i32
    %eq3A = arith.constant 0 : i32
    %eq3A_31 = arith.cmpi eq, %jit3A_30, %eq3A : i32
    %jit3A_32 = arith.constant 1 : i32
    %select_n3A_33 = arith.select %eq3A_31, %jit3A_32, %jit3A_30 : i32
    %rem3A_34 = arith.remsi %add3A_9, %select_n3A_33 : i32
    %ne3A_35 = arith.constant 0 : i32
    %ne3A_36 = arith.cmpi ne, %rem3A_34, %ne3A_35 : i32
    %lt3A = arith.constant 0 : i32
    %lt3A_37 = arith.cmpi slt, %rem3A_34, %lt3A : i32
    %lt3A_38 = arith.constant 0 : i32
    %lt3A_39 = arith.cmpi slt, %select_n3A_33, %lt3A_38 : i32
    %ne3A_40 = arith.xori %lt3A_37, %lt3A_39 : i1
    %and3A_41 = arith.andi %ne3A_40, %ne3A_36 : i1
    %add3A_42 = arith.addi %rem3A_34, %select_n3A_33 : i32
    %select_n3A_43 = arith.select %and3A_41, %add3A_42, %rem3A_34 : i32
    %add3A_44 = arith.addi %add3A_29, %select_n3A_43 : i32
    "tpu.region"() ({
      %run_scoped3A = tpu.sem_alloc : memref<!tpu.dma_semaphore, #tpu.memory_space<semaphore_mem>>
      %dma_start3A_49 = tpu.memref_slice %arg2[%add3A_44] : memref<800000xi32, #tpu.memory_space<hbm>> -> memref<200xi32, #tpu.memory_space<hbm>>
      %dma_start3A_50 = tpu.memref_slice %arg2[%add3A_44] : memref<800000xi32, #tpu.memory_space<hbm>> -> memref<200xi32, #tpu.memory_space<hbm>>
      tpu.enqueue_dma source(%dma_start3A_50 : memref<200xi32, #tpu.memory_space<hbm>>) target(%arg5 : memref<200xi32, #tpu.memory_space<vmem>>) target_semaphore(%run_scoped3A : memref<!tpu.dma_semaphore, #tpu.memory_space<semaphore_mem>>)
      %dma_wait3A_51 = tpu.memref_slice %arg2[%add3A_44] : memref<800000xi32, #tpu.memory_space<hbm>> -> memref<200xi32, #tpu.memory_space<hbm>>
      %dma_wait3A_52 = tpu.memref_slice %arg2[%add3A_44] : memref<800000xi32, #tpu.memory_space<hbm>> -> memref<200xi32, #tpu.memory_space<hbm>>
      tpu.wait_dma2 semaphore(%run_scoped3A : memref<!tpu.dma_semaphore, #tpu.memory_space<semaphore_mem>>) src(%dma_wait3A_52 : memref<200xi32, #tpu.memory_space<hbm>>) dst(%arg5 : memref<200xi32, #tpu.memory_space<vmem>>)
      tpu.yield
    }) : () -> ()
    %dma_start3A = arith.constant 0 : i32
    %dma_start3A_45 = arith.constant 0 : i32
    %dma_start3A_46 = tpu.memref_slice %arg3[%dma_start3A, %dma_start3A_45] : memref<50000x128xf32, #tpu.memory_space<hbm>> -> memref<50000x128xf32, #tpu.memory_space<hbm>>
    tpu.enqueue_indirect_dma source(%dma_start3A_46 : memref<50000x128xf32, #tpu.memory_space<hbm>>) target(%arg7 : memref<200x128xf32, #tpu.memory_space<vmem>>) offsets(%arg5 : memref<200xi32, #tpu.memory_space<vmem>>) semaphore(%arg9 : memref<!tpu.dma_semaphore, #tpu.memory_space<semaphore_mem>>)
    %dma_wait3A = arith.constant 0 : i32
    %dma_wait3A_47 = arith.constant 0 : i32
    %dma_wait3A_48 = tpu.memref_slice %arg3[%dma_wait3A, %dma_wait3A_47] : memref<50000x128xf32, #tpu.memory_space<hbm>> -> memref<50000x128xf32, #tpu.memory_space<hbm>>
    tpu.wait_indirect_dma semaphore(%arg9 : memref<!tpu.dma_semaphore, #tpu.memory_space<semaphore_mem>>) src(%dma_wait3A_48 : memref<50000x128xf32, #tpu.memory_space<hbm>>) dst(%arg7 : memref<200x128xf32, #tpu.memory_space<vmem>>)
    "tpu.region"() ({
      %run_scoped3A = tpu.sem_alloc : memref<!tpu.dma_semaphore, #tpu.memory_space<semaphore_mem>>
      %dma_start3A_49 = arith.constant 0 : i32
      %dma_start3A_50 = tpu.memref_slice %arg4[%add3A_9, %dma_start3A_49] : memref<224000x128xf32, #tpu.memory_space<hbm>> -> memref<200x128xf32, #tpu.memory_space<hbm>>
      %dma_start3A_51 = arith.constant 0 : i32
      %dma_start3A_52 = tpu.memref_slice %arg4[%add3A_9, %dma_start3A_51] : memref<224000x128xf32, #tpu.memory_space<hbm>> -> memref<200x128xf32, #tpu.memory_space<hbm>>
      tpu.enqueue_dma source(%arg7 : memref<200x128xf32, #tpu.memory_space<vmem>>) target(%dma_start3A_52 : memref<200x128xf32, #tpu.memory_space<hbm>>) target_semaphore(%run_scoped3A : memref<!tpu.dma_semaphore, #tpu.memory_space<semaphore_mem>>)
      %dma_wait3A_53 = arith.constant 0 : i32
      %dma_wait3A_54 = tpu.memref_slice %arg4[%add3A_9, %dma_wait3A_53] : memref<224000x128xf32, #tpu.memory_space<hbm>> -> memref<200x128xf32, #tpu.memory_space<hbm>>
      %dma_wait3A_55 = arith.constant 0 : i32
      %dma_wait3A_56 = tpu.memref_slice %arg4[%add3A_9, %dma_wait3A_55] : memref<224000x128xf32, #tpu.memory_space<hbm>> -> memref<200x128xf32, #tpu.memory_space<hbm>>
      tpu.wait_dma2 semaphore(%run_scoped3A : memref<!tpu.dma_semaphore, #tpu.memory_space<semaphore_mem>>) src(%arg7 : memref<200x128xf32, #tpu.memory_space<vmem>>) dst(%dma_wait3A_56 : memref<200x128xf32, #tpu.memory_space<hbm>>)
      tpu.yield
    }) : () -> ()
    return
  }
}

#map = affine_map<(d0, d1) -> (0)>
#map1 = affine_map<(d0, d1) -> (0, 0)>
module attributes {stable_mosaic.version = 14 : i64} {
  func.func @body(%arg0: i32, %arg1: i32, %arg2: memref<800000xi32, #tpu.memory_space<hbm>>, %arg3: memref<50000x128xf32, #tpu.memory_space<hbm>>, %arg4: memref<224000x128xf32, #tpu.memory_space<hbm>>, %arg5: memref<200xi32, #tpu.memory_space<vmem>>, %arg6: memref<200xi32, #tpu.memory_space<vmem>>, %arg7: memref<200x128xf32, #tpu.memory_space<vmem>>, %arg8: memref<200x128xf32, #tpu.memory_space<vmem>>, %arg9: memref<!tpu.dma_semaphore, #tpu.memory_space<semaphore_mem>>, %arg10: memref<!tpu.dma_semaphore, #tpu.memory_space<semaphore_mem>>) attributes {dimension_semantics = [#tpu.dimension_semantics<core_parallel>, #tpu.dimension_semantics<subcore_parallel>], iteration_bounds = array<i64: 2, 16>, scalar_prefetch = 0 : i64, scratch_operands = 6 : i64, tpu.core_type = #tpu.core_type<sc_vector_subcore>, window_params = [{transform_indices = #map}, {transform_indices = #map1}, {transform_indices = #map1}]} {
    %mul3A = arith.constant 2 : i32
    %mul3A_0 = arith.muli %arg1, %mul3A : i32
    %add3A = arith.addi %mul3A_0, %arg0 : i32
    %mul3A_1 = arith.constant 7000 : i32
    %mul3A_2 = arith.muli %add3A, %mul3A_1 : i32
    %scan3A = arith.constant 0 : i32
    %scan3A_3 = arith.constant 0 : i32
    %scan3A_4 = arith.constant 17 : i32
    %scan3A_5 = arith.addi %scan3A_3, %scan3A_4 : i32
    %scan3A_6 = arith.constant 1 : i32
    scf.for %scan3A_49 = %scan3A_3 to %scan3A_5 step %scan3A_6  : i32 {
      %mul3A_50 = arith.constant 2 : i32
      %mul3A_51 = arith.muli %mul3A_50, %scan3A_49 : i32
      %mul3A_52 = arith.constant 200 : i32
      %mul3A_53 = arith.muli %mul3A_51, %mul3A_52 : i32
      %add3A_54 = arith.addi %mul3A_2, %mul3A_53 : i32
      %add3A_55 = arith.constant 200 : i32
      %add3A_56 = arith.addi %add3A_54, %add3A_55 : i32
      %jit3A_57 = arith.constant 14000 : i32
      %div3A_58 = arith.divsi %add3A_54, %jit3A_57 : i32
      %sign3A_59 = arith.constant 0 : i32
      %sign3A_60 = arith.cmpi sgt, %add3A_54, %sign3A_59 : i32
      %sign3A_61 = arith.extui %sign3A_60 : i1 to i32
      %sign3A_62 = arith.constant 0 : i32
      %sign3A_63 = arith.cmpi slt, %add3A_54, %sign3A_62 : i32
      %sign3A_64 = arith.extui %sign3A_63 : i1 to i32
      %sign3A_65 = arith.subi %sign3A_61, %sign3A_64 : i32
      %sign3A_66 = arith.constant 0 : i32
      %sign3A_67 = arith.cmpi sgt, %jit3A_57, %sign3A_66 : i32
      %sign3A_68 = arith.extui %sign3A_67 : i1 to i32
      %sign3A_69 = arith.constant 0 : i32
      %sign3A_70 = arith.cmpi slt, %jit3A_57, %sign3A_69 : i32
      %sign3A_71 = arith.extui %sign3A_70 : i1 to i32
      %sign3A_72 = arith.subi %sign3A_68, %sign3A_71 : i32
      %ne3A_73 = arith.cmpi ne, %sign3A_65, %sign3A_72 : i32
      %rem3A_74 = arith.remsi %add3A_54, %jit3A_57 : i32
      %ne3A_75 = arith.constant 0 : i32
      %ne3A_76 = arith.cmpi ne, %rem3A_74, %ne3A_75 : i32
      %and3A_77 = arith.andi %ne3A_73, %ne3A_76 : i1
      %sub3A_78 = arith.constant 1 : i32
      %sub3A_79 = arith.subi %div3A_58, %sub3A_78 : i32
      %select_n3A_80 = arith.select %and3A_77, %sub3A_79, %div3A_58 : i32
      %mul3A_81 = arith.constant 50000 : i32
      %mul3A_82 = arith.muli %select_n3A_80, %mul3A_81 : i32
      %add3A_83 = arith.constant 8000 : i32
      %add3A_84 = arith.addi %mul3A_82, %add3A_83 : i32
      %jit3A_85 = arith.constant 14000 : i32
      %eq3A_86 = arith.constant 0 : i32
      %eq3A_87 = arith.cmpi eq, %jit3A_85, %eq3A_86 : i32
      %jit3A_88 = arith.constant 1 : i32
      %select_n3A_89 = arith.select %eq3A_87, %jit3A_88, %jit3A_85 : i32
      %rem3A_90 = arith.remsi %add3A_54, %select_n3A_89 : i32
      %ne3A_91 = arith.constant 0 : i32
      %ne3A_92 = arith.cmpi ne, %rem3A_90, %ne3A_91 : i32
      %lt3A_93 = arith.constant 0 : i32
      %lt3A_94 = arith.cmpi slt, %rem3A_90, %lt3A_93 : i32
      %lt3A_95 = arith.constant 0 : i32
      %lt3A_96 = arith.cmpi slt, %select_n3A_89, %lt3A_95 : i32
      %ne3A_97 = arith.xori %lt3A_94, %lt3A_96 : i1
      %and3A_98 = arith.andi %ne3A_97, %ne3A_92 : i1
      %add3A_99 = arith.addi %rem3A_90, %select_n3A_89 : i32
      %select_n3A_100 = arith.select %and3A_98, %add3A_99, %rem3A_90 : i32
      %add3A_101 = arith.addi %add3A_84, %select_n3A_100 : i32
      "tpu.region"() ({
        %run_scoped3A = tpu.sem_alloc : memref<!tpu.dma_semaphore, #tpu.memory_space<semaphore_mem>>
        %dma_start3A_159 = tpu.memref_slice %arg2[%add3A_101] : memref<800000xi32, #tpu.memory_space<hbm>> -> memref<200xi32, #tpu.memory_space<hbm>>
        %dma_start3A_160 = tpu.memref_slice %arg2[%add3A_101] : memref<800000xi32, #tpu.memory_space<hbm>> -> memref<200xi32, #tpu.memory_space<hbm>>
        tpu.enqueue_dma source(%dma_start3A_160 : memref<200xi32, #tpu.memory_space<hbm>>) target(%arg5 : memref<200xi32, #tpu.memory_space<vmem>>) target_semaphore(%run_scoped3A : memref<!tpu.dma_semaphore, #tpu.memory_space<semaphore_mem>>)
        %dma_wait3A_161 = tpu.memref_slice %arg2[%add3A_101] : memref<800000xi32, #tpu.memory_space<hbm>> -> memref<200xi32, #tpu.memory_space<hbm>>
        %dma_wait3A_162 = tpu.memref_slice %arg2[%add3A_101] : memref<800000xi32, #tpu.memory_space<hbm>> -> memref<200xi32, #tpu.memory_space<hbm>>
        tpu.wait_dma2 semaphore(%run_scoped3A : memref<!tpu.dma_semaphore, #tpu.memory_space<semaphore_mem>>) src(%dma_wait3A_162 : memref<200xi32, #tpu.memory_space<hbm>>) dst(%arg5 : memref<200xi32, #tpu.memory_space<vmem>>)
        tpu.yield
      }) : () -> ()
      %dma_start3A_102 = arith.constant 0 : i32
      %dma_start3A_103 = arith.constant 0 : i32
      %dma_start3A_104 = tpu.memref_slice %arg3[%dma_start3A_102, %dma_start3A_103] : memref<50000x128xf32, #tpu.memory_space<hbm>> -> memref<50000x128xf32, #tpu.memory_space<hbm>>
      tpu.enqueue_indirect_dma source(%dma_start3A_104 : memref<50000x128xf32, #tpu.memory_space<hbm>>) target(%arg7 : memref<200x128xf32, #tpu.memory_space<vmem>>) offsets(%arg5 : memref<200xi32, #tpu.memory_space<vmem>>) semaphore(%arg9 : memref<!tpu.dma_semaphore, #tpu.memory_space<semaphore_mem>>)
      %jit3A_105 = arith.constant 14000 : i32
      %div3A_106 = arith.divsi %add3A_56, %jit3A_105 : i32
      %sign3A_107 = arith.constant 0 : i32
      %sign3A_108 = arith.cmpi sgt, %add3A_56, %sign3A_107 : i32
      %sign3A_109 = arith.extui %sign3A_108 : i1 to i32
      %sign3A_110 = arith.constant 0 : i32
      %sign3A_111 = arith.cmpi slt, %add3A_56, %sign3A_110 : i32
      %sign3A_112 = arith.extui %sign3A_111 : i1 to i32
      %sign3A_113 = arith.subi %sign3A_109, %sign3A_112 : i32
      %sign3A_114 = arith.constant 0 : i32
      %sign3A_115 = arith.cmpi sgt, %jit3A_105, %sign3A_114 : i32
      %sign3A_116 = arith.extui %sign3A_115 : i1 to i32
      %sign3A_117 = arith.constant 0 : i32
      %sign3A_118 = arith.cmpi slt, %jit3A_105, %sign3A_117 : i32
      %sign3A_119 = arith.extui %sign3A_118 : i1 to i32
      %sign3A_120 = arith.subi %sign3A_116, %sign3A_119 : i32
      %ne3A_121 = arith.cmpi ne, %sign3A_113, %sign3A_120 : i32
      %rem3A_122 = arith.remsi %add3A_56, %jit3A_105 : i32
      %ne3A_123 = arith.constant 0 : i32
      %ne3A_124 = arith.cmpi ne, %rem3A_122, %ne3A_123 : i32
      %and3A_125 = arith.andi %ne3A_121, %ne3A_124 : i1
      %sub3A_126 = arith.constant 1 : i32
      %sub3A_127 = arith.subi %div3A_106, %sub3A_126 : i32
      %select_n3A_128 = arith.select %and3A_125, %sub3A_127, %div3A_106 : i32
      %mul3A_129 = arith.constant 50000 : i32
      %mul3A_130 = arith.muli %select_n3A_128, %mul3A_129 : i32
      %add3A_131 = arith.constant 8000 : i32
      %add3A_132 = arith.addi %mul3A_130, %add3A_131 : i32
      %jit3A_133 = arith.constant 14000 : i32
      %eq3A_134 = arith.constant 0 : i32
      %eq3A_135 = arith.cmpi eq, %jit3A_133, %eq3A_134 : i32
      %jit3A_136 = arith.constant 1 : i32
      %select_n3A_137 = arith.select %eq3A_135, %jit3A_136, %jit3A_133 : i32
      %rem3A_138 = arith.remsi %add3A_56, %select_n3A_137 : i32
      %ne3A_139 = arith.constant 0 : i32
      %ne3A_140 = arith.cmpi ne, %rem3A_138, %ne3A_139 : i32
      %lt3A_141 = arith.constant 0 : i32
      %lt3A_142 = arith.cmpi slt, %rem3A_138, %lt3A_141 : i32
      %lt3A_143 = arith.constant 0 : i32
      %lt3A_144 = arith.cmpi slt, %select_n3A_137, %lt3A_143 : i32
      %ne3A_145 = arith.xori %lt3A_142, %lt3A_144 : i1
      %and3A_146 = arith.andi %ne3A_145, %ne3A_140 : i1
      %add3A_147 = arith.addi %rem3A_138, %select_n3A_137 : i32
      %select_n3A_148 = arith.select %and3A_146, %add3A_147, %rem3A_138 : i32
      %add3A_149 = arith.addi %add3A_132, %select_n3A_148 : i32
      "tpu.region"() ({
        %run_scoped3A = tpu.sem_alloc : memref<!tpu.dma_semaphore, #tpu.memory_space<semaphore_mem>>
        %dma_start3A_159 = tpu.memref_slice %arg2[%add3A_149] : memref<800000xi32, #tpu.memory_space<hbm>> -> memref<200xi32, #tpu.memory_space<hbm>>
        %dma_start3A_160 = tpu.memref_slice %arg2[%add3A_149] : memref<800000xi32, #tpu.memory_space<hbm>> -> memref<200xi32, #tpu.memory_space<hbm>>
        tpu.enqueue_dma source(%dma_start3A_160 : memref<200xi32, #tpu.memory_space<hbm>>) target(%arg6 : memref<200xi32, #tpu.memory_space<vmem>>) target_semaphore(%run_scoped3A : memref<!tpu.dma_semaphore, #tpu.memory_space<semaphore_mem>>)
        %dma_wait3A_161 = tpu.memref_slice %arg2[%add3A_149] : memref<800000xi32, #tpu.memory_space<hbm>> -> memref<200xi32, #tpu.memory_space<hbm>>
        %dma_wait3A_162 = tpu.memref_slice %arg2[%add3A_149] : memref<800000xi32, #tpu.memory_space<hbm>> -> memref<200xi32, #tpu.memory_space<hbm>>
        tpu.wait_dma2 semaphore(%run_scoped3A : memref<!tpu.dma_semaphore, #tpu.memory_space<semaphore_mem>>) src(%dma_wait3A_162 : memref<200xi32, #tpu.memory_space<hbm>>) dst(%arg6 : memref<200xi32, #tpu.memory_space<vmem>>)
        tpu.yield
      }) : () -> ()
      %dma_wait3A_150 = arith.constant 0 : i32
      %dma_wait3A_151 = arith.constant 0 : i32
      %dma_wait3A_152 = tpu.memref_slice %arg3[%dma_wait3A_150, %dma_wait3A_151] : memref<50000x128xf32, #tpu.memory_space<hbm>> -> memref<50000x128xf32, #tpu.memory_space<hbm>>
      tpu.wait_indirect_dma semaphore(%arg9 : memref<!tpu.dma_semaphore, #tpu.memory_space<semaphore_mem>>) src(%dma_wait3A_152 : memref<50000x128xf32, #tpu.memory_space<hbm>>) dst(%arg7 : memref<200x128xf32, #tpu.memory_space<vmem>>)
      %dma_start3A_153 = arith.constant 0 : i32
      %dma_start3A_154 = arith.constant 0 : i32
      %dma_start3A_155 = tpu.memref_slice %arg3[%dma_start3A_153, %dma_start3A_154] : memref<50000x128xf32, #tpu.memory_space<hbm>> -> memref<50000x128xf32, #tpu.memory_space<hbm>>
      tpu.enqueue_indirect_dma source(%dma_start3A_155 : memref<50000x128xf32, #tpu.memory_space<hbm>>) target(%arg8 : memref<200x128xf32, #tpu.memory_space<vmem>>) offsets(%arg6 : memref<200xi32, #tpu.memory_space<vmem>>) semaphore(%arg10 : memref<!tpu.dma_semaphore, #tpu.memory_space<semaphore_mem>>)
      "tpu.region"() ({
        %run_scoped3A = tpu.sem_alloc : memref<!tpu.dma_semaphore, #tpu.memory_space<semaphore_mem>>
        %dma_start3A_159 = arith.constant 0 : i32
        %dma_start3A_160 = tpu.memref_slice %arg4[%add3A_54, %dma_start3A_159] : memref<224000x128xf32, #tpu.memory_space<hbm>> -> memref<200x128xf32, #tpu.memory_space<hbm>>
        %dma_start3A_161 = arith.constant 0 : i32
        %dma_start3A_162 = tpu.memref_slice %arg4[%add3A_54, %dma_start3A_161] : memref<224000x128xf32, #tpu.memory_space<hbm>> -> memref<200x128xf32, #tpu.memory_space<hbm>>
        tpu.enqueue_dma source(%arg7 : memref<200x128xf32, #tpu.memory_space<vmem>>) target(%dma_start3A_162 : memref<200x128xf32, #tpu.memory_space<hbm>>) target_semaphore(%run_scoped3A : memref<!tpu.dma_semaphore, #tpu.memory_space<semaphore_mem>>)
        %dma_wait3A_163 = arith.constant 0 : i32
        %dma_wait3A_164 = tpu.memref_slice %arg4[%add3A_54, %dma_wait3A_163] : memref<224000x128xf32, #tpu.memory_space<hbm>> -> memref<200x128xf32, #tpu.memory_space<hbm>>
        %dma_wait3A_165 = arith.constant 0 : i32
        %dma_wait3A_166 = tpu.memref_slice %arg4[%add3A_54, %dma_wait3A_165] : memref<224000x128xf32, #tpu.memory_space<hbm>> -> memref<200x128xf32, #tpu.memory_space<hbm>>
        tpu.wait_dma2 semaphore(%run_scoped3A : memref<!tpu.dma_semaphore, #tpu.memory_space<semaphore_mem>>) src(%arg7 : memref<200x128xf32, #tpu.memory_space<vmem>>) dst(%dma_wait3A_166 : memref<200x128xf32, #tpu.memory_space<hbm>>)
        tpu.yield
      }) : () -> ()
      %dma_wait3A_156 = arith.constant 0 : i32
      %dma_wait3A_157 = arith.constant 0 : i32
      %dma_wait3A_158 = tpu.memref_slice %arg3[%dma_wait3A_156, %dma_wait3A_157] : memref<50000x128xf32, #tpu.memory_space<hbm>> -> memref<50000x128xf32, #tpu.memory_space<hbm>>
      tpu.wait_indirect_dma semaphore(%arg10 : memref<!tpu.dma_semaphore, #tpu.memory_space<semaphore_mem>>) src(%dma_wait3A_158 : memref<50000x128xf32, #tpu.memory_space<hbm>>) dst(%arg8 : memref<200x128xf32, #tpu.memory_space<vmem>>)
      "tpu.region"() ({
        %run_scoped3A = tpu.sem_alloc : memref<!tpu.dma_semaphore, #tpu.memory_space<semaphore_mem>>
        %dma_start3A_159 = arith.constant 0 : i32
        %dma_start3A_160 = tpu.memref_slice %arg4[%add3A_56, %dma_start3A_159] : memref<224000x128xf32, #tpu.memory_space<hbm>> -> memref<200x128xf32, #tpu.memory_space<hbm>>
        %dma_start3A_161 = arith.constant 0 : i32
        %dma_start3A_162 = tpu.memref_slice %arg4[%add3A_56, %dma_start3A_161] : memref<224000x128xf32, #tpu.memory_space<hbm>> -> memref<200x128xf32, #tpu.memory_space<hbm>>
        tpu.enqueue_dma source(%arg8 : memref<200x128xf32, #tpu.memory_space<vmem>>) target(%dma_start3A_162 : memref<200x128xf32, #tpu.memory_space<hbm>>) target_semaphore(%run_scoped3A : memref<!tpu.dma_semaphore, #tpu.memory_space<semaphore_mem>>)
        %dma_wait3A_163 = arith.constant 0 : i32
        %dma_wait3A_164 = tpu.memref_slice %arg4[%add3A_56, %dma_wait3A_163] : memref<224000x128xf32, #tpu.memory_space<hbm>> -> memref<200x128xf32, #tpu.memory_space<hbm>>
        %dma_wait3A_165 = arith.constant 0 : i32
        %dma_wait3A_166 = tpu.memref_slice %arg4[%add3A_56, %dma_wait3A_165] : memref<224000x128xf32, #tpu.memory_space<hbm>> -> memref<200x128xf32, #tpu.memory_space<hbm>>
        tpu.wait_dma2 semaphore(%run_scoped3A : memref<!tpu.dma_semaphore, #tpu.memory_space<semaphore_mem>>) src(%arg8 : memref<200x128xf32, #tpu.memory_space<vmem>>) dst(%dma_wait3A_166 : memref<200x128xf32, #tpu.memory_space<hbm>>)
        tpu.yield
      }) : () -> ()
    }
    %scan3A_7 = arith.constant 17 : i32
    %add3A_8 = arith.constant 6800 : i32
    %add3A_9 = arith.addi %mul3A_2, %add3A_8 : i32
    %jit3A = arith.constant 14000 : i32
    %div3A = arith.divsi %add3A_9, %jit3A : i32
    %sign3A = arith.constant 0 : i32
    %sign3A_10 = arith.cmpi sgt, %add3A_9, %sign3A : i32
    %sign3A_11 = arith.extui %sign3A_10 : i1 to i32
    %sign3A_12 = arith.constant 0 : i32
    %sign3A_13 = arith.cmpi slt, %add3A_9, %sign3A_12 : i32
    %sign3A_14 = arith.extui %sign3A_13 : i1 to i32
    %sign3A_15 = arith.subi %sign3A_11, %sign3A_14 : i32
    %sign3A_16 = arith.constant 0 : i32
    %sign3A_17 = arith.cmpi sgt, %jit3A, %sign3A_16 : i32
    %sign3A_18 = arith.extui %sign3A_17 : i1 to i32
    %sign3A_19 = arith.constant 0 : i32
    %sign3A_20 = arith.cmpi slt, %jit3A, %sign3A_19 : i32
    %sign3A_21 = arith.extui %sign3A_20 : i1 to i32
    %sign3A_22 = arith.subi %sign3A_18, %sign3A_21 : i32
    %ne3A = arith.cmpi ne, %sign3A_15, %sign3A_22 : i32
    %rem3A = arith.remsi %add3A_9, %jit3A : i32
    %ne3A_23 = arith.constant 0 : i32
    %ne3A_24 = arith.cmpi ne, %rem3A, %ne3A_23 : i32
    %and3A = arith.andi %ne3A, %ne3A_24 : i1
    %sub3A = arith.constant 1 : i32
    %sub3A_25 = arith.subi %div3A, %sub3A : i32
    %select_n3A = arith.select %and3A, %sub3A_25, %div3A : i32
    %mul3A_26 = arith.constant 50000 : i32
    %mul3A_27 = arith.muli %select_n3A, %mul3A_26 : i32
    %add3A_28 = arith.constant 8000 : i32
    %add3A_29 = arith.addi %mul3A_27, %add3A_28 : i32
    %jit3A_30 = arith.constant 14000 : i32
    %eq3A = arith.constant 0 : i32
    %eq3A_31 = arith.cmpi eq, %jit3A_30, %eq3A : i32
    %jit3A_32 = arith.constant 1 : i32
    %select_n3A_33 = arith.select %eq3A_31, %jit3A_32, %jit3A_30 : i32
    %rem3A_34 = arith.remsi %add3A_9, %select_n3A_33 : i32
    %ne3A_35 = arith.constant 0 : i32
    %ne3A_36 = arith.cmpi ne, %rem3A_34, %ne3A_35 : i32
    %lt3A = arith.constant 0 : i32
    %lt3A_37 = arith.cmpi slt, %rem3A_34, %lt3A : i32
    %lt3A_38 = arith.constant 0 : i32
    %lt3A_39 = arith.cmpi slt, %select_n3A_33, %lt3A_38 : i32
    %ne3A_40 = arith.xori %lt3A_37, %lt3A_39 : i1
    %and3A_41 = arith.andi %ne3A_40, %ne3A_36 : i1
    %add3A_42 = arith.addi %rem3A_34, %select_n3A_33 : i32
    %select_n3A_43 = arith.select %and3A_41, %add3A_42, %rem3A_34 : i32
    %add3A_44 = arith.addi %add3A_29, %select_n3A_43 : i32
    "tpu.region"() ({
      %run_scoped3A = tpu.sem_alloc : memref<!tpu.dma_semaphore, #tpu.memory_space<semaphore_mem>>
      %dma_start3A_49 = tpu.memref_slice %arg2[%add3A_44] : memref<800000xi32, #tpu.memory_space<hbm>> -> memref<200xi32, #tpu.memory_space<hbm>>
      %dma_start3A_50 = tpu.memref_slice %arg2[%add3A_44] : memref<800000xi32, #tpu.memory_space<hbm>> -> memref<200xi32, #tpu.memory_space<hbm>>
      tpu.enqueue_dma source(%dma_start3A_50 : memref<200xi32, #tpu.memory_space<hbm>>) target(%arg5 : memref<200xi32, #tpu.memory_space<vmem>>) target_semaphore(%run_scoped3A : memref<!tpu.dma_semaphore, #tpu.memory_space<semaphore_mem>>)
      %dma_wait3A_51 = tpu.memref_slice %arg2[%add3A_44] : memref<800000xi32, #tpu.memory_space<hbm>> -> memref<200xi32, #tpu.memory_space<hbm>>
      %dma_wait3A_52 = tpu.memref_slice %arg2[%add3A_44] : memref<800000xi32, #tpu.memory_space<hbm>> -> memref<200xi32, #tpu.memory_space<hbm>>
      tpu.wait_dma2 semaphore(%run_scoped3A : memref<!tpu.dma_semaphore, #tpu.memory_space<semaphore_mem>>) src(%dma_wait3A_52 : memref<200xi32, #tpu.memory_space<hbm>>) dst(%arg5 : memref<200xi32, #tpu.memory_space<vmem>>)
      tpu.yield
    }) : () -> ()
    %dma_start3A = arith.constant 0 : i32
    %dma_start3A_45 = arith.constant 0 : i32
    %dma_start3A_46 = tpu.memref_slice %arg3[%dma_start3A, %dma_start3A_45] : memref<50000x128xf32, #tpu.memory_space<hbm>> -> memref<50000x128xf32, #tpu.memory_space<hbm>>
    tpu.enqueue_indirect_dma source(%dma_start3A_46 : memref<50000x128xf32, #tpu.memory_space<hbm>>) target(%arg7 : memref<200x128xf32, #tpu.memory_space<vmem>>) offsets(%arg5 : memref<200xi32, #tpu.memory_space<vmem>>) semaphore(%arg9 : memref<!tpu.dma_semaphore, #tpu.memory_space<semaphore_mem>>)
    %dma_wait3A = arith.constant 0 : i32
    %dma_wait3A_47 = arith.constant 0 : i32
    %dma_wait3A_48 = tpu.memref_slice %arg3[%dma_wait3A, %dma_wait3A_47] : memref<50000x128xf32, #tpu.memory_space<hbm>> -> memref<50000x128xf32, #tpu.memory_space<hbm>>
    tpu.wait_indirect_dma semaphore(%arg9 : memref<!tpu.dma_semaphore, #tpu.memory_space<semaphore_mem>>) src(%dma_wait3A_48 : memref<50000x128xf32, #tpu.memory_space<hbm>>) dst(%arg7 : memref<200x128xf32, #tpu.memory_space<vmem>>)
    "tpu.region"() ({
      %run_scoped3A = tpu.sem_alloc : memref<!tpu.dma_semaphore, #tpu.memory_space<semaphore_mem>>
      %dma_start3A_49 = arith.constant 0 : i32
      %dma_start3A_50 = tpu.memref_slice %arg4[%add3A_9, %dma_start3A_49] : memref<224000x128xf32, #tpu.memory_space<hbm>> -> memref<200x128xf32, #tpu.memory_space<hbm>>
      %dma_start3A_51 = arith.constant 0 : i32
      %dma_start3A_52 = tpu.memref_slice %arg4[%add3A_9, %dma_start3A_51] : memref<224000x128xf32, #tpu.memory_space<hbm>> -> memref<200x128xf32, #tpu.memory_space<hbm>>
      tpu.enqueue_dma source(%arg7 : memref<200x128xf32, #tpu.memory_space<vmem>>) target(%dma_start3A_52 : memref<200x128xf32, #tpu.memory_space<hbm>>) target_semaphore(%run_scoped3A : memref<!tpu.dma_semaphore, #tpu.memory_space<semaphore_mem>>)
      %dma_wait3A_53 = arith.constant 0 : i32
      %dma_wait3A_54 = tpu.memref_slice %arg4[%add3A_9, %dma_wait3A_53] : memref<224000x128xf32, #tpu.memory_space<hbm>> -> memref<200x128xf32, #tpu.memory_space<hbm>>
      %dma_wait3A_55 = arith.constant 0 : i32
      %dma_wait3A_56 = tpu.memref_slice %arg4[%add3A_9, %dma_wait3A_55] : memref<224000x128xf32, #tpu.memory_space<hbm>> -> memref<200x128xf32, #tpu.memory_space<hbm>>
      tpu.wait_dma2 semaphore(%run_scoped3A : memref<!tpu.dma_semaphore, #tpu.memory_space<semaphore_mem>>) src(%arg7 : memref<200x128xf32, #tpu.memory_space<vmem>>) dst(%dma_wait3A_56 : memref<200x128xf32, #tpu.memory_space<hbm>>)
      tpu.yield
    }) : () -> ()
    return
  }
}

module attributes {stable_mosaic.version = 14 : i64} {
  func.func @_proj_body(%arg0: i32, %arg1: memref<2000x96xf32, #tpu.memory_space<vmem>>, %arg2: memref<2000x96xf32, #tpu.memory_space<vmem>>, %arg3: memref<2000x96xf32, #tpu.memory_space<vmem>>, %arg4: memref<2000x3xf32, #tpu.memory_space<vmem>>, %arg5: memref<96x96xf32, #tpu.memory_space<vmem>>, %arg6: memref<1x96xf32, #tpu.memory_space<vmem>>, %arg7: memref<1x96xf32, #tpu.memory_space<vmem>>, %arg8: memref<1x96xf32, #tpu.memory_space<vmem>>, %arg9: memref<96x96xf32, #tpu.memory_space<vmem>>, %arg10: memref<1x96xf32, #tpu.memory_space<vmem>>, %arg11: memref<1x96xf32, #tpu.memory_space<vmem>>, %arg12: memref<1x96xf32, #tpu.memory_space<vmem>>, %arg13: memref<96x96xf32, #tpu.memory_space<vmem>>, %arg14: memref<1x96xf32, #tpu.memory_space<vmem>>, %arg15: memref<96x12xf32, #tpu.memory_space<vmem>>, %arg16: memref<1x96xf32, #tpu.memory_space<vmem>>, %arg17: memref<1x12xf32, #tpu.memory_space<vmem>>, %arg18: memref<2000x128xf32, #tpu.memory_space<vmem>>, %arg19: memref<2000x12xf32, #tpu.memory_space<vmem>>) attributes {dimension_semantics = [#tpu.dimension_semantics<arbitrary>], iteration_bounds = array<i64: 25>, scalar_prefetch = 0 : i64, scratch_operands = 0 : i64, tpu.core_type = #tpu.core_type<tc>, window_params = [{transform_indices = @transform_0, window_bounds = array<i64: 2000, 96>}, {transform_indices = @transform_1, window_bounds = array<i64: 2000, 96>}, {transform_indices = @transform_2, window_bounds = array<i64: 2000, 96>}, {transform_indices = @transform_3, window_bounds = array<i64: 2000, 3>}, {pipeline_mode = #tpu.pipeline_mode<synchronous>, transform_indices = @transform_4, window_bounds = array<i64: 96, 96>}, {pipeline_mode = #tpu.pipeline_mode<synchronous>, transform_indices = @transform_5, window_bounds = array<i64: 1, 96>}, {pipeline_mode = #tpu.pipeline_mode<synchronous>, transform_indices = @transform_6, window_bounds = array<i64: 1, 96>}, {pipeline_mode = #tpu.pipeline_mode<synchronous>, transform_indices = @transform_7, window_bounds = array<i64: 1, 96>}, {pipeline_mode = #tpu.pipeline_mode<synchronous>, transform_indices = @transform_8, window_bounds = array<i64: 96, 96>}, {pipeline_mode = #tpu.pipeline_mode<synchronous>, transform_indices = @transform_9, window_bounds = array<i64: 1, 96>}, {pipeline_mode = #tpu.pipeline_mode<synchronous>, transform_indices = @transform_10, window_bounds = array<i64: 1, 96>}, {pipeline_mode = #tpu.pipeline_mode<synchronous>, transform_indices = @transform_11, window_bounds = array<i64: 1, 96>}, {pipeline_mode = #tpu.pipeline_mode<synchronous>, transform_indices = @transform_12, window_bounds = array<i64: 96, 96>}, {pipeline_mode = #tpu.pipeline_mode<synchronous>, transform_indices = @transform_13, window_bounds = array<i64: 1, 96>}, {pipeline_mode = #tpu.pipeline_mode<synchronous>, transform_indices = @transform_14, window_bounds = array<i64: 96, 12>}, {pipeline_mode = #tpu.pipeline_mode<synchronous>, transform_indices = @transform_15, window_bounds = array<i64: 1, 96>}, {pipeline_mode = #tpu.pipeline_mode<synchronous>, transform_indices = @transform_16, window_bounds = array<i64: 1, 12>}, {transform_indices = @transform_17, window_bounds = array<i64: 2000, 128>}, {transform_indices = @transform_18, window_bounds = array<i64: 2000, 12>}]} {
    %get3A = arith.constant 0 : index
    %get3A_0 = arith.constant 0 : index
    %get3A_1 = vector.load %arg1[%get3A, %get3A_0] : memref<2000x96xf32, #tpu.memory_space<vmem>>, vector<2000x96xf32>
    %get3A_2 = arith.constant 0 : index
    %get3A_3 = arith.constant 0 : index
    %get3A_4 = vector.load %arg2[%get3A_2, %get3A_3] : memref<2000x96xf32, #tpu.memory_space<vmem>>, vector<2000x96xf32>
    %get3A_5 = arith.constant 0 : index
    %get3A_6 = arith.constant 0 : index
    %get3A_7 = vector.load %arg3[%get3A_5, %get3A_6] : memref<2000x96xf32, #tpu.memory_space<vmem>>, vector<2000x96xf32>
    %get3A_8 = arith.constant 0 : index
    %get3A_9 = arith.constant 0 : index
    %get3A_10 = vector.load %arg6[%get3A_8, %get3A_9] : memref<1x96xf32, #tpu.memory_space<vmem>>, vector<1x96xf32>
    %get3A_11 = arith.constant 0 : index
    %get3A_12 = arith.constant 0 : index
    %get3A_13 = vector.load %arg6[%get3A_11, %get3A_12] : memref<1x96xf32, #tpu.memory_space<vmem>>, vector<1x96xf32>
    %reduce_sum3A = vector.shape_cast %get3A_13 : vector<1x96xf32> to vector<1x1x96xf32>
    %reduce_sum3A_14 = arith.constant dense<0.000000e+00> : vector<1xf32>
    %reduce_sum3A_15 = vector.multi_reduction <add>, %reduce_sum3A, %reduce_sum3A_14 [1, 2] : vector<1x1x96xf32> to vector<1xf32>
    %reduce_sum3A_16 = vector.shape_cast %reduce_sum3A_15 : vector<1xf32> to vector<1x1x1xf32>
    %reduce_sum3A_17 = vector.extract %reduce_sum3A_16[0, 0, 0] : f32 from vector<1x1x1xf32>
    %div3A = arith.constant 9.600000e+01 : f32
    %div3A_18 = arith.divf %reduce_sum3A_17, %div3A : f32
    %sub3A = vector.broadcast %div3A_18 : f32 to vector<1x96xf32>
    %sub3A_19 = arith.subf %get3A_10, %sub3A : vector<1x96xf32>
    %get3A_20 = arith.constant 0 : index
    %get3A_21 = arith.constant 0 : index
    %get3A_22 = vector.load %arg10[%get3A_20, %get3A_21] : memref<1x96xf32, #tpu.memory_space<vmem>>, vector<1x96xf32>
    %get3A_23 = arith.constant 0 : index
    %get3A_24 = arith.constant 0 : index
    %get3A_25 = vector.load %arg10[%get3A_23, %get3A_24] : memref<1x96xf32, #tpu.memory_space<vmem>>, vector<1x96xf32>
    %reduce_sum3A_26 = vector.shape_cast %get3A_25 : vector<1x96xf32> to vector<1x1x96xf32>
    %reduce_sum3A_27 = arith.constant dense<0.000000e+00> : vector<1xf32>
    %reduce_sum3A_28 = vector.multi_reduction <add>, %reduce_sum3A_26, %reduce_sum3A_27 [1, 2] : vector<1x1x96xf32> to vector<1xf32>
    %reduce_sum3A_29 = vector.shape_cast %reduce_sum3A_28 : vector<1xf32> to vector<1x1x1xf32>
    %reduce_sum3A_30 = vector.extract %reduce_sum3A_29[0, 0, 0] : f32 from vector<1x1x1xf32>
    %div3A_31 = arith.constant 9.600000e+01 : f32
    %div3A_32 = arith.divf %reduce_sum3A_30, %div3A_31 : f32
    %sub3A_33 = vector.broadcast %div3A_32 : f32 to vector<1x96xf32>
    %sub3A_34 = arith.subf %get3A_22, %sub3A_33 : vector<1x96xf32>
    %get3A_35 = arith.constant 0 : index
    %get3A_36 = arith.constant 0 : index
    %get3A_37 = vector.load %arg5[%get3A_35, %get3A_36] : memref<96x96xf32, #tpu.memory_space<vmem>>, vector<96x96xf32>
    %reduce_sum3A_38 = arith.constant dense<0.000000e+00> : vector<96xf32>
    %reduce_sum3A_39 = vector.multi_reduction <add>, %get3A_37, %reduce_sum3A_38 [1] : vector<96x96xf32> to vector<96xf32>
    %broadcast_in_dim3A = vector.shape_cast %reduce_sum3A_39 : vector<96xf32> to vector<96x1xf32>
    %div3A_40 = arith.constant 9.600000e+01 : f32
    %div3A_41 = vector.broadcast %div3A_40 : f32 to vector<96x1xf32>
    %div3A_42 = arith.divf %broadcast_in_dim3A, %div3A_41 : vector<96x1xf32>
    %sub3A_43 = vector.broadcast %div3A_42 : vector<96x1xf32> to vector<96x96xf32>
    %sub3A_44 = arith.subf %get3A_37, %sub3A_43 : vector<96x96xf32>
    %dot_general3A = arith.constant dense<0.000000e+00> : vector<2000x96xf32>
    %dot_general3A_45 = tpu.matmul %get3A_1, %sub3A_44, %dot_general3A {dimension_numbers = #tpu.dot_dimension_numbers<[1], [0], [0], [1], [0, 0, 1, 1], [], []>, transpose_lhs_hint = false} : vector<2000x96xf32>, vector<96x96xf32>, vector<2000x96xf32> -> vector<2000x96xf32>
    %add3A = vector.broadcast %sub3A_19 : vector<1x96xf32> to vector<2000x96xf32>
    %add3A_46 = arith.addf %dot_general3A_45, %add3A : vector<2000x96xf32>
    %get3A_47 = arith.constant 0 : index
    %get3A_48 = arith.constant 0 : index
    %get3A_49 = vector.load %arg7[%get3A_47, %get3A_48] : memref<1x96xf32, #tpu.memory_space<vmem>>, vector<1x96xf32>
    %get3A_50 = arith.constant 0 : index
    %get3A_51 = arith.constant 0 : index
    %get3A_52 = vector.load %arg8[%get3A_50, %get3A_51] : memref<1x96xf32, #tpu.memory_space<vmem>>, vector<1x96xf32>
    %broadcast_in_dim3A_53 = arith.constant 0.010416667 : f32
    %broadcast_in_dim3A_54 = vector.broadcast %broadcast_in_dim3A_53 : f32 to vector<96x96xf32>
    %mul3A = arith.mulf %add3A_46, %add3A_46 : vector<2000x96xf32>
    %dot_general3A_55 = arith.constant dense<0.000000e+00> : vector<2000x96xf32>
    %dot_general3A_56 = tpu.matmul %mul3A, %broadcast_in_dim3A_54, %dot_general3A_55 {dimension_numbers = #tpu.dot_dimension_numbers<[1], [0], [0], [1], [0, 0, 1, 1], [], []>, transpose_lhs_hint = false} : vector<2000x96xf32>, vector<96x96xf32>, vector<2000x96xf32> -> vector<2000x96xf32>
    %add3A_57 = arith.constant 9.99999974E-6 : f32
    %add3A_58 = vector.broadcast %add3A_57 : f32 to vector<2000x96xf32>
    %add3A_59 = arith.addf %dot_general3A_56, %add3A_58 : vector<2000x96xf32>
    %rsqrt3A = math.rsqrt %add3A_59 : vector<2000x96xf32>
    %mul3A_60 = arith.mulf %add3A_46, %rsqrt3A : vector<2000x96xf32>
    %mul3A_61 = vector.broadcast %get3A_49 : vector<1x96xf32> to vector<2000x96xf32>
    %mul3A_62 = arith.mulf %mul3A_60, %mul3A_61 : vector<2000x96xf32>
    %add3A_63 = vector.broadcast %get3A_52 : vector<1x96xf32> to vector<2000x96xf32>
    %add3A_64 = arith.addf %mul3A_62, %add3A_63 : vector<2000x96xf32>
    %max3A = arith.constant 0.000000e+00 : f32
    %max3A_65 = vector.broadcast %max3A : f32 to vector<2000x96xf32>
    %max3A_66 = arith.maximumf %add3A_64, %max3A_65 : vector<2000x96xf32>
    %get3A_67 = arith.constant 0 : index
    %get3A_68 = arith.constant 0 : index
    %get3A_69 = vector.load %arg9[%get3A_67, %get3A_68] : memref<96x96xf32, #tpu.memory_space<vmem>>, vector<96x96xf32>
    %reduce_sum3A_70 = arith.constant dense<0.000000e+00> : vector<96xf32>
    %reduce_sum3A_71 = vector.multi_reduction <add>, %get3A_69, %reduce_sum3A_70 [1] : vector<96x96xf32> to vector<96xf32>
    %broadcast_in_dim3A_72 = vector.shape_cast %reduce_sum3A_71 : vector<96xf32> to vector<96x1xf32>
    %div3A_73 = arith.constant 9.600000e+01 : f32
    %div3A_74 = vector.broadcast %div3A_73 : f32 to vector<96x1xf32>
    %div3A_75 = arith.divf %broadcast_in_dim3A_72, %div3A_74 : vector<96x1xf32>
    %sub3A_76 = vector.broadcast %div3A_75 : vector<96x1xf32> to vector<96x96xf32>
    %sub3A_77 = arith.subf %get3A_69, %sub3A_76 : vector<96x96xf32>
    %dot_general3A_78 = arith.constant dense<0.000000e+00> : vector<2000x96xf32>
    %dot_general3A_79 = tpu.matmul %get3A_4, %sub3A_77, %dot_general3A_78 {dimension_numbers = #tpu.dot_dimension_numbers<[1], [0], [0], [1], [0, 0, 1, 1], [], []>, transpose_lhs_hint = false} : vector<2000x96xf32>, vector<96x96xf32>, vector<2000x96xf32> -> vector<2000x96xf32>
    %add3A_80 = vector.broadcast %sub3A_34 : vector<1x96xf32> to vector<2000x96xf32>
    %add3A_81 = arith.addf %dot_general3A_79, %add3A_80 : vector<2000x96xf32>
    %get3A_82 = arith.constant 0 : index
    %get3A_83 = arith.constant 0 : index
    %get3A_84 = vector.load %arg11[%get3A_82, %get3A_83] : memref<1x96xf32, #tpu.memory_space<vmem>>, vector<1x96xf32>
    %get3A_85 = arith.constant 0 : index
    %get3A_86 = arith.constant 0 : index
    %get3A_87 = vector.load %arg12[%get3A_85, %get3A_86] : memref<1x96xf32, #tpu.memory_space<vmem>>, vector<1x96xf32>
    %broadcast_in_dim3A_88 = arith.constant 0.010416667 : f32
    %broadcast_in_dim3A_89 = vector.broadcast %broadcast_in_dim3A_88 : f32 to vector<96x96xf32>
    %mul3A_90 = arith.mulf %add3A_81, %add3A_81 : vector<2000x96xf32>
    %dot_general3A_91 = arith.constant dense<0.000000e+00> : vector<2000x96xf32>
    %dot_general3A_92 = tpu.matmul %mul3A_90, %broadcast_in_dim3A_89, %dot_general3A_91 {dimension_numbers = #tpu.dot_dimension_numbers<[1], [0], [0], [1], [0, 0, 1, 1], [], []>, transpose_lhs_hint = false} : vector<2000x96xf32>, vector<96x96xf32>, vector<2000x96xf32> -> vector<2000x96xf32>
    %add3A_93 = arith.constant 9.99999974E-6 : f32
    %add3A_94 = vector.broadcast %add3A_93 : f32 to vector<2000x96xf32>
    %add3A_95 = arith.addf %dot_general3A_92, %add3A_94 : vector<2000x96xf32>
    %rsqrt3A_96 = math.rsqrt %add3A_95 : vector<2000x96xf32>
    %mul3A_97 = arith.mulf %add3A_81, %rsqrt3A_96 : vector<2000x96xf32>
    %mul3A_98 = vector.broadcast %get3A_84 : vector<1x96xf32> to vector<2000x96xf32>
    %mul3A_99 = arith.mulf %mul3A_97, %mul3A_98 : vector<2000x96xf32>
    %add3A_100 = vector.broadcast %get3A_87 : vector<1x96xf32> to vector<2000x96xf32>
    %add3A_101 = arith.addf %mul3A_99, %add3A_100 : vector<2000x96xf32>
    %max3A_102 = arith.constant 0.000000e+00 : f32
    %max3A_103 = vector.broadcast %max3A_102 : f32 to vector<2000x96xf32>
    %max3A_104 = arith.maximumf %add3A_101, %max3A_103 : vector<2000x96xf32>
    %get3A_105 = arith.constant 0 : index
    %get3A_106 = arith.constant 0 : index
    %get3A_107 = vector.load %arg13[%get3A_105, %get3A_106] : memref<96x96xf32, #tpu.memory_space<vmem>>, vector<96x96xf32>
    %dot_general3A_108 = arith.constant dense<0.000000e+00> : vector<2000x96xf32>
    %dot_general3A_109 = tpu.matmul %get3A_7, %get3A_107, %dot_general3A_108 {dimension_numbers = #tpu.dot_dimension_numbers<[1], [0], [0], [1], [0, 0, 1, 1], [], []>, transpose_lhs_hint = false} : vector<2000x96xf32>, vector<96x96xf32>, vector<2000x96xf32> -> vector<2000x96xf32>
    %get3A_110 = arith.constant 0 : index
    %get3A_111 = arith.constant 0 : index
    %get3A_112 = vector.load %arg14[%get3A_110, %get3A_111] : memref<1x96xf32, #tpu.memory_space<vmem>>, vector<1x96xf32>
    %add3A_113 = vector.broadcast %get3A_112 : vector<1x96xf32> to vector<2000x96xf32>
    %add3A_114 = arith.addf %dot_general3A_109, %add3A_113 : vector<2000x96xf32>
    %get3A_115 = arith.constant 0 : index
    %get3A_116 = arith.constant 0 : index
    %get3A_117 = vector.load %arg15[%get3A_115, %get3A_116] : memref<96x12xf32, #tpu.memory_space<vmem>>, vector<96x12xf32>
    %reduce_sum3A_118 = arith.constant dense<0.000000e+00> : vector<96xf32>
    %reduce_sum3A_119 = vector.multi_reduction <add>, %get3A_117, %reduce_sum3A_118 [1] : vector<96x12xf32> to vector<96xf32>
    %broadcast_in_dim3A_120 = vector.shape_cast %reduce_sum3A_119 : vector<96xf32> to vector<96x1xf32>
    %div3A_121 = arith.constant 1.200000e+01 : f32
    %div3A_122 = vector.broadcast %div3A_121 : f32 to vector<96x1xf32>
    %div3A_123 = arith.divf %broadcast_in_dim3A_120, %div3A_122 : vector<96x1xf32>
    %sub3A_124 = vector.broadcast %div3A_123 : vector<96x1xf32> to vector<96x12xf32>
    %sub3A_125 = arith.subf %get3A_117, %sub3A_124 : vector<96x12xf32>
    %dot_general3A_126 = arith.constant dense<0.000000e+00> : vector<2000x12xf32>
    %dot_general3A_127 = tpu.matmul %max3A_104, %sub3A_125, %dot_general3A_126 {dimension_numbers = #tpu.dot_dimension_numbers<[1], [0], [0], [1], [0, 0, 1, 1], [], []>, transpose_lhs_hint = false} : vector<2000x96xf32>, vector<96x12xf32>, vector<2000x12xf32> -> vector<2000x12xf32>
    %get3A_128 = arith.constant 0 : index
    %get3A_129 = arith.constant 0 : index
    %get3A_130 = vector.load %arg16[%get3A_128, %get3A_129] : memref<1x96xf32, #tpu.memory_space<vmem>>, vector<1x96xf32>
    %dot_general3A_131 = arith.constant dense<0.000000e+00> : vector<1x12xf32>
    %dot_general3A_132 = tpu.matmul %get3A_130, %sub3A_125, %dot_general3A_131 {dimension_numbers = #tpu.dot_dimension_numbers<[1], [0], [0], [1], [0, 0, 1, 1], [], []>, transpose_lhs_hint = false} : vector<1x96xf32>, vector<96x12xf32>, vector<1x12xf32> -> vector<1x12xf32>
    %get3A_133 = arith.constant 0 : index
    %get3A_134 = arith.constant 0 : index
    %get3A_135 = vector.load %arg17[%get3A_133, %get3A_134] : memref<1x12xf32, #tpu.memory_space<vmem>>, vector<1x12xf32>
    %get3A_136 = arith.constant 0 : index
    %get3A_137 = arith.constant 0 : index
    %get3A_138 = vector.load %arg17[%get3A_136, %get3A_137] : memref<1x12xf32, #tpu.memory_space<vmem>>, vector<1x12xf32>
    %reduce_sum3A_139 = vector.shape_cast %get3A_138 : vector<1x12xf32> to vector<1x1x12xf32>
    %reduce_sum3A_140 = arith.constant dense<0.000000e+00> : vector<1xf32>
    %reduce_sum3A_141 = vector.multi_reduction <add>, %reduce_sum3A_139, %reduce_sum3A_140 [1, 2] : vector<1x1x12xf32> to vector<1xf32>
    %reduce_sum3A_142 = vector.shape_cast %reduce_sum3A_141 : vector<1xf32> to vector<1x1x1xf32>
    %reduce_sum3A_143 = vector.extract %reduce_sum3A_142[0, 0, 0] : f32 from vector<1x1x1xf32>
    %div3A_144 = arith.constant 1.200000e+01 : f32
    %div3A_145 = arith.divf %reduce_sum3A_143, %div3A_144 : f32
    %sub3A_146 = vector.broadcast %div3A_145 : f32 to vector<1x12xf32>
    %sub3A_147 = arith.subf %get3A_135, %sub3A_146 : vector<1x12xf32>
    %add3A_148 = arith.addf %dot_general3A_132, %sub3A_147 : vector<1x12xf32>
    %dot_general3A_149 = arith.constant dense<0.000000e+00> : vector<2000x12xf32>
    %dot_general3A_150 = tpu.matmul %max3A_66, %sub3A_125, %dot_general3A_149 {dimension_numbers = #tpu.dot_dimension_numbers<[1], [0], [0], [1], [0, 0, 1, 1], [], []>, transpose_lhs_hint = false} : vector<2000x96xf32>, vector<96x12xf32>, vector<2000x12xf32> -> vector<2000x12xf32>
    %sub3A_151 = vector.broadcast %add3A_148 : vector<1x12xf32> to vector<2000x12xf32>
    %sub3A_152 = arith.subf %dot_general3A_150, %sub3A_151 : vector<2000x12xf32>
    %swap3A = arith.constant 0 : index
    %swap3A_153 = arith.constant 0 : index
    %swap3A_154 = vector.load %arg19[%swap3A, %swap3A_153] : memref<2000x12xf32, #tpu.memory_space<vmem>>, vector<2000x12xf32>
    tpu.vector_store %arg19[%swap3A, %swap3A_153], %sub3A_152 {strides = array<i32>} : memref<2000x12xf32, #tpu.memory_space<vmem>>, vector<2000x12xf32>,
    %broadcast_in_dim3A_155 = arith.constant 0.000000e+00 : f32
    %broadcast_in_dim3A_156 = vector.broadcast %broadcast_in_dim3A_155 : f32 to vector<2000x13xf32>
    %broadcast_in_dim3A_157 = arith.constant 0.000000e+00 : f32
    %broadcast_in_dim3A_158 = vector.broadcast %broadcast_in_dim3A_157 : f32 to vector<2000x4xf32>
    %get3A_159 = arith.constant 0 : index
    %get3A_160 = arith.constant 0 : index
    %get3A_161 = vector.load %arg4[%get3A_159, %get3A_160] : memref<2000x3xf32, #tpu.memory_space<vmem>>, vector<2000x3xf32>
    %concatenate3A = tpu.concatenate %add3A_114, %get3A_161, %broadcast_in_dim3A_156, %dot_general3A_127, %broadcast_in_dim3A_158 in 1 : vector<2000x96xf32>, vector<2000x3xf32>, vector<2000x13xf32>, vector<2000x12xf32>, vector<2000x4xf32> -> vector<2000x128xf32>
    %swap3A_162 = arith.constant 0 : index
    %swap3A_163 = arith.constant 0 : index
    %swap3A_164 = vector.load %arg18[%swap3A_162, %swap3A_163] : memref<2000x128xf32, #tpu.memory_space<vmem>>, vector<2000x128xf32>
    tpu.vector_store %arg18[%swap3A_162, %swap3A_163], %concatenate3A {strides = array<i32>} : memref<2000x128xf32, #tpu.memory_space<vmem>>, vector<2000x128xf32>,
    return
  }
  func.func @transform_0(%arg0: i32) -> (i32, i32) {
    %c0_i32 = arith.constant 0 : i32
    %c0_i32_0 = arith.constant 0 : i32
    return %arg0, %c0_i32 : i32, i32
  }
  func.func @transform_1(%arg0: i32) -> (i32, i32) {
    %c0_i32 = arith.constant 0 : i32
    %c0_i32_0 = arith.constant 0 : i32
    return %arg0, %c0_i32 : i32, i32
  }
  func.func @transform_2(%arg0: i32) -> (i32, i32) {
    %c0_i32 = arith.constant 0 : i32
    %c0_i32_0 = arith.constant 0 : i32
    return %arg0, %c0_i32 : i32, i32
  }
  func.func @transform_3(%arg0: i32) -> (i32, i32) {
    %c0_i32 = arith.constant 0 : i32
    %c0_i32_0 = arith.constant 0 : i32
    return %arg0, %c0_i32 : i32, i32
  }
  func.func @transform_4(%arg0: i32) -> (i32, i32) {
    %c0_i32 = arith.constant 0 : i32
    %c0_i32_0 = arith.constant 0 : i32
    %c0_i32_1 = arith.constant 0 : i32
    return %c0_i32, %c0_i32_0 : i32, i32
  }
  func.func @transform_5(%arg0: i32) -> (i32, i32) {
    %c0_i32 = arith.constant 0 : i32
    %c0_i32_0 = arith.constant 0 : i32
    %c0_i32_1 = arith.constant 0 : i32
    return %c0_i32, %c0_i32_0 : i32, i32
  }
  func.func @transform_6(%arg0: i32) -> (i32, i32) {
    %c0_i32 = arith.constant 0 : i32
    %c0_i32_0 = arith.constant 0 : i32
    %c0_i32_1 = arith.constant 0 : i32
    return %c0_i32, %c0_i32_0 : i32, i32
  }
  func.func @transform_7(%arg0: i32) -> (i32, i32) {
    %c0_i32 = arith.constant 0 : i32
    %c0_i32_0 = arith.constant 0 : i32
    %c0_i32_1 = arith.constant 0 : i32
    return %c0_i32, %c0_i32_0 : i32, i32
  }
  func.func @transform_8(%arg0: i32) -> (i32, i32) {
    %c0_i32 = arith.constant 0 : i32
    %c0_i32_0 = arith.constant 0 : i32
    %c0_i32_1 = arith.constant 0 : i32
    return %c0_i32, %c0_i32_0 : i32, i32
  }
  func.func @transform_9(%arg0: i32) -> (i32, i32) {
    %c0_i32 = arith.constant 0 : i32
    %c0_i32_0 = arith.constant 0 : i32
    %c0_i32_1 = arith.constant 0 : i32
    return %c0_i32, %c0_i32_0 : i32, i32
  }
  func.func @transform_10(%arg0: i32) -> (i32, i32) {
    %c0_i32 = arith.constant 0 : i32
    %c0_i32_0 = arith.constant 0 : i32
    %c0_i32_1 = arith.constant 0 : i32
    return %c0_i32, %c0_i32_0 : i32, i32
  }
  func.func @transform_11(%arg0: i32) -> (i32, i32) {
    %c0_i32 = arith.constant 0 : i32
    %c0_i32_0 = arith.constant 0 : i32
    %c0_i32_1 = arith.constant 0 : i32
    return %c0_i32, %c0_i32_0 : i32, i32
  }
  func.func @transform_12(%arg0: i32) -> (i32, i32) {
    %c0_i32 = arith.constant 0 : i32
    %c0_i32_0 = arith.constant 0 : i32
    %c0_i32_1 = arith.constant 0 : i32
    return %c0_i32, %c0_i32_0 : i32, i32
  }
  func.func @transform_13(%arg0: i32) -> (i32, i32) {
    %c0_i32 = arith.constant 0 : i32
    %c0_i32_0 = arith.constant 0 : i32
    %c0_i32_1 = arith.constant 0 : i32
    return %c0_i32, %c0_i32_0 : i32, i32
  }
  func.func @transform_14(%arg0: i32) -> (i32, i32) {
    %c0_i32 = arith.constant 0 : i32
    %c0_i32_0 = arith.constant 0 : i32
    %c0_i32_1 = arith.constant 0 : i32
    return %c0_i32, %c0_i32_0 : i32, i32
  }
  func.func @transform_15(%arg0: i32) -> (i32, i32) {
    %c0_i32 = arith.constant 0 : i32
    %c0_i32_0 = arith.constant 0 : i32
    %c0_i32_1 = arith.constant 0 : i32
    return %c0_i32, %c0_i32_0 : i32, i32
  }
  func.func @transform_16(%arg0: i32) -> (i32, i32) {
    %c0_i32 = arith.constant 0 : i32
    %c0_i32_0 = arith.constant 0 : i32
    %c0_i32_1 = arith.constant 0 : i32
    return %c0_i32, %c0_i32_0 : i32, i32
  }
  func.func @transform_17(%arg0: i32) -> (i32, i32) {
    %c0_i32 = arith.constant 0 : i32
    %c0_i32_0 = arith.constant 0 : i32
    return %arg0, %c0_i32 : i32, i32
  }
  func.func @transform_18(%arg0: i32) -> (i32, i32) {
    %c0_i32 = arith.constant 0 : i32
    %c0_i32_0 = arith.constant 0 : i32
    return %arg0, %c0_i32 : i32, i32
  }
}

module attributes {stable_mosaic.version = 14 : i64} {
  func.func @_attn_body(%arg0: i32, %arg1: memref<16x400x128xf32, #tpu.memory_space<vmem>>, %arg2: memref<400x3xf32, #tpu.memory_space<vmem>>, %arg3: memref<400x12xf32, #tpu.memory_space<vmem>>, %arg4: memref<128x96xf32, #tpu.memory_space<vmem>>, %arg5: memref<3x96xf32, #tpu.memory_space<vmem>>, %arg6: memref<1x96xf32, #tpu.memory_space<vmem>>, %arg7: memref<1x96xf32, #tpu.memory_space<vmem>>, %arg8: memref<1x96xf32, #tpu.memory_space<vmem>>, %arg9: memref<96x96xf32, #tpu.memory_space<vmem>>, %arg10: memref<1x96xf32, #tpu.memory_space<vmem>>, %arg11: memref<96x12xf32, #tpu.memory_space<vmem>>, %arg12: memref<1x12xf32, #tpu.memory_space<vmem>>, %arg13: memref<1x12xf32, #tpu.memory_space<vmem>>, %arg14: memref<12x12xf32, #tpu.memory_space<vmem>>, %arg15: memref<1x12xf32, #tpu.memory_space<vmem>>, %arg16: memref<400x96xf32, #tpu.memory_space<vmem>>) attributes {dimension_semantics = [#tpu.dimension_semantics<arbitrary>], iteration_bounds = array<i64: 20>, scalar_prefetch = 0 : i64, scratch_operands = 0 : i64, tpu.core_type = #tpu.core_type<tc>, window_params = [{transform_indices = @transform_0, window_bounds = array<i64: 16, 400, 128>}, {transform_indices = @transform_1, window_bounds = array<i64: 400, 3>}, {transform_indices = @transform_2, window_bounds = array<i64: 400, 12>}, {pipeline_mode = #tpu.pipeline_mode<synchronous>, transform_indices = @transform_3, window_bounds = array<i64: 128, 96>}, {pipeline_mode = #tpu.pipeline_mode<synchronous>, transform_indices = @transform_4, window_bounds = array<i64: 3, 96>}, {pipeline_mode = #tpu.pipeline_mode<synchronous>, transform_indices = @transform_5, window_bounds = array<i64: 1, 96>}, {pipeline_mode = #tpu.pipeline_mode<synchronous>, transform_indices = @transform_6, window_bounds = array<i64: 1, 96>}, {pipeline_mode = #tpu.pipeline_mode<synchronous>, transform_indices = @transform_7, window_bounds = array<i64: 1, 96>}, {pipeline_mode = #tpu.pipeline_mode<synchronous>, transform_indices = @transform_8, window_bounds = array<i64: 96, 96>}, {pipeline_mode = #tpu.pipeline_mode<synchronous>, transform_indices = @transform_9, window_bounds = array<i64: 1, 96>}, {pipeline_mode = #tpu.pipeline_mode<synchronous>, transform_indices = @transform_10, window_bounds = array<i64: 96, 12>}, {pipeline_mode = #tpu.pipeline_mode<synchronous>, transform_indices = @transform_11, window_bounds = array<i64: 1, 12>}, {pipeline_mode = #tpu.pipeline_mode<synchronous>, transform_indices = @transform_12, window_bounds = array<i64: 1, 12>}, {pipeline_mode = #tpu.pipeline_mode<synchronous>, transform_indices = @transform_13, window_bounds = array<i64: 12, 12>}, {pipeline_mode = #tpu.pipeline_mode<synchronous>, transform_indices = @transform_14, window_bounds = array<i64: 1, 12>}, {transform_indices = @transform_15, window_bounds = array<i64: 400, 96>}]} {
    %get3A = arith.constant 0 : index
    %get3A_0 = arith.constant 0 : index
    %get3A_1 = arith.constant 0 : index
    %get3A_2 = vector.load %arg1[%get3A, %get3A_0, %get3A_1] : memref<16x400x128xf32, #tpu.memory_space<vmem>>, vector<16x400x128xf32>
    %slice3A = vector.extract_strided_slice %get3A_2 {offsets = [0, 0, 112], sizes = [16, 400, 12], strides = [1, 1, 1]} : vector<16x400x128xf32> to vector<16x400x12xf32>
    %get3A_3 = arith.constant 0 : index
    %get3A_4 = arith.constant 0 : index
    %get3A_5 = vector.load %arg3[%get3A_3, %get3A_4] : memref<400x12xf32, #tpu.memory_space<vmem>>, vector<400x12xf32>
    %broadcast_in_dim3A = vector.shape_cast %get3A_5 : vector<400x12xf32> to vector<1x400x12xf32>
    %sub3A = vector.broadcast %broadcast_in_dim3A : vector<1x400x12xf32> to vector<16x400x12xf32>
    %sub3A_6 = arith.subf %slice3A, %sub3A : vector<16x400x12xf32>
    %get3A_7 = arith.constant 0 : index
    %get3A_8 = arith.constant 0 : index
    %get3A_9 = vector.load %arg5[%get3A_7, %get3A_8] : memref<3x96xf32, #tpu.memory_space<vmem>>, vector<3x96xf32>
    %reduce_sum3A = arith.constant dense<0.000000e+00> : vector<3xf32>
    %reduce_sum3A_10 = vector.multi_reduction <add>, %get3A_9, %reduce_sum3A [1] : vector<3x96xf32> to vector<3xf32>
    %broadcast_in_dim3A_11 = vector.shape_cast %reduce_sum3A_10 : vector<3xf32> to vector<3x1xf32>
    %div3A = arith.constant 9.600000e+01 : f32
    %div3A_12 = vector.broadcast %div3A : f32 to vector<3x1xf32>
    %div3A_13 = arith.divf %broadcast_in_dim3A_11, %div3A_12 : vector<3x1xf32>
    %sub3A_14 = vector.broadcast %div3A_13 : vector<3x1xf32> to vector<3x96xf32>
    %sub3A_15 = arith.subf %get3A_9, %sub3A_14 : vector<3x96xf32>
    %get3A_16 = arith.constant 0 : index
    %get3A_17 = arith.constant 0 : index
    %get3A_18 = vector.load %arg6[%get3A_16, %get3A_17] : memref<1x96xf32, #tpu.memory_space<vmem>>, vector<1x96xf32>
    %get3A_19 = arith.constant 0 : index
    %get3A_20 = arith.constant 0 : index
    %get3A_21 = vector.load %arg6[%get3A_19, %get3A_20] : memref<1x96xf32, #tpu.memory_space<vmem>>, vector<1x96xf32>
    %reduce_sum3A_22 = vector.shape_cast %get3A_21 : vector<1x96xf32> to vector<1x1x96xf32>
    %reduce_sum3A_23 = arith.constant dense<0.000000e+00> : vector<1xf32>
    %reduce_sum3A_24 = vector.multi_reduction <add>, %reduce_sum3A_22, %reduce_sum3A_23 [1, 2] : vector<1x1x96xf32> to vector<1xf32>
    %reduce_sum3A_25 = vector.shape_cast %reduce_sum3A_24 : vector<1xf32> to vector<1x1x1xf32>
    %reduce_sum3A_26 = vector.extract %reduce_sum3A_25[0, 0, 0] : f32 from vector<1x1x1xf32>
    %div3A_27 = arith.constant 9.600000e+01 : f32
    %div3A_28 = arith.divf %reduce_sum3A_26, %div3A_27 : f32
    %sub3A_29 = vector.broadcast %div3A_28 : f32 to vector<1x96xf32>
    %sub3A_30 = arith.subf %get3A_18, %sub3A_29 : vector<1x96xf32>
    %get3A_31 = arith.constant 0 : index
    %get3A_32 = arith.constant 0 : index
    %get3A_33 = vector.load %arg2[%get3A_31, %get3A_32] : memref<400x3xf32, #tpu.memory_space<vmem>>, vector<400x3xf32>
    %dot_general3A = arith.constant dense<0.000000e+00> : vector<400x96xf32>
    %dot_general3A_34 = tpu.matmul %get3A_33, %sub3A_15, %dot_general3A {dimension_numbers = #tpu.dot_dimension_numbers<[1], [0], [0], [1], [0, 0, 1, 1], [], []>, transpose_lhs_hint = false} : vector<400x3xf32>, vector<3x96xf32>, vector<400x96xf32> -> vector<400x96xf32>
    %sub3A_35 = vector.broadcast %sub3A_30 : vector<1x96xf32> to vector<400x96xf32>
    %sub3A_36 = arith.subf %dot_general3A_34, %sub3A_35 : vector<400x96xf32>
    %reshape3A = vector.shape_cast %get3A_2 : vector<16x400x128xf32> to vector<6400x128xf32>
    %get3A_37 = arith.constant 0 : index
    %get3A_38 = arith.constant 0 : index
    %get3A_39 = vector.load %arg4[%get3A_37, %get3A_38] : memref<128x96xf32, #tpu.memory_space<vmem>>, vector<128x96xf32>
    %dot_general3A_40 = arith.constant dense<0.000000e+00> : vector<6400x96xf32>
    %dot_general3A_41 = tpu.matmul %reshape3A, %get3A_39, %dot_general3A_40 {dimension_numbers = #tpu.dot_dimension_numbers<[1], [0], [0], [1], [0, 0, 1, 1], [], []>, transpose_lhs_hint = false} : vector<6400x128xf32>, vector<128x96xf32>, vector<6400x96xf32> -> vector<6400x96xf32>
    %reshape3A_42 = vector.shape_cast %dot_general3A_41 : vector<6400x96xf32> to vector<16x400x96xf32>
    %broadcast_in_dim3A_43 = vector.shape_cast %sub3A_36 : vector<400x96xf32> to vector<1x400x96xf32>
    %sub3A_44 = vector.broadcast %broadcast_in_dim3A_43 : vector<1x400x96xf32> to vector<16x400x96xf32>
    %sub3A_45 = arith.subf %reshape3A_42, %sub3A_44 : vector<16x400x96xf32>
    %reshape3A_46 = vector.shape_cast %sub3A_45 : vector<16x400x96xf32> to vector<6400x96xf32>
    %get3A_47 = arith.constant 0 : index
    %get3A_48 = arith.constant 0 : index
    %get3A_49 = vector.load %arg7[%get3A_47, %get3A_48] : memref<1x96xf32, #tpu.memory_space<vmem>>, vector<1x96xf32>
    %get3A_50 = arith.constant 0 : index
    %get3A_51 = arith.constant 0 : index
    %get3A_52 = vector.load %arg8[%get3A_50, %get3A_51] : memref<1x96xf32, #tpu.memory_space<vmem>>, vector<1x96xf32>
    %broadcast_in_dim3A_53 = arith.constant 0.010416667 : f32
    %broadcast_in_dim3A_54 = vector.broadcast %broadcast_in_dim3A_53 : f32 to vector<96x96xf32>
    %mul3A = arith.mulf %reshape3A_46, %reshape3A_46 : vector<6400x96xf32>
    %dot_general3A_55 = arith.constant dense<0.000000e+00> : vector<6400x96xf32>
    %dot_general3A_56 = tpu.matmul %mul3A, %broadcast_in_dim3A_54, %dot_general3A_55 {dimension_numbers = #tpu.dot_dimension_numbers<[1], [0], [0], [1], [0, 0, 1, 1], [], []>, transpose_lhs_hint = false} : vector<6400x96xf32>, vector<96x96xf32>, vector<6400x96xf32> -> vector<6400x96xf32>
    %add3A = arith.constant 9.99999974E-6 : f32
    %add3A_57 = vector.broadcast %add3A : f32 to vector<6400x96xf32>
    %add3A_58 = arith.addf %dot_general3A_56, %add3A_57 : vector<6400x96xf32>
    %rsqrt3A = math.rsqrt %add3A_58 : vector<6400x96xf32>
    %mul3A_59 = arith.mulf %reshape3A_46, %rsqrt3A : vector<6400x96xf32>
    %mul3A_60 = vector.broadcast %get3A_49 : vector<1x96xf32> to vector<6400x96xf32>
    %mul3A_61 = arith.mulf %mul3A_59, %mul3A_60 : vector<6400x96xf32>
    %add3A_62 = vector.broadcast %get3A_52 : vector<1x96xf32> to vector<6400x96xf32>
    %add3A_63 = arith.addf %mul3A_61, %add3A_62 : vector<6400x96xf32>
    %max3A = arith.constant 0.000000e+00 : f32
    %max3A_64 = vector.broadcast %max3A : f32 to vector<6400x96xf32>
    %max3A_65 = arith.maximumf %add3A_63, %max3A_64 : vector<6400x96xf32>
    %get3A_66 = arith.constant 0 : index
    %get3A_67 = arith.constant 0 : index
    %get3A_68 = vector.load %arg9[%get3A_66, %get3A_67] : memref<96x96xf32, #tpu.memory_space<vmem>>, vector<96x96xf32>
    %dot_general3A_69 = arith.constant dense<0.000000e+00> : vector<6400x96xf32>
    %dot_general3A_70 = tpu.matmul %max3A_65, %get3A_68, %dot_general3A_69 {dimension_numbers = #tpu.dot_dimension_numbers<[1], [0], [0], [1], [0, 0, 1, 1], [], []>, transpose_lhs_hint = false} : vector<6400x96xf32>, vector<96x96xf32>, vector<6400x96xf32> -> vector<6400x96xf32>
    %get3A_71 = arith.constant 0 : index
    %get3A_72 = arith.constant 0 : index
    %get3A_73 = vector.load %arg10[%get3A_71, %get3A_72] : memref<1x96xf32, #tpu.memory_space<vmem>>, vector<1x96xf32>
    %add3A_74 = vector.broadcast %get3A_73 : vector<1x96xf32> to vector<6400x96xf32>
    %add3A_75 = arith.addf %dot_general3A_70, %add3A_74 : vector<6400x96xf32>
    %get3A_76 = arith.constant 0 : index
    %get3A_77 = arith.constant 0 : index
    %get3A_78 = vector.load %arg11[%get3A_76, %get3A_77] : memref<96x12xf32, #tpu.memory_space<vmem>>, vector<96x12xf32>
    %reduce_sum3A_79 = arith.constant dense<0.000000e+00> : vector<96xf32>
    %reduce_sum3A_80 = vector.multi_reduction <add>, %get3A_78, %reduce_sum3A_79 [1] : vector<96x12xf32> to vector<96xf32>
    %broadcast_in_dim3A_81 = vector.shape_cast %reduce_sum3A_80 : vector<96xf32> to vector<96x1xf32>
    %div3A_82 = arith.constant 1.200000e+01 : f32
    %div3A_83 = vector.broadcast %div3A_82 : f32 to vector<96x1xf32>
    %div3A_84 = arith.divf %broadcast_in_dim3A_81, %div3A_83 : vector<96x1xf32>
    %sub3A_85 = vector.broadcast %div3A_84 : vector<96x1xf32> to vector<96x12xf32>
    %sub3A_86 = arith.subf %get3A_78, %sub3A_85 : vector<96x12xf32>
    %get3A_87 = arith.constant 0 : index
    %get3A_88 = arith.constant 0 : index
    %get3A_89 = vector.load %arg9[%get3A_87, %get3A_88] : memref<96x96xf32, #tpu.memory_space<vmem>>, vector<96x96xf32>
    %dot_general3A_90 = arith.constant dense<0.000000e+00> : vector<96x12xf32>
    %dot_general3A_91 = tpu.matmul %get3A_89, %sub3A_86, %dot_general3A_90 {dimension_numbers = #tpu.dot_dimension_numbers<[1], [0], [0], [1], [0, 0, 1, 1], [], []>, transpose_lhs_hint = false} : vector<96x96xf32>, vector<96x12xf32>, vector<96x12xf32> -> vector<96x12xf32>
    %dot_general3A_92 = arith.constant dense<0.000000e+00> : vector<6400x12xf32>
    %dot_general3A_93 = tpu.matmul %max3A_65, %dot_general3A_91, %dot_general3A_92 {dimension_numbers = #tpu.dot_dimension_numbers<[1], [0], [0], [1], [0, 0, 1, 1], [], []>, transpose_lhs_hint = false} : vector<6400x96xf32>, vector<96x12xf32>, vector<6400x12xf32> -> vector<6400x12xf32>
    %reshape3A_94 = vector.shape_cast %sub3A_6 : vector<16x400x12xf32> to vector<6400x12xf32>
    %add3A_95 = arith.addf %reshape3A_94, %dot_general3A_93 : vector<6400x12xf32>
    %get3A_96 = arith.constant 0 : index
    %get3A_97 = arith.constant 0 : index
    %get3A_98 = vector.load %arg12[%get3A_96, %get3A_97] : memref<1x12xf32, #tpu.memory_space<vmem>>, vector<1x12xf32>
    %get3A_99 = arith.constant 0 : index
    %get3A_100 = arith.constant 0 : index
    %get3A_101 = vector.load %arg13[%get3A_99, %get3A_100] : memref<1x12xf32, #tpu.memory_space<vmem>>, vector<1x12xf32>
    %broadcast_in_dim3A_102 = arith.constant 0.0833333358 : f32
    %broadcast_in_dim3A_103 = vector.broadcast %broadcast_in_dim3A_102 : f32 to vector<12x12xf32>
    %mul3A_104 = arith.mulf %add3A_95, %add3A_95 : vector<6400x12xf32>
    %dot_general3A_105 = arith.constant dense<0.000000e+00> : vector<6400x12xf32>
    %dot_general3A_106 = tpu.matmul %mul3A_104, %broadcast_in_dim3A_103, %dot_general3A_105 {dimension_numbers = #tpu.dot_dimension_numbers<[1], [0], [0], [1], [0, 0, 1, 1], [], []>, transpose_lhs_hint = false} : vector<6400x12xf32>, vector<12x12xf32>, vector<6400x12xf32> -> vector<6400x12xf32>
    %add3A_107 = arith.constant 9.99999974E-6 : f32
    %add3A_108 = vector.broadcast %add3A_107 : f32 to vector<6400x12xf32>
    %add3A_109 = arith.addf %dot_general3A_106, %add3A_108 : vector<6400x12xf32>
    %rsqrt3A_110 = math.rsqrt %add3A_109 : vector<6400x12xf32>
    %mul3A_111 = arith.mulf %add3A_95, %rsqrt3A_110 : vector<6400x12xf32>
    %mul3A_112 = vector.broadcast %get3A_98 : vector<1x12xf32> to vector<6400x12xf32>
    %mul3A_113 = arith.mulf %mul3A_111, %mul3A_112 : vector<6400x12xf32>
    %add3A_114 = vector.broadcast %get3A_101 : vector<1x12xf32> to vector<6400x12xf32>
    %add3A_115 = arith.addf %mul3A_113, %add3A_114 : vector<6400x12xf32>
    %max3A_116 = arith.constant 0.000000e+00 : f32
    %max3A_117 = vector.broadcast %max3A_116 : f32 to vector<6400x12xf32>
    %max3A_118 = arith.maximumf %add3A_115, %max3A_117 : vector<6400x12xf32>
    %sqrt3A = arith.constant 1.100000e+01 : f32
    %sqrt3A_119 = math.sqrt %sqrt3A : f32
    %get3A_120 = arith.constant 0 : index
    %get3A_121 = arith.constant 0 : index
    %get3A_122 = vector.load %arg12[%get3A_120, %get3A_121] : memref<1x12xf32, #tpu.memory_space<vmem>>, vector<1x12xf32>
    %abs3A = math.absf %get3A_122 : vector<1x12xf32>
    %reduce_max3A = vector.shape_cast %abs3A : vector<1x12xf32> to vector<1x1x12xf32>
    %reduce_max3A_123 = arith.constant dense<0xFF800000> : vector<1xf32>
    %reduce_max3A_124 = vector.multi_reduction <maximumf>, %reduce_max3A, %reduce_max3A_123 [1, 2] : vector<1x1x12xf32> to vector<1xf32>
    %reduce_max3A_125 = vector.shape_cast %reduce_max3A_124 : vector<1xf32> to vector<1x1x1xf32>
    %reduce_max3A_126 = vector.extract %reduce_max3A_125[0, 0, 0] : f32 from vector<1x1x1xf32>
    %mul3A_127 = arith.mulf %sqrt3A_119, %reduce_max3A_126 : f32
    %get3A_128 = arith.constant 0 : index
    %get3A_129 = arith.constant 0 : index
    %get3A_130 = vector.load %arg13[%get3A_128, %get3A_129] : memref<1x12xf32, #tpu.memory_space<vmem>>, vector<1x12xf32>
    %abs3A_131 = math.absf %get3A_130 : vector<1x12xf32>
    %reduce_max3A_132 = vector.shape_cast %abs3A_131 : vector<1x12xf32> to vector<1x1x12xf32>
    %reduce_max3A_133 = arith.constant dense<0xFF800000> : vector<1xf32>
    %reduce_max3A_134 = vector.multi_reduction <maximumf>, %reduce_max3A_132, %reduce_max3A_133 [1, 2] : vector<1x1x12xf32> to vector<1xf32>
    %reduce_max3A_135 = vector.shape_cast %reduce_max3A_134 : vector<1xf32> to vector<1x1x1xf32>
    %reduce_max3A_136 = vector.extract %reduce_max3A_135[0, 0, 0] : f32 from vector<1x1x1xf32>
    %add3A_137 = arith.addf %mul3A_127, %reduce_max3A_136 : f32
    %get3A_138 = arith.constant 0 : index
    %get3A_139 = arith.constant 0 : index
    %get3A_140 = vector.load %arg14[%get3A_138, %get3A_139] : memref<12x12xf32, #tpu.memory_space<vmem>>, vector<12x12xf32>
    %abs3A_141 = math.absf %get3A_140 : vector<12x12xf32>
    %reduce_sum3A_142 = arith.constant dense<0.000000e+00> : vector<12xf32>
    %reduce_sum3A_143 = vector.multi_reduction <add>, %abs3A_141, %reduce_sum3A_142 [0] : vector<12x12xf32> to vector<12xf32>
    %reduce_max3A_144 = vector.shape_cast %reduce_sum3A_143 : vector<12xf32> to vector<1x12xf32>
    %reduce_max3A_145 = arith.constant dense<0xFF800000> : vector<1xf32>
    %reduce_max3A_146 = vector.multi_reduction <maximumf>, %reduce_max3A_144, %reduce_max3A_145 [1] : vector<1x12xf32> to vector<1xf32>
    %reduce_max3A_147 = vector.shape_cast %reduce_max3A_146 : vector<1xf32> to vector<1x1xf32>
    %reduce_max3A_148 = vector.extract %reduce_max3A_147[0, 0] : f32 from vector<1x1xf32>
    %mul3A_149 = arith.mulf %add3A_137, %reduce_max3A_148 : f32
    %get3A_150 = arith.constant 0 : index
    %get3A_151 = arith.constant 0 : index
    %get3A_152 = vector.load %arg15[%get3A_150, %get3A_151] : memref<1x12xf32, #tpu.memory_space<vmem>>, vector<1x12xf32>
    %abs3A_153 = math.absf %get3A_152 : vector<1x12xf32>
    %reduce_max3A_154 = vector.shape_cast %abs3A_153 : vector<1x12xf32> to vector<1x1x12xf32>
    %reduce_max3A_155 = arith.constant dense<0xFF800000> : vector<1xf32>
    %reduce_max3A_156 = vector.multi_reduction <maximumf>, %reduce_max3A_154, %reduce_max3A_155 [1, 2] : vector<1x1x12xf32> to vector<1xf32>
    %reduce_max3A_157 = vector.shape_cast %reduce_max3A_156 : vector<1xf32> to vector<1x1x1xf32>
    %reduce_max3A_158 = vector.extract %reduce_max3A_157[0, 0, 0] : f32 from vector<1x1x1xf32>
    %add3A_159 = arith.addf %mul3A_149, %reduce_max3A_158 : f32
    %min3A = arith.constant 6.000000e+01 : f32
    %min3A_160 = arith.minimumf %add3A_159, %min3A : f32
    %iota3A = tpu.iota {dimensions = array<i32: 0>} : vector<12x96xi32>
    %iota3A_161 = tpu.iota {dimensions = array<i32: 1>} : vector<12x96xi32>
    %jit3A = arith.constant 8 : i32
    %div3A_162 = vector.broadcast %jit3A : i32 to vector<12x96xi32>
    %div3A_163 = arith.divsi %iota3A_161, %div3A_162 : vector<12x96xi32>
    %sign3A = arith.constant 0 : i32
    %sign3A_164 = vector.broadcast %sign3A : i32 to vector<12x96xi32>
    %sign3A_165 = arith.cmpi sgt, %iota3A_161, %sign3A_164 : vector<12x96xi32>
    %sign3A_166 = arith.extui %sign3A_165 : vector<12x96xi1> to vector<12x96xi32>
    %sign3A_167 = arith.constant 0 : i32
    %sign3A_168 = vector.broadcast %sign3A_167 : i32 to vector<12x96xi32>
    %sign3A_169 = arith.cmpi slt, %iota3A_161, %sign3A_168 : vector<12x96xi32>
    %sign3A_170 = arith.extui %sign3A_169 : vector<12x96xi1> to vector<12x96xi32>
    %sign3A_171 = arith.subi %sign3A_166, %sign3A_170 : vector<12x96xi32>
    %sign3A_172 = arith.constant 0 : i32
    %sign3A_173 = arith.cmpi sgt, %jit3A, %sign3A_172 : i32
    %sign3A_174 = arith.extui %sign3A_173 : i1 to i32
    %sign3A_175 = arith.constant 0 : i32
    %sign3A_176 = arith.cmpi slt, %jit3A, %sign3A_175 : i32
    %sign3A_177 = arith.extui %sign3A_176 : i1 to i32
    %sign3A_178 = arith.subi %sign3A_174, %sign3A_177 : i32
    %ne3A = vector.broadcast %sign3A_178 : i32 to vector<12x96xi32>
    %ne3A_179 = arith.cmpi ne, %sign3A_171, %ne3A : vector<12x96xi32>
    %rem3A = vector.broadcast %jit3A : i32 to vector<12x96xi32>
    %rem3A_180 = arith.remsi %iota3A_161, %rem3A : vector<12x96xi32>
    %ne3A_181 = arith.constant 0 : i32
    %ne3A_182 = vector.broadcast %ne3A_181 : i32 to vector<12x96xi32>
    %ne3A_183 = arith.cmpi ne, %rem3A_180, %ne3A_182 : vector<12x96xi32>
    %and3A = arith.andi %ne3A_179, %ne3A_183 : vector<12x96xi1>
    %sub3A_184 = arith.constant 1 : i32
    %sub3A_185 = vector.broadcast %sub3A_184 : i32 to vector<12x96xi32>
    %sub3A_186 = arith.subi %div3A_163, %sub3A_185 : vector<12x96xi32>
    %select_n3A = arith.select %and3A, %sub3A_186, %div3A_163 : vector<12x96xi1>, vector<12x96xi32>
    %eq3A = arith.cmpi eq, %select_n3A, %iota3A : vector<12x96xi32>
    %jit3A_187 = arith.constant 1.000000e+00 : f32
    %jit3A_188 = arith.constant 0.000000e+00 : f32
    %broadcast_in_dim3A_189 = vector.broadcast %jit3A_187 : f32 to vector<12x96xf32>
    %broadcast_in_dim3A_190 = vector.broadcast %jit3A_188 : f32 to vector<12x96xf32>
    %select_n3A_191 = arith.select %eq3A, %broadcast_in_dim3A_189, %broadcast_in_dim3A_190 : vector<12x96xi1>, vector<12x96xf32>
    %get3A_192 = arith.constant 0 : index
    %get3A_193 = arith.constant 0 : index
    %get3A_194 = vector.load %arg15[%get3A_192, %get3A_193] : memref<1x12xf32, #tpu.memory_space<vmem>>, vector<1x12xf32>
    %sub3A_195 = vector.broadcast %min3A_160 : f32 to vector<1x12xf32>
    %sub3A_196 = arith.subf %get3A_194, %sub3A_195 : vector<1x12xf32>
    %dot_general3A_197 = arith.constant dense<0.000000e+00> : vector<1x96xf32>
    %dot_general3A_198 = tpu.matmul %sub3A_196, %select_n3A_191, %dot_general3A_197 {dimension_numbers = #tpu.dot_dimension_numbers<[1], [0], [0], [1], [0, 0, 1, 1], [], []>, transpose_lhs_hint = false} : vector<1x12xf32>, vector<12x96xf32>, vector<1x96xf32> -> vector<1x96xf32>
    %get3A_199 = arith.constant 0 : index
    %get3A_200 = arith.constant 0 : index
    %get3A_201 = vector.load %arg14[%get3A_199, %get3A_200] : memref<12x12xf32, #tpu.memory_space<vmem>>, vector<12x12xf32>
    %dot_general3A_202 = arith.constant dense<0.000000e+00> : vector<12x96xf32>
    %dot_general3A_203 = tpu.matmul %get3A_201, %select_n3A_191, %dot_general3A_202 {dimension_numbers = #tpu.dot_dimension_numbers<[1], [0], [0], [1], [0, 0, 1, 1], [], []>, transpose_lhs_hint = false} : vector<12x12xf32>, vector<12x96xf32>, vector<12x96xf32> -> vector<12x96xf32>
    %dot_general3A_204 = arith.constant dense<0.000000e+00> : vector<6400x96xf32>
    %dot_general3A_205 = tpu.matmul %max3A_118, %dot_general3A_203, %dot_general3A_204 {dimension_numbers = #tpu.dot_dimension_numbers<[1], [0], [0], [1], [0, 0, 1, 1], [], []>, transpose_lhs_hint = false} : vector<6400x12xf32>, vector<12x96xf32>, vector<6400x96xf32> -> vector<6400x96xf32>
    %add3A_206 = vector.broadcast %dot_general3A_198 : vector<1x96xf32> to vector<6400x96xf32>
    %add3A_207 = arith.addf %dot_general3A_205, %add3A_206 : vector<6400x96xf32>
    %exp3A = math.exp %add3A_207 : vector<6400x96xf32>
    %slice3A_208 = vector.extract_strided_slice %get3A_2 {offsets = [0, 0, 0], sizes = [16, 400, 96], strides = [1, 1, 1]} : vector<16x400x128xf32> to vector<16x400x96xf32>
    %reshape3A_209 = vector.shape_cast %slice3A_208 : vector<16x400x96xf32> to vector<6400x96xf32>
    %add3A_210 = arith.addf %reshape3A_209, %add3A_75 : vector<6400x96xf32>
    %mul3A_211 = arith.mulf %exp3A, %add3A_210 : vector<6400x96xf32>
    %reshape3A_212 = vector.shape_cast %mul3A_211 : vector<6400x96xf32> to vector<16x400x96xf32>
    %reduce_sum3A_213 = arith.constant dense<0.000000e+00> : vector<400x96xf32>
    %reduce_sum3A_214 = vector.multi_reduction <add>, %reshape3A_212, %reduce_sum3A_213 [0] : vector<16x400x96xf32> to vector<400x96xf32>
    %reshape3A_215 = vector.shape_cast %exp3A : vector<6400x96xf32> to vector<16x400x96xf32>
    %reduce_sum3A_216 = arith.constant dense<0.000000e+00> : vector<400x96xf32>
    %reduce_sum3A_217 = vector.multi_reduction <add>, %reshape3A_215, %reduce_sum3A_216 [0] : vector<16x400x96xf32> to vector<400x96xf32>
    %div3A_218 = arith.constant 1.000000e+00 : f32
    %div3A_219 = vector.broadcast %div3A_218 : f32 to vector<400x96xf32>
    %div3A_220 = arith.divf %div3A_219, %reduce_sum3A_217 : vector<400x96xf32>
    %mul3A_221 = arith.mulf %reduce_sum3A_214, %div3A_220 : vector<400x96xf32>
    %swap3A = arith.constant 0 : index
    %swap3A_222 = arith.constant 0 : index
    %swap3A_223 = vector.load %arg16[%swap3A, %swap3A_222] : memref<400x96xf32, #tpu.memory_space<vmem>>, vector<400x96xf32>
    tpu.vector_store %arg16[%swap3A, %swap3A_222], %mul3A_221 {strides = array<i32>} : memref<400x96xf32, #tpu.memory_space<vmem>>, vector<400x96xf32>,
    return
  }
  func.func @transform_0(%arg0: i32) -> (i32, i32, i32) {
    %c0_i32 = arith.constant 0 : i32
    %c0_i32_0 = arith.constant 0 : i32
    %c0_i32_1 = arith.constant 0 : i32
    return %c0_i32, %arg0, %c0_i32_0 : i32, i32, i32
  }
  func.func @transform_1(%arg0: i32) -> (i32, i32) {
    %c0_i32 = arith.constant 0 : i32
    %c0_i32_0 = arith.constant 0 : i32
    return %arg0, %c0_i32 : i32, i32
  }
  func.func @transform_2(%arg0: i32) -> (i32, i32) {
    %c0_i32 = arith.constant 0 : i32
    %c0_i32_0 = arith.constant 0 : i32
    return %arg0, %c0_i32 : i32, i32
  }
  func.func @transform_3(%arg0: i32) -> (i32, i32) {
    %c0_i32 = arith.constant 0 : i32
    %c0_i32_0 = arith.constant 0 : i32
    %c0_i32_1 = arith.constant 0 : i32
    return %c0_i32, %c0_i32_0 : i32, i32
  }
  func.func @transform_4(%arg0: i32) -> (i32, i32) {
    %c0_i32 = arith.constant 0 : i32
    %c0_i32_0 = arith.constant 0 : i32
    %c0_i32_1 = arith.constant 0 : i32
    return %c0_i32, %c0_i32_0 : i32, i32
  }
  func.func @transform_5(%arg0: i32) -> (i32, i32) {
    %c0_i32 = arith.constant 0 : i32
    %c0_i32_0 = arith.constant 0 : i32
    %c0_i32_1 = arith.constant 0 : i32
    return %c0_i32, %c0_i32_0 : i32, i32
  }
  func.func @transform_6(%arg0: i32) -> (i32, i32) {
    %c0_i32 = arith.constant 0 : i32
    %c0_i32_0 = arith.constant 0 : i32
    %c0_i32_1 = arith.constant 0 : i32
    return %c0_i32, %c0_i32_0 : i32, i32
  }
  func.func @transform_7(%arg0: i32) -> (i32, i32) {
    %c0_i32 = arith.constant 0 : i32
    %c0_i32_0 = arith.constant 0 : i32
    %c0_i32_1 = arith.constant 0 : i32
    return %c0_i32, %c0_i32_0 : i32, i32
  }
  func.func @transform_8(%arg0: i32) -> (i32, i32) {
    %c0_i32 = arith.constant 0 : i32
    %c0_i32_0 = arith.constant 0 : i32
    %c0_i32_1 = arith.constant 0 : i32
    return %c0_i32, %c0_i32_0 : i32, i32
  }
  func.func @transform_9(%arg0: i32) -> (i32, i32) {
    %c0_i32 = arith.constant 0 : i32
    %c0_i32_0 = arith.constant 0 : i32
    %c0_i32_1 = arith.constant 0 : i32
    return %c0_i32, %c0_i32_0 : i32, i32
  }
  func.func @transform_10(%arg0: i32) -> (i32, i32) {
    %c0_i32 = arith.constant 0 : i32
    %c0_i32_0 = arith.constant 0 : i32
    %c0_i32_1 = arith.constant 0 : i32
    return %c0_i32, %c0_i32_0 : i32, i32
  }
  func.func @transform_11(%arg0: i32) -> (i32, i32) {
    %c0_i32 = arith.constant 0 : i32
    %c0_i32_0 = arith.constant 0 : i32
    %c0_i32_1 = arith.constant 0 : i32
    return %c0_i32, %c0_i32_0 : i32, i32
  }
  func.func @transform_12(%arg0: i32) -> (i32, i32) {
    %c0_i32 = arith.constant 0 : i32
    %c0_i32_0 = arith.constant 0 : i32
    %c0_i32_1 = arith.constant 0 : i32
    return %c0_i32, %c0_i32_0 : i32, i32
  }
  func.func @transform_13(%arg0: i32) -> (i32, i32) {
    %c0_i32 = arith.constant 0 : i32
    %c0_i32_0 = arith.constant 0 : i32
    %c0_i32_1 = arith.constant 0 : i32
    return %c0_i32, %c0_i32_0 : i32, i32
  }
  func.func @transform_14(%arg0: i32) -> (i32, i32) {
    %c0_i32 = arith.constant 0 : i32
    %c0_i32_0 = arith.constant 0 : i32
    %c0_i32_1 = arith.constant 0 : i32
    return %c0_i32, %c0_i32_0 : i32, i32
  }
  func.func @transform_15(%arg0: i32) -> (i32, i32) {
    %c0_i32 = arith.constant 0 : i32
    %c0_i32_0 = arith.constant 0 : i32
    return %arg0, %c0_i32 : i32, i32
  }
}

module attributes {stable_mosaic.version = 14 : i64} {
  func.func @_attn_body(%arg0: i32, %arg1: memref<16x400x128xf32, #tpu.memory_space<vmem>>, %arg2: memref<400x3xf32, #tpu.memory_space<vmem>>, %arg3: memref<400x12xf32, #tpu.memory_space<vmem>>, %arg4: memref<128x96xf32, #tpu.memory_space<vmem>>, %arg5: memref<3x96xf32, #tpu.memory_space<vmem>>, %arg6: memref<1x96xf32, #tpu.memory_space<vmem>>, %arg7: memref<1x96xf32, #tpu.memory_space<vmem>>, %arg8: memref<1x96xf32, #tpu.memory_space<vmem>>, %arg9: memref<96x96xf32, #tpu.memory_space<vmem>>, %arg10: memref<1x96xf32, #tpu.memory_space<vmem>>, %arg11: memref<96x12xf32, #tpu.memory_space<vmem>>, %arg12: memref<1x12xf32, #tpu.memory_space<vmem>>, %arg13: memref<1x12xf32, #tpu.memory_space<vmem>>, %arg14: memref<12x12xf32, #tpu.memory_space<vmem>>, %arg15: memref<1x12xf32, #tpu.memory_space<vmem>>, %arg16: memref<400x96xf32, #tpu.memory_space<vmem>>) attributes {dimension_semantics = [#tpu.dimension_semantics<arbitrary>], iteration_bounds = array<i64: 35>, scalar_prefetch = 0 : i64, scratch_operands = 0 : i64, tpu.core_type = #tpu.core_type<tc>, window_params = [{transform_indices = @transform_0, window_bounds = array<i64: 16, 400, 128>}, {transform_indices = @transform_1, window_bounds = array<i64: 400, 3>}, {transform_indices = @transform_2, window_bounds = array<i64: 400, 12>}, {pipeline_mode = #tpu.pipeline_mode<synchronous>, transform_indices = @transform_3, window_bounds = array<i64: 128, 96>}, {pipeline_mode = #tpu.pipeline_mode<synchronous>, transform_indices = @transform_4, window_bounds = array<i64: 3, 96>}, {pipeline_mode = #tpu.pipeline_mode<synchronous>, transform_indices = @transform_5, window_bounds = array<i64: 1, 96>}, {pipeline_mode = #tpu.pipeline_mode<synchronous>, transform_indices = @transform_6, window_bounds = array<i64: 1, 96>}, {pipeline_mode = #tpu.pipeline_mode<synchronous>, transform_indices = @transform_7, window_bounds = array<i64: 1, 96>}, {pipeline_mode = #tpu.pipeline_mode<synchronous>, transform_indices = @transform_8, window_bounds = array<i64: 96, 96>}, {pipeline_mode = #tpu.pipeline_mode<synchronous>, transform_indices = @transform_9, window_bounds = array<i64: 1, 96>}, {pipeline_mode = #tpu.pipeline_mode<synchronous>, transform_indices = @transform_10, window_bounds = array<i64: 96, 12>}, {pipeline_mode = #tpu.pipeline_mode<synchronous>, transform_indices = @transform_11, window_bounds = array<i64: 1, 12>}, {pipeline_mode = #tpu.pipeline_mode<synchronous>, transform_indices = @transform_12, window_bounds = array<i64: 1, 12>}, {pipeline_mode = #tpu.pipeline_mode<synchronous>, transform_indices = @transform_13, window_bounds = array<i64: 12, 12>}, {pipeline_mode = #tpu.pipeline_mode<synchronous>, transform_indices = @transform_14, window_bounds = array<i64: 1, 12>}, {transform_indices = @transform_15, window_bounds = array<i64: 400, 96>}]} {
    %get3A = arith.constant 0 : index
    %get3A_0 = arith.constant 0 : index
    %get3A_1 = arith.constant 0 : index
    %get3A_2 = vector.load %arg1[%get3A, %get3A_0, %get3A_1] : memref<16x400x128xf32, #tpu.memory_space<vmem>>, vector<16x400x128xf32>
    %slice3A = vector.extract_strided_slice %get3A_2 {offsets = [0, 0, 112], sizes = [16, 400, 12], strides = [1, 1, 1]} : vector<16x400x128xf32> to vector<16x400x12xf32>
    %get3A_3 = arith.constant 0 : index
    %get3A_4 = arith.constant 0 : index
    %get3A_5 = vector.load %arg3[%get3A_3, %get3A_4] : memref<400x12xf32, #tpu.memory_space<vmem>>, vector<400x12xf32>
    %broadcast_in_dim3A = vector.shape_cast %get3A_5 : vector<400x12xf32> to vector<1x400x12xf32>
    %sub3A = vector.broadcast %broadcast_in_dim3A : vector<1x400x12xf32> to vector<16x400x12xf32>
    %sub3A_6 = arith.subf %slice3A, %sub3A : vector<16x400x12xf32>
    %get3A_7 = arith.constant 0 : index
    %get3A_8 = arith.constant 0 : index
    %get3A_9 = vector.load %arg5[%get3A_7, %get3A_8] : memref<3x96xf32, #tpu.memory_space<vmem>>, vector<3x96xf32>
    %reduce_sum3A = arith.constant dense<0.000000e+00> : vector<3xf32>
    %reduce_sum3A_10 = vector.multi_reduction <add>, %get3A_9, %reduce_sum3A [1] : vector<3x96xf32> to vector<3xf32>
    %broadcast_in_dim3A_11 = vector.shape_cast %reduce_sum3A_10 : vector<3xf32> to vector<3x1xf32>
    %div3A = arith.constant 9.600000e+01 : f32
    %div3A_12 = vector.broadcast %div3A : f32 to vector<3x1xf32>
    %div3A_13 = arith.divf %broadcast_in_dim3A_11, %div3A_12 : vector<3x1xf32>
    %sub3A_14 = vector.broadcast %div3A_13 : vector<3x1xf32> to vector<3x96xf32>
    %sub3A_15 = arith.subf %get3A_9, %sub3A_14 : vector<3x96xf32>
    %get3A_16 = arith.constant 0 : index
    %get3A_17 = arith.constant 0 : index
    %get3A_18 = vector.load %arg6[%get3A_16, %get3A_17] : memref<1x96xf32, #tpu.memory_space<vmem>>, vector<1x96xf32>
    %get3A_19 = arith.constant 0 : index
    %get3A_20 = arith.constant 0 : index
    %get3A_21 = vector.load %arg6[%get3A_19, %get3A_20] : memref<1x96xf32, #tpu.memory_space<vmem>>, vector<1x96xf32>
    %reduce_sum3A_22 = vector.shape_cast %get3A_21 : vector<1x96xf32> to vector<1x1x96xf32>
    %reduce_sum3A_23 = arith.constant dense<0.000000e+00> : vector<1xf32>
    %reduce_sum3A_24 = vector.multi_reduction <add>, %reduce_sum3A_22, %reduce_sum3A_23 [1, 2] : vector<1x1x96xf32> to vector<1xf32>
    %reduce_sum3A_25 = vector.shape_cast %reduce_sum3A_24 : vector<1xf32> to vector<1x1x1xf32>
    %reduce_sum3A_26 = vector.extract %reduce_sum3A_25[0, 0, 0] : f32 from vector<1x1x1xf32>
    %div3A_27 = arith.constant 9.600000e+01 : f32
    %div3A_28 = arith.divf %reduce_sum3A_26, %div3A_27 : f32
    %sub3A_29 = vector.broadcast %div3A_28 : f32 to vector<1x96xf32>
    %sub3A_30 = arith.subf %get3A_18, %sub3A_29 : vector<1x96xf32>
    %get3A_31 = arith.constant 0 : index
    %get3A_32 = arith.constant 0 : index
    %get3A_33 = vector.load %arg2[%get3A_31, %get3A_32] : memref<400x3xf32, #tpu.memory_space<vmem>>, vector<400x3xf32>
    %dot_general3A = arith.constant dense<0.000000e+00> : vector<400x96xf32>
    %dot_general3A_34 = tpu.matmul %get3A_33, %sub3A_15, %dot_general3A {dimension_numbers = #tpu.dot_dimension_numbers<[1], [0], [0], [1], [0, 0, 1, 1], [], []>, transpose_lhs_hint = false} : vector<400x3xf32>, vector<3x96xf32>, vector<400x96xf32> -> vector<400x96xf32>
    %sub3A_35 = vector.broadcast %sub3A_30 : vector<1x96xf32> to vector<400x96xf32>
    %sub3A_36 = arith.subf %dot_general3A_34, %sub3A_35 : vector<400x96xf32>
    %reshape3A = vector.shape_cast %get3A_2 : vector<16x400x128xf32> to vector<6400x128xf32>
    %get3A_37 = arith.constant 0 : index
    %get3A_38 = arith.constant 0 : index
    %get3A_39 = vector.load %arg4[%get3A_37, %get3A_38] : memref<128x96xf32, #tpu.memory_space<vmem>>, vector<128x96xf32>
    %dot_general3A_40 = arith.constant dense<0.000000e+00> : vector<6400x96xf32>
    %dot_general3A_41 = tpu.matmul %reshape3A, %get3A_39, %dot_general3A_40 {dimension_numbers = #tpu.dot_dimension_numbers<[1], [0], [0], [1], [0, 0, 1, 1], [], []>, transpose_lhs_hint = false} : vector<6400x128xf32>, vector<128x96xf32>, vector<6400x96xf32> -> vector<6400x96xf32>
    %reshape3A_42 = vector.shape_cast %dot_general3A_41 : vector<6400x96xf32> to vector<16x400x96xf32>
    %broadcast_in_dim3A_43 = vector.shape_cast %sub3A_36 : vector<400x96xf32> to vector<1x400x96xf32>
    %sub3A_44 = vector.broadcast %broadcast_in_dim3A_43 : vector<1x400x96xf32> to vector<16x400x96xf32>
    %sub3A_45 = arith.subf %reshape3A_42, %sub3A_44 : vector<16x400x96xf32>
    %reshape3A_46 = vector.shape_cast %sub3A_45 : vector<16x400x96xf32> to vector<6400x96xf32>
    %get3A_47 = arith.constant 0 : index
    %get3A_48 = arith.constant 0 : index
    %get3A_49 = vector.load %arg7[%get3A_47, %get3A_48] : memref<1x96xf32, #tpu.memory_space<vmem>>, vector<1x96xf32>
    %get3A_50 = arith.constant 0 : index
    %get3A_51 = arith.constant 0 : index
    %get3A_52 = vector.load %arg8[%get3A_50, %get3A_51] : memref<1x96xf32, #tpu.memory_space<vmem>>, vector<1x96xf32>
    %broadcast_in_dim3A_53 = arith.constant 0.010416667 : f32
    %broadcast_in_dim3A_54 = vector.broadcast %broadcast_in_dim3A_53 : f32 to vector<96x96xf32>
    %mul3A = arith.mulf %reshape3A_46, %reshape3A_46 : vector<6400x96xf32>
    %dot_general3A_55 = arith.constant dense<0.000000e+00> : vector<6400x96xf32>
    %dot_general3A_56 = tpu.matmul %mul3A, %broadcast_in_dim3A_54, %dot_general3A_55 {dimension_numbers = #tpu.dot_dimension_numbers<[1], [0], [0], [1], [0, 0, 1, 1], [], []>, transpose_lhs_hint = false} : vector<6400x96xf32>, vector<96x96xf32>, vector<6400x96xf32> -> vector<6400x96xf32>
    %add3A = arith.constant 9.99999974E-6 : f32
    %add3A_57 = vector.broadcast %add3A : f32 to vector<6400x96xf32>
    %add3A_58 = arith.addf %dot_general3A_56, %add3A_57 : vector<6400x96xf32>
    %rsqrt3A = math.rsqrt %add3A_58 : vector<6400x96xf32>
    %mul3A_59 = arith.mulf %reshape3A_46, %rsqrt3A : vector<6400x96xf32>
    %mul3A_60 = vector.broadcast %get3A_49 : vector<1x96xf32> to vector<6400x96xf32>
    %mul3A_61 = arith.mulf %mul3A_59, %mul3A_60 : vector<6400x96xf32>
    %add3A_62 = vector.broadcast %get3A_52 : vector<1x96xf32> to vector<6400x96xf32>
    %add3A_63 = arith.addf %mul3A_61, %add3A_62 : vector<6400x96xf32>
    %max3A = arith.constant 0.000000e+00 : f32
    %max3A_64 = vector.broadcast %max3A : f32 to vector<6400x96xf32>
    %max3A_65 = arith.maximumf %add3A_63, %max3A_64 : vector<6400x96xf32>
    %get3A_66 = arith.constant 0 : index
    %get3A_67 = arith.constant 0 : index
    %get3A_68 = vector.load %arg9[%get3A_66, %get3A_67] : memref<96x96xf32, #tpu.memory_space<vmem>>, vector<96x96xf32>
    %dot_general3A_69 = arith.constant dense<0.000000e+00> : vector<6400x96xf32>
    %dot_general3A_70 = tpu.matmul %max3A_65, %get3A_68, %dot_general3A_69 {dimension_numbers = #tpu.dot_dimension_numbers<[1], [0], [0], [1], [0, 0, 1, 1], [], []>, transpose_lhs_hint = false} : vector<6400x96xf32>, vector<96x96xf32>, vector<6400x96xf32> -> vector<6400x96xf32>
    %get3A_71 = arith.constant 0 : index
    %get3A_72 = arith.constant 0 : index
    %get3A_73 = vector.load %arg10[%get3A_71, %get3A_72] : memref<1x96xf32, #tpu.memory_space<vmem>>, vector<1x96xf32>
    %add3A_74 = vector.broadcast %get3A_73 : vector<1x96xf32> to vector<6400x96xf32>
    %add3A_75 = arith.addf %dot_general3A_70, %add3A_74 : vector<6400x96xf32>
    %get3A_76 = arith.constant 0 : index
    %get3A_77 = arith.constant 0 : index
    %get3A_78 = vector.load %arg11[%get3A_76, %get3A_77] : memref<96x12xf32, #tpu.memory_space<vmem>>, vector<96x12xf32>
    %reduce_sum3A_79 = arith.constant dense<0.000000e+00> : vector<96xf32>
    %reduce_sum3A_80 = vector.multi_reduction <add>, %get3A_78, %reduce_sum3A_79 [1] : vector<96x12xf32> to vector<96xf32>
    %broadcast_in_dim3A_81 = vector.shape_cast %reduce_sum3A_80 : vector<96xf32> to vector<96x1xf32>
    %div3A_82 = arith.constant 1.200000e+01 : f32
    %div3A_83 = vector.broadcast %div3A_82 : f32 to vector<96x1xf32>
    %div3A_84 = arith.divf %broadcast_in_dim3A_81, %div3A_83 : vector<96x1xf32>
    %sub3A_85 = vector.broadcast %div3A_84 : vector<96x1xf32> to vector<96x12xf32>
    %sub3A_86 = arith.subf %get3A_78, %sub3A_85 : vector<96x12xf32>
    %get3A_87 = arith.constant 0 : index
    %get3A_88 = arith.constant 0 : index
    %get3A_89 = vector.load %arg9[%get3A_87, %get3A_88] : memref<96x96xf32, #tpu.memory_space<vmem>>, vector<96x96xf32>
    %dot_general3A_90 = arith.constant dense<0.000000e+00> : vector<96x12xf32>
    %dot_general3A_91 = tpu.matmul %get3A_89, %sub3A_86, %dot_general3A_90 {dimension_numbers = #tpu.dot_dimension_numbers<[1], [0], [0], [1], [0, 0, 1, 1], [], []>, transpose_lhs_hint = false} : vector<96x96xf32>, vector<96x12xf32>, vector<96x12xf32> -> vector<96x12xf32>
    %dot_general3A_92 = arith.constant dense<0.000000e+00> : vector<6400x12xf32>
    %dot_general3A_93 = tpu.matmul %max3A_65, %dot_general3A_91, %dot_general3A_92 {dimension_numbers = #tpu.dot_dimension_numbers<[1], [0], [0], [1], [0, 0, 1, 1], [], []>, transpose_lhs_hint = false} : vector<6400x96xf32>, vector<96x12xf32>, vector<6400x12xf32> -> vector<6400x12xf32>
    %reshape3A_94 = vector.shape_cast %sub3A_6 : vector<16x400x12xf32> to vector<6400x12xf32>
    %add3A_95 = arith.addf %reshape3A_94, %dot_general3A_93 : vector<6400x12xf32>
    %get3A_96 = arith.constant 0 : index
    %get3A_97 = arith.constant 0 : index
    %get3A_98 = vector.load %arg12[%get3A_96, %get3A_97] : memref<1x12xf32, #tpu.memory_space<vmem>>, vector<1x12xf32>
    %get3A_99 = arith.constant 0 : index
    %get3A_100 = arith.constant 0 : index
    %get3A_101 = vector.load %arg13[%get3A_99, %get3A_100] : memref<1x12xf32, #tpu.memory_space<vmem>>, vector<1x12xf32>
    %broadcast_in_dim3A_102 = arith.constant 0.0833333358 : f32
    %broadcast_in_dim3A_103 = vector.broadcast %broadcast_in_dim3A_102 : f32 to vector<12x12xf32>
    %mul3A_104 = arith.mulf %add3A_95, %add3A_95 : vector<6400x12xf32>
    %dot_general3A_105 = arith.constant dense<0.000000e+00> : vector<6400x12xf32>
    %dot_general3A_106 = tpu.matmul %mul3A_104, %broadcast_in_dim3A_103, %dot_general3A_105 {dimension_numbers = #tpu.dot_dimension_numbers<[1], [0], [0], [1], [0, 0, 1, 1], [], []>, transpose_lhs_hint = false} : vector<6400x12xf32>, vector<12x12xf32>, vector<6400x12xf32> -> vector<6400x12xf32>
    %add3A_107 = arith.constant 9.99999974E-6 : f32
    %add3A_108 = vector.broadcast %add3A_107 : f32 to vector<6400x12xf32>
    %add3A_109 = arith.addf %dot_general3A_106, %add3A_108 : vector<6400x12xf32>
    %rsqrt3A_110 = math.rsqrt %add3A_109 : vector<6400x12xf32>
    %mul3A_111 = arith.mulf %add3A_95, %rsqrt3A_110 : vector<6400x12xf32>
    %mul3A_112 = vector.broadcast %get3A_98 : vector<1x12xf32> to vector<6400x12xf32>
    %mul3A_113 = arith.mulf %mul3A_111, %mul3A_112 : vector<6400x12xf32>
    %add3A_114 = vector.broadcast %get3A_101 : vector<1x12xf32> to vector<6400x12xf32>
    %add3A_115 = arith.addf %mul3A_113, %add3A_114 : vector<6400x12xf32>
    %max3A_116 = arith.constant 0.000000e+00 : f32
    %max3A_117 = vector.broadcast %max3A_116 : f32 to vector<6400x12xf32>
    %max3A_118 = arith.maximumf %add3A_115, %max3A_117 : vector<6400x12xf32>
    %sqrt3A = arith.constant 1.100000e+01 : f32
    %sqrt3A_119 = math.sqrt %sqrt3A : f32
    %get3A_120 = arith.constant 0 : index
    %get3A_121 = arith.constant 0 : index
    %get3A_122 = vector.load %arg12[%get3A_120, %get3A_121] : memref<1x12xf32, #tpu.memory_space<vmem>>, vector<1x12xf32>
    %abs3A = math.absf %get3A_122 : vector<1x12xf32>
    %reduce_max3A = vector.shape_cast %abs3A : vector<1x12xf32> to vector<1x1x12xf32>
    %reduce_max3A_123 = arith.constant dense<0xFF800000> : vector<1xf32>
    %reduce_max3A_124 = vector.multi_reduction <maximumf>, %reduce_max3A, %reduce_max3A_123 [1, 2] : vector<1x1x12xf32> to vector<1xf32>
    %reduce_max3A_125 = vector.shape_cast %reduce_max3A_124 : vector<1xf32> to vector<1x1x1xf32>
    %reduce_max3A_126 = vector.extract %reduce_max3A_125[0, 0, 0] : f32 from vector<1x1x1xf32>
    %mul3A_127 = arith.mulf %sqrt3A_119, %reduce_max3A_126 : f32
    %get3A_128 = arith.constant 0 : index
    %get3A_129 = arith.constant 0 : index
    %get3A_130 = vector.load %arg13[%get3A_128, %get3A_129] : memref<1x12xf32, #tpu.memory_space<vmem>>, vector<1x12xf32>
    %abs3A_131 = math.absf %get3A_130 : vector<1x12xf32>
    %reduce_max3A_132 = vector.shape_cast %abs3A_131 : vector<1x12xf32> to vector<1x1x12xf32>
    %reduce_max3A_133 = arith.constant dense<0xFF800000> : vector<1xf32>
    %reduce_max3A_134 = vector.multi_reduction <maximumf>, %reduce_max3A_132, %reduce_max3A_133 [1, 2] : vector<1x1x12xf32> to vector<1xf32>
    %reduce_max3A_135 = vector.shape_cast %reduce_max3A_134 : vector<1xf32> to vector<1x1x1xf32>
    %reduce_max3A_136 = vector.extract %reduce_max3A_135[0, 0, 0] : f32 from vector<1x1x1xf32>
    %add3A_137 = arith.addf %mul3A_127, %reduce_max3A_136 : f32
    %get3A_138 = arith.constant 0 : index
    %get3A_139 = arith.constant 0 : index
    %get3A_140 = vector.load %arg14[%get3A_138, %get3A_139] : memref<12x12xf32, #tpu.memory_space<vmem>>, vector<12x12xf32>
    %abs3A_141 = math.absf %get3A_140 : vector<12x12xf32>
    %reduce_sum3A_142 = arith.constant dense<0.000000e+00> : vector<12xf32>
    %reduce_sum3A_143 = vector.multi_reduction <add>, %abs3A_141, %reduce_sum3A_142 [0] : vector<12x12xf32> to vector<12xf32>
    %reduce_max3A_144 = vector.shape_cast %reduce_sum3A_143 : vector<12xf32> to vector<1x12xf32>
    %reduce_max3A_145 = arith.constant dense<0xFF800000> : vector<1xf32>
    %reduce_max3A_146 = vector.multi_reduction <maximumf>, %reduce_max3A_144, %reduce_max3A_145 [1] : vector<1x12xf32> to vector<1xf32>
    %reduce_max3A_147 = vector.shape_cast %reduce_max3A_146 : vector<1xf32> to vector<1x1xf32>
    %reduce_max3A_148 = vector.extract %reduce_max3A_147[0, 0] : f32 from vector<1x1xf32>
    %mul3A_149 = arith.mulf %add3A_137, %reduce_max3A_148 : f32
    %get3A_150 = arith.constant 0 : index
    %get3A_151 = arith.constant 0 : index
    %get3A_152 = vector.load %arg15[%get3A_150, %get3A_151] : memref<1x12xf32, #tpu.memory_space<vmem>>, vector<1x12xf32>
    %abs3A_153 = math.absf %get3A_152 : vector<1x12xf32>
    %reduce_max3A_154 = vector.shape_cast %abs3A_153 : vector<1x12xf32> to vector<1x1x12xf32>
    %reduce_max3A_155 = arith.constant dense<0xFF800000> : vector<1xf32>
    %reduce_max3A_156 = vector.multi_reduction <maximumf>, %reduce_max3A_154, %reduce_max3A_155 [1, 2] : vector<1x1x12xf32> to vector<1xf32>
    %reduce_max3A_157 = vector.shape_cast %reduce_max3A_156 : vector<1xf32> to vector<1x1x1xf32>
    %reduce_max3A_158 = vector.extract %reduce_max3A_157[0, 0, 0] : f32 from vector<1x1x1xf32>
    %add3A_159 = arith.addf %mul3A_149, %reduce_max3A_158 : f32
    %min3A = arith.constant 6.000000e+01 : f32
    %min3A_160 = arith.minimumf %add3A_159, %min3A : f32
    %iota3A = tpu.iota {dimensions = array<i32: 0>} : vector<12x96xi32>
    %iota3A_161 = tpu.iota {dimensions = array<i32: 1>} : vector<12x96xi32>
    %jit3A = arith.constant 8 : i32
    %div3A_162 = vector.broadcast %jit3A : i32 to vector<12x96xi32>
    %div3A_163 = arith.divsi %iota3A_161, %div3A_162 : vector<12x96xi32>
    %sign3A = arith.constant 0 : i32
    %sign3A_164 = vector.broadcast %sign3A : i32 to vector<12x96xi32>
    %sign3A_165 = arith.cmpi sgt, %iota3A_161, %sign3A_164 : vector<12x96xi32>
    %sign3A_166 = arith.extui %sign3A_165 : vector<12x96xi1> to vector<12x96xi32>
    %sign3A_167 = arith.constant 0 : i32
    %sign3A_168 = vector.broadcast %sign3A_167 : i32 to vector<12x96xi32>
    %sign3A_169 = arith.cmpi slt, %iota3A_161, %sign3A_168 : vector<12x96xi32>
    %sign3A_170 = arith.extui %sign3A_169 : vector<12x96xi1> to vector<12x96xi32>
    %sign3A_171 = arith.subi %sign3A_166, %sign3A_170 : vector<12x96xi32>
    %sign3A_172 = arith.constant 0 : i32
    %sign3A_173 = arith.cmpi sgt, %jit3A, %sign3A_172 : i32
    %sign3A_174 = arith.extui %sign3A_173 : i1 to i32
    %sign3A_175 = arith.constant 0 : i32
    %sign3A_176 = arith.cmpi slt, %jit3A, %sign3A_175 : i32
    %sign3A_177 = arith.extui %sign3A_176 : i1 to i32
    %sign3A_178 = arith.subi %sign3A_174, %sign3A_177 : i32
    %ne3A = vector.broadcast %sign3A_178 : i32 to vector<12x96xi32>
    %ne3A_179 = arith.cmpi ne, %sign3A_171, %ne3A : vector<12x96xi32>
    %rem3A = vector.broadcast %jit3A : i32 to vector<12x96xi32>
    %rem3A_180 = arith.remsi %iota3A_161, %rem3A : vector<12x96xi32>
    %ne3A_181 = arith.constant 0 : i32
    %ne3A_182 = vector.broadcast %ne3A_181 : i32 to vector<12x96xi32>
    %ne3A_183 = arith.cmpi ne, %rem3A_180, %ne3A_182 : vector<12x96xi32>
    %and3A = arith.andi %ne3A_179, %ne3A_183 : vector<12x96xi1>
    %sub3A_184 = arith.constant 1 : i32
    %sub3A_185 = vector.broadcast %sub3A_184 : i32 to vector<12x96xi32>
    %sub3A_186 = arith.subi %div3A_163, %sub3A_185 : vector<12x96xi32>
    %select_n3A = arith.select %and3A, %sub3A_186, %div3A_163 : vector<12x96xi1>, vector<12x96xi32>
    %eq3A = arith.cmpi eq, %select_n3A, %iota3A : vector<12x96xi32>
    %jit3A_187 = arith.constant 1.000000e+00 : f32
    %jit3A_188 = arith.constant 0.000000e+00 : f32
    %broadcast_in_dim3A_189 = vector.broadcast %jit3A_187 : f32 to vector<12x96xf32>
    %broadcast_in_dim3A_190 = vector.broadcast %jit3A_188 : f32 to vector<12x96xf32>
    %select_n3A_191 = arith.select %eq3A, %broadcast_in_dim3A_189, %broadcast_in_dim3A_190 : vector<12x96xi1>, vector<12x96xf32>
    %get3A_192 = arith.constant 0 : index
    %get3A_193 = arith.constant 0 : index
    %get3A_194 = vector.load %arg15[%get3A_192, %get3A_193] : memref<1x12xf32, #tpu.memory_space<vmem>>, vector<1x12xf32>
    %sub3A_195 = vector.broadcast %min3A_160 : f32 to vector<1x12xf32>
    %sub3A_196 = arith.subf %get3A_194, %sub3A_195 : vector<1x12xf32>
    %dot_general3A_197 = arith.constant dense<0.000000e+00> : vector<1x96xf32>
    %dot_general3A_198 = tpu.matmul %sub3A_196, %select_n3A_191, %dot_general3A_197 {dimension_numbers = #tpu.dot_dimension_numbers<[1], [0], [0], [1], [0, 0, 1, 1], [], []>, transpose_lhs_hint = false} : vector<1x12xf32>, vector<12x96xf32>, vector<1x96xf32> -> vector<1x96xf32>
    %get3A_199 = arith.constant 0 : index
    %get3A_200 = arith.constant 0 : index
    %get3A_201 = vector.load %arg14[%get3A_199, %get3A_200] : memref<12x12xf32, #tpu.memory_space<vmem>>, vector<12x12xf32>
    %dot_general3A_202 = arith.constant dense<0.000000e+00> : vector<12x96xf32>
    %dot_general3A_203 = tpu.matmul %get3A_201, %select_n3A_191, %dot_general3A_202 {dimension_numbers = #tpu.dot_dimension_numbers<[1], [0], [0], [1], [0, 0, 1, 1], [], []>, transpose_lhs_hint = false} : vector<12x12xf32>, vector<12x96xf32>, vector<12x96xf32> -> vector<12x96xf32>
    %dot_general3A_204 = arith.constant dense<0.000000e+00> : vector<6400x96xf32>
    %dot_general3A_205 = tpu.matmul %max3A_118, %dot_general3A_203, %dot_general3A_204 {dimension_numbers = #tpu.dot_dimension_numbers<[1], [0], [0], [1], [0, 0, 1, 1], [], []>, transpose_lhs_hint = false} : vector<6400x12xf32>, vector<12x96xf32>, vector<6400x96xf32> -> vector<6400x96xf32>
    %add3A_206 = vector.broadcast %dot_general3A_198 : vector<1x96xf32> to vector<6400x96xf32>
    %add3A_207 = arith.addf %dot_general3A_205, %add3A_206 : vector<6400x96xf32>
    %exp3A = math.exp %add3A_207 : vector<6400x96xf32>
    %slice3A_208 = vector.extract_strided_slice %get3A_2 {offsets = [0, 0, 0], sizes = [16, 400, 96], strides = [1, 1, 1]} : vector<16x400x128xf32> to vector<16x400x96xf32>
    %reshape3A_209 = vector.shape_cast %slice3A_208 : vector<16x400x96xf32> to vector<6400x96xf32>
    %add3A_210 = arith.addf %reshape3A_209, %add3A_75 : vector<6400x96xf32>
    %mul3A_211 = arith.mulf %exp3A, %add3A_210 : vector<6400x96xf32>
    %reshape3A_212 = vector.shape_cast %mul3A_211 : vector<6400x96xf32> to vector<16x400x96xf32>
    %reduce_sum3A_213 = arith.constant dense<0.000000e+00> : vector<400x96xf32>
    %reduce_sum3A_214 = vector.multi_reduction <add>, %reshape3A_212, %reduce_sum3A_213 [0] : vector<16x400x96xf32> to vector<400x96xf32>
    %reshape3A_215 = vector.shape_cast %exp3A : vector<6400x96xf32> to vector<16x400x96xf32>
    %reduce_sum3A_216 = arith.constant dense<0.000000e+00> : vector<400x96xf32>
    %reduce_sum3A_217 = vector.multi_reduction <add>, %reshape3A_215, %reduce_sum3A_216 [0] : vector<16x400x96xf32> to vector<400x96xf32>
    %div3A_218 = arith.constant 1.000000e+00 : f32
    %div3A_219 = vector.broadcast %div3A_218 : f32 to vector<400x96xf32>
    %div3A_220 = arith.divf %div3A_219, %reduce_sum3A_217 : vector<400x96xf32>
    %mul3A_221 = arith.mulf %reduce_sum3A_214, %div3A_220 : vector<400x96xf32>
    %swap3A = arith.constant 0 : index
    %swap3A_222 = arith.constant 0 : index
    %swap3A_223 = vector.load %arg16[%swap3A, %swap3A_222] : memref<400x96xf32, #tpu.memory_space<vmem>>, vector<400x96xf32>
    tpu.vector_store %arg16[%swap3A, %swap3A_222], %mul3A_221 {strides = array<i32>} : memref<400x96xf32, #tpu.memory_space<vmem>>, vector<400x96xf32>,
    return
  }
  func.func @transform_0(%arg0: i32) -> (i32, i32, i32) {
    %c0_i32 = arith.constant 0 : i32
    %c0_i32_0 = arith.constant 0 : i32
    %c0_i32_1 = arith.constant 0 : i32
    return %c0_i32, %arg0, %c0_i32_0 : i32, i32, i32
  }
  func.func @transform_1(%arg0: i32) -> (i32, i32) {
    %c0_i32 = arith.constant 0 : i32
    %c0_i32_0 = arith.constant 0 : i32
    return %arg0, %c0_i32 : i32, i32
  }
  func.func @transform_2(%arg0: i32) -> (i32, i32) {
    %c0_i32 = arith.constant 0 : i32
    %c0_i32_0 = arith.constant 0 : i32
    return %arg0, %c0_i32 : i32, i32
  }
  func.func @transform_3(%arg0: i32) -> (i32, i32) {
    %c0_i32 = arith.constant 0 : i32
    %c0_i32_0 = arith.constant 0 : i32
    %c0_i32_1 = arith.constant 0 : i32
    return %c0_i32, %c0_i32_0 : i32, i32
  }
  func.func @transform_4(%arg0: i32) -> (i32, i32) {
    %c0_i32 = arith.constant 0 : i32
    %c0_i32_0 = arith.constant 0 : i32
    %c0_i32_1 = arith.constant 0 : i32
    return %c0_i32, %c0_i32_0 : i32, i32
  }
  func.func @transform_5(%arg0: i32) -> (i32, i32) {
    %c0_i32 = arith.constant 0 : i32
    %c0_i32_0 = arith.constant 0 : i32
    %c0_i32_1 = arith.constant 0 : i32
    return %c0_i32, %c0_i32_0 : i32, i32
  }
  func.func @transform_6(%arg0: i32) -> (i32, i32) {
    %c0_i32 = arith.constant 0 : i32
    %c0_i32_0 = arith.constant 0 : i32
    %c0_i32_1 = arith.constant 0 : i32
    return %c0_i32, %c0_i32_0 : i32, i32
  }
  func.func @transform_7(%arg0: i32) -> (i32, i32) {
    %c0_i32 = arith.constant 0 : i32
    %c0_i32_0 = arith.constant 0 : i32
    %c0_i32_1 = arith.constant 0 : i32
    return %c0_i32, %c0_i32_0 : i32, i32
  }
  func.func @transform_8(%arg0: i32) -> (i32, i32) {
    %c0_i32 = arith.constant 0 : i32
    %c0_i32_0 = arith.constant 0 : i32
    %c0_i32_1 = arith.constant 0 : i32
    return %c0_i32, %c0_i32_0 : i32, i32
  }
  func.func @transform_9(%arg0: i32) -> (i32, i32) {
    %c0_i32 = arith.constant 0 : i32
    %c0_i32_0 = arith.constant 0 : i32
    %c0_i32_1 = arith.constant 0 : i32
    return %c0_i32, %c0_i32_0 : i32, i32
  }
  func.func @transform_10(%arg0: i32) -> (i32, i32) {
    %c0_i32 = arith.constant 0 : i32
    %c0_i32_0 = arith.constant 0 : i32
    %c0_i32_1 = arith.constant 0 : i32
    return %c0_i32, %c0_i32_0 : i32, i32
  }
  func.func @transform_11(%arg0: i32) -> (i32, i32) {
    %c0_i32 = arith.constant 0 : i32
    %c0_i32_0 = arith.constant 0 : i32
    %c0_i32_1 = arith.constant 0 : i32
    return %c0_i32, %c0_i32_0 : i32, i32
  }
  func.func @transform_12(%arg0: i32) -> (i32, i32) {
    %c0_i32 = arith.constant 0 : i32
    %c0_i32_0 = arith.constant 0 : i32
    %c0_i32_1 = arith.constant 0 : i32
    return %c0_i32, %c0_i32_0 : i32, i32
  }
  func.func @transform_13(%arg0: i32) -> (i32, i32) {
    %c0_i32 = arith.constant 0 : i32
    %c0_i32_0 = arith.constant 0 : i32
    %c0_i32_1 = arith.constant 0 : i32
    return %c0_i32, %c0_i32_0 : i32, i32
  }
  func.func @transform_14(%arg0: i32) -> (i32, i32) {
    %c0_i32 = arith.constant 0 : i32
    %c0_i32_0 = arith.constant 0 : i32
    %c0_i32_1 = arith.constant 0 : i32
    return %c0_i32, %c0_i32_0 : i32, i32
  }
  func.func @transform_15(%arg0: i32) -> (i32, i32) {
    %c0_i32 = arith.constant 0 : i32
    %c0_i32_0 = arith.constant 0 : i32
    return %arg0, %c0_i32 : i32, i32
  }
}

</mosaic_0001>

<sc_bundles>
// kernel: kernel.11.cloned.1.call-start
scs
__scs_entry_jumppad:
0x0: {  	(pc) =	sbr.rel $0x88, $3  }
0x1: {  	(tag) =	ssettag $0x0;
	lr =	simm.s32 $0x1  }
0x2: {  	[smem:$0x3F86] =	sst lr;
	_ =	strace $0xD0000000  }
0x3: {  	_ = 	snop  }
0x4: {  	_ = 	snop  }
0x5: {  	_ = 	snop  }
0x6: {  	_ = 	snop  }
0x7: {  	_ = 	snop  }
__scs_overlays_trampoline_lowered:
0x8: {  	[smem:$0x3F95] =	sst s0  }
0x9: {  	[smem:$0x3F96] =	sst s1  }
0xa: {  	[smem:$0x3F97] =	sst s2  }
0xb: {  	[smem:$0x3F98] =	sst s3  }
0xc: {  	[smem:$0x3F99] =	sst s4  }
0xd: {  	[smem:$0x3F9A] =	sst s5  }
0xe: {  	[smem:$0x3F9B] =	sst s6  }
0xf: {  	[smem:$0x3F9C] =	sst s7  }
0x10: {  	[smem:$0x3F9D] =	sst s8  }
0x11: {  	[smem:$0x3F9E] =	sst s9;
	s0 =	simm.s32 @!p0 $0x0  }
0x12: {  	s1 =	sld [smem:$0x3F84];
	s0 =	simm.s32 @p0 $0x1  }
0x13: {  	[smem:$0x3F9F] =	sst s0;
	s0 =	simm.s32 @!p1 $0x0  }
0x14: {  	s2 =	sld [smem:$0x3F83];
	s0 =	simm.s32 @p1 $0x1  }
0x15: {  	[smem:$0x3FA0] =	sst s0;
	s0 =	simm.s32 @!p2 $0x0  }
0x16: {  	s3 =	sld [smem:$0x3FDB];
	s0 =	simm.s32 @p2 $0x1  }
0x17: {  	s4 =	simm.s32 $0x1BF5;
	[smem:$0x3FA2] =	sst s0  }
0x18: {  	s0 =	sld [smem:$0x3F85];
	_ =	swait.ge [sflag:s4], $0x0  }
0x19: {  	s7 =	sld [smem:$0x3F86]  }
0x1a: {  	s8 =	sadd.s32 $0xFFFFE003, lr  }
0x1b: {  	s9 =	sadd.s32 $0xFFFFFEF7, lr;
	s5 =	simm.s32 $0xFFFFFFFF;
	p2 =	slt.u32 s8, $0xFFFFF086  }
0x1c: {  	p1 =	slt.u32 s9, $0xF7A;
	s5 =	simm.s32 @!p2 $0x0  }
0x1d: {  	s5 =	simm.s32 @p1 $0x1;
	p0 =	seq.s32 s7, s2  }
0x1e: {  	s7 =	smul.u32 @!p0 $0xF7A, s2;
	p2 =	seq.s32 @!p0 s5, $0x0  }
0x1f: {  	s9 =	smul.u32 $0xF7A, s1;
	s8 =	simm.s32 @!p0 $0x1BF5;
	p2 =	por !p2, p0  }
0x20: {  	[sflag:s8] =	ssyncset.s32 @!p0 $0xFFFFF086;
	s6 =	sadd.s32 @!p0 s3, s7;
	s7 =	simm.s32 @!p0 $0x108  }
0x21: {  	s3 =	sadd.s32 s3, s9;
	s6 =	sadd.s32 @!p0 $0x88, s6;
	s7 =	simm.s32 @p2 $0x1082  }
0x22: {  	[simem:s7], [sflag:s8] =	dma.local @!p0 [hbm:s6], $0xF7A  }
0x23: {  	s9 =	sor.u32 $0xD0000000, s2;
	s6 =	simm.s32 $0x108;
	_ =	swait.ge @!p0 [sflag:s8], $0x0  }
0x24: {  	s3 =	sadd.s32 $0x88, s3;
	s6 =	simm.s32 @!p1 $0x1082;
	[sflag:s4] =	ssyncset.s32 $0xFFFFF086  }
0x25: {  	[simem:s6], [sflag:s4] =	dma.local [hbm:s3], $0xF7A  }
0x26: {  	[smem:$0x3F86] =	sst s1;
	(tag) =	ssettag s2;
	_ =	strace s9  }
0x27: {  	s1 =	sld [smem:$0x3F96]  }
0x28: {  	s2 =	sld [smem:$0x3F97]  }
0x29: {  	s4 =	sld [smem:$0x3F99]  }
0x2a: {  	p0 =	seq.s32 s5, $0x0;
	s5 =	sld [smem:$0x3F9A]  }
0x2b: {  	s6 =	sld [smem:$0x3F9B]  }
0x2c: {  	s7 =	sld [smem:$0x3F9C]  }
0x2d: {  	s3 =	simm.s32 $0x108;
	s8 =	sld [smem:$0x3F9D]  }
0x2e: {  	s3 =	simm.s32 @!p0 $0x1082;
	s9 =	sld [smem:$0x3F9E]  }
0x2f: {  	lr =	sadd.s32 s0, s3;
	s0 =	sld [smem:$0x3F95]  }
0x30: {  	s3 =	sld [smem:$0x3F98]  }
0x31: {  	[smem:$0x3FA1] =	sst s10  }
0x32: {  	s10 =	sld [smem:$0x3F9F];
	_ =	sdelay $0x3  }
0x33: {  	p0 =	seq.s32 s10, $0x1;
	s10 =	sld [smem:$0x3FA1];
	_ =	sdelay $0x3  }
0x34: {  	[smem:$0x3FA1] =	sst s10  }
0x35: {  	s10 =	sld [smem:$0x3FA0];
	_ =	sdelay $0x3  }
0x36: {  	p1 =	seq.s32 s10, $0x1;
	s10 =	sld [smem:$0x3FA1];
	_ =	sdelay $0x3  }
0x37: {  	[smem:$0x3FA1] =	sst s10  }
0x38: {  	s10 =	sld [smem:$0x3FA2]  }
0x39: {  	_ = 	snop;
	(pc) =	sbr.ind lr, $3  }
0x3a: {  	_ = 	snop  }
0x3b: {  	_ = 	snop  }
0x3c: {  	p2 =	seq.s32 s10, $0x1;
	s10 =	sld [smem:$0x3FA1]  }
0x3d: {  	_ =	shalt  }
0x3e: {  	_ =	shalt  }
0x3f: {  	_ =	shalt  }
0x40: {  	_ =	shalt  }
0x41: {  	_ =	shalt  }
0x42: {  	_ =	shalt  }
0x43: {  	_ =	shalt  }
0x44: {  	_ =	shalt  }
0x45: {  	_ =	shalt  }
0x46: {  	_ =	shalt  }
0x47: {  	_ =	shalt  }
0x48: {  	_ =	shalt  }
0x49: {  	_ =	shalt  }
0x4a: {  	_ =	shalt  }
0x4b: {  	_ =	shalt  }
0x4c: {  	_ =	shalt  }
0x4d: {  	_ =	shalt  }
0x4e: {  	_ =	shalt  }
0x4f: {  	_ =	shalt  }
0x50: {  	_ =	shalt  }
0x51: {  	_ =	shalt  }
0x52: {  	_ =	shalt  }
0x53: {  	_ =	shalt  }
0x54: {  	_ =	shalt  }
0x55: {  	_ =	shalt  }
0x56: {  	_ =	shalt  }
0x57: {  	_ =	shalt  }
0x58: {  	_ =	shalt  }
0x59: {  	_ =	shalt  }
0x5a: {  	_ =	shalt  }
0x5b: {  	_ =	shalt  }
0x5c: {  	_ =	shalt  }
0x5d: {  	_ =	shalt  }
0x5e: {  	_ =	shalt  }
0x5f: {  	_ =	shalt  }
0x60: {  	_ =	shalt  }
0x61: {  	_ =	shalt  }
0x62: {  	_ =	shalt  }
0x63: {  	_ =	shalt  }
0x64: {  	_ =	shalt  }
0x65: {  	_ =	shalt  }
0x66: {  	_ =	shalt  }
0x67: {  	_ =	shalt  }
0x68: {  	_ =	shalt  }
0x69: {  	_ =	shalt  }
0x6a: {  	_ =	shalt  }
0x6b: {  	_ =	shalt  }
0x6c: {  	_ =	shalt  }
0x6d: {  	_ =	shalt  }
0x6e: {  	_ =	shalt  }
0x6f: {  	_ =	shalt  }
0x70: {  	_ =	shalt  }
0x71: {  	_ =	shalt  }
0x72: {  	_ =	shalt  }
0x73: {  	_ =	shalt  }
0x74: {  	_ =	shalt  }
0x75: {  	_ =	shalt  }
0x76: {  	_ =	shalt  }
0x77: {  	_ =	shalt  }
0x78: {  	_ =	shalt  }
0x79: {  	_ =	shalt  }
0x7a: {  	_ =	shalt  }
0x7b: {  	_ =	shalt  }
0x7c: {  	_ =	shalt  }
0x7d: {  	_ =	shalt  }
0x7e: {  	_ =	shalt  }
0x7f: {  	_ =	shalt  }
0x80: {  	_ =	shalt  }
0x81: {  	_ =	shalt  }
0x82: {  	_ =	shalt  }
0x83: {  	_ =	shalt  }
0x84: {  	_ =	shalt  }
0x85: {  	_ =	shalt  }
0x86: {  	_ =	shalt  }
0x87: {  	_ =	shalt  }
.Lfunc_end0:
.L_simem_size_0:
called_computation_lowered:
.L_overlay_start_0:
0x88: {  	s2 =	sld [smem:$0x3FD9]  }
0x89: {  	s3 =	sld [smem:$0x3FFE];
	_ =	sdelay $0x1  }
0x8a: {  	s1 =	srdreg.scid  }
0x8b: {  	s0 =	sand.u32 $0x1, s1  }
0x8c: {  	s16 =	sshll.u32 s0, $0xA;
	s2 =	sadd.s32 s3, s2  }
0x8d: {  	s2 =	sadd.s32 s2, s16  }
0x8e: {  	[smem:$0x3FAD] =	sst s2  }
0x8f: {  	_ = 	snop  }
0x90: {  	(tm) =	ssettm $0x1  }
0x91: {  	s17 =	sld [smem:$0x3FFB];
	_ =	sdelay $0x3  }
0x92: {  	_ =	strace s17  }
0x93: {  	s2 =	sld [smem:$0x3FFC];
	_ =	sdelay $0x3  }
0x94: {  	_ =	strace s2  }
0x95: {  	s2 =	sld [smem:$0x3FFD];
	_ =	sdelay $0x3  }
0x96: {  	_ =	strace s2  }
0x97: {  	_ =	strace $0x8FFFFFFF  }
0x98: {  	s18 =	sld [smem:$0x3FDB];
	_ =	sdelay $0x1  }
0x99: {  	s19 =	simm.s32 $_scs_section_size  }
0x9a: {  	s4 =	simm.s32 $_size__tile_overlayer_lowered;
	s5 =	simm.s32 $_tile_overlayer_lowered  }
0x9b: {  	s22 =	simm.s32 $0x1BFF;
	s21 =	sshll.u32 s5, $0x1;
	s2 =	sadd.s32 s19, s18  }
0x9c: {  	s6 =	simm.s32 $0x0;
	s20 =	sshll.u32 s4, $0x1;
	s4 =	sadd.s32 s21, s2  }
0x9d: {  	[timem:s6], [sflag:s22] =	dma.local [hbm:s4], s20  }
0x9e: {  	_ =	swait.ge [sflag:s22], s20  }
0x9f: {  	s3 =	ssub.s32 $0x0, s20;
	[sflag:s22] =	ssyncset.done $0x0  }
0xa0: {  	[sflag:s22] =	ssyncadd.s32 s3;
	_ =	sdelay $0x1  }
0xa1: {  	s23 =	simm.s32 $0x1B8B  }
0xa2: {  	_ =	swait.ge [sflag:s23], $0x1  }
0xa3: {  	[sflag:s23] =	ssyncset.done $0x0  }
0xa4: {  	s25 =	simm.s32 $0x1B8E;
	s24 =	sld [smem:$0x3FFE];
	[sflag:s23] =	ssyncadd.s32 $0xFFFFFFFF  }
0xa5: {  	s26 =	simm.s32 $execute0_lowered;
	[smem:$0x3FD2] =	sst s25  }
0xa6: {  	s4 =	sshll.u32 s26, $0x1;
	_ =	strace $0x80000046;
	[dreg:$0x1] =	wrdreg $0xFFFFFFFF  }
0xa7: {  	s28 =	simm.s32 $_size_execute0_lowered;
	s2 =	sadd.s32 s2, s4;
	[dreg:$0x0] =	wrdreg $0x0  }
0xa8: {  	s4 =	sshll.u32 s28, $0x1;
	[dreg:$0x2] =	wrdreg s2  }
0xa9: {  	[dreg:$0x3] =	wrdreg s4  }
0xaa: {  	[dreg:$0x4] =	wrdreg $0xC0  }
0xab: {  	_ =	task [dreg:s6], $0x5FFFF  }
0xac: {  	[dreg:$0x1] =	wrdreg $0xFFFFFFFF  }
0xad: {  	[dreg:$0x0] =	wrdreg $0x60  }
0xae: {  	[dreg:$0x2] =	wrdreg s24  }
0xaf: {  	[dreg:$0x3] =	wrdreg $0x9  }
0xb0: {  	_ =	task.clear_ibuf [dreg:s6], $0x4FFFF;
	_ =	strace $0x90000046  }
0xb1: {  	s29 =	simm.s32 $0x9;
	_ =	strace $0x80000048  }
0xb2: {  	_ =	swait.ge [sflag:s29], $0x1  }
0xb3: {  	[sflag:s29] =	ssyncadd.s32 $0xFFFFFFFF  }
0xb4: {  	_ =	strace $0x90000048  }
0xb5: {  	_ =	sfence  }
0xb6: {  	s30 =	sld [smem:$0x0];
	_ =	sdelay $0x2  }
0xb7: {  	s31 =	sshll.u32 s1, $0xD;
	s1 =	sshrl.u32 s1, $0x2  }
0xb8: {  	s3 =	sand.u32 $0x4000, s31;
	s1 =	sadd.s32 s1, s30  }
0xb9: {  	s0 =	sor.u32 s3, s0;
	s1 =	sshll.u32 s1, $0x11  }
0xba: {  	s0 =	sor.u32 s1, s0  }
0xbb: {  	s0 =	sadd.s32 $0x8F2B, s0  }
0xbc: {  	[sflag:s0] =	ssyncadd.remote.s32 $0x1  }
0xbd: {  	_ =	sfence.sel $0xFFFF  }
0xbe: {  	[dreg:$0x0] =	wrdreg $0xFFFFFFFF;
	(pc) =	sbr.abs _section_cstart, $3  }
0xbf: {  	[dreg:$0x1] =	wrdreg $0xFFFFFFFF  }
0xc0: {  	_ =	task.clear_ibuf [dreg:s6], $0x2FFFF;
	_ =	strace $0x9FFFFFFF  }
0xc1: {  	(tm) =	ssettm $0x7FFFFFFF  }
tec
execute0_lowered:
.L_overlay_start_1:
0x0: {  	(tag) =	ssettag $0x1  }
0x1: {  	s4 =	rddreg [dreg:$0x0]  }
0x2: {  	s0 =	rddreg [dreg:$0x1];
	s2 =	simm.s32 $0x0;
	s1 =	stileid.u32  }
0x3: {  	s3 =	srdreg.scid;
	s12 =	simm.s32 $0x100;
	s13 =	simm.s32 $0x1  }
0x4: {  	s14 =	simm.s32 $0x6600;
	s15 =	simm.s32 $0x2;
	s5 =	smul.u32 $0x1F400, s1  }
0x5: {  	s16 =	simm.s32 $0x0;
	s6 =	sand.u32 $0x1, s3;
	s9 =	smul.u32 $0x1F40, s1  }
0x6: {  	[smem:$0x7FF] =	sst s2;
	s3 =	sadd.s32 $0x6800, s4;
	s7 =	smul.u32 $0xFA00, s6  }
0x7: {  	_ =	strace $0x80000047;
	s8 =	ssub.s32 $0x2, s6;
	s11 =	smul.u32 $0xFA0, s6  }
0x8: {  	s5 =	sadd.s32 s5, s4;
	s10 =	sshrl.u32 s8, $0x1;
	s4 =	sadd.s32 $0x3EFE00, s4  }
0x9: {  	s31 =	ssub.s32 s8, s10;
	s7 =	sadd.s32 s7, s5;
	s10 =	simm.s32 $0xC8  }
0xa: {  	s5 =	smax.u32 s31, $0x1;
	s6 =	sadd.s32 $0xE2600, s7;
	s7 =	sadd.s32 s11, s9  }
0xb: {  	s9 =	simm.s32 $0x3;
	s11 =	simm.s32 $0x200;
	s8 =	sadd.s32 $0xC8, s7  }
.LBB2_1:
0xc: {  	s17 =	smulhi.u32 $0x10624DD3, s7;
	_ =	sdelay $0x1  }
0xd: {  	s17 =	sshrl.u32 s17, $0x9  }
0xe: {  	s17 =	smul.u32 $0xA410, s17;
	_ =	sdelay $0x1  }
0xf: {  	s18 =	smulhi.u32 $0x10624DD3, s8;
	s17 =	sadd.s32 s17, s7  }
0x10: {  	s17 =	sadd.s32 $0x0, s17  }
0x11: {  	s18 =	sshrl.u32 s18, $0x9;
	s17 =	sshrl.u32 s17, $0x3  }
0x12: {  	s18 =	smul.u32 $0xA410, s18;
	s17 =	sadd.s32 s3, s17  }
0x13: {  	[tilespmem:s2], [sflag:$0x3] =	stream.linear.gather [hbm4b:s17+s2], $0xC8, $0x38;
	[tilespmem:$0xCA00] =	vst v63  }
0x14: {  	s31 =	sadd.s32 s18, s8;
	_ =	swait.ge [sflag:s9], $0xC8  }
0x15: {  	s17 =	sadd.s32 $0x0, s31;
	[sflag:s9] =	ssyncset.done $0x0  }
0x16: {  	s17 =	sshrl.u32 s17, $0x3;
	[sflag:s9] =	ssyncadd.s32 $0xFFFFFF38  }
0x17: {  	[tilespmem:s11], [sflag:$0x1] =	stream.indirect.gather [hbm4b:s4+s10], $0x80, s2, s10, $0xb8;
	[tilespmem:$0xCA00] =	vst v63  }
0x18: {  	s17 =	sadd.s32 s3, s17  }
0x19: {  	[tilespmem:s12], [sflag:$0x3] =	stream.linear.gather [hbm4b:s17+s2], $0xC8, $0x38;
	[tilespmem:$0xCA00] =	vst v63  }
0x1a: {  	_ =	swait.ge [sflag:s9], $0xC8  }
0x1b: {  	[sflag:s9] =	ssyncset.done $0x0  }
0x1c: {  	[sflag:s9] =	ssyncadd.s32 $0xFFFFFF38  }
0x1d: {  	_ =	swait.ge [sflag:s13], $0x6400  }
0x1e: {  	s19 =	sadd.s32 $0x190, s7;
	s20 =	sadd.s32 $0x190, s8;
	[sflag:s13] =	ssyncset.done $0x0  }
0x1f: {  	s18 =	simm.s32 $0x190;
	s17 =	smov.u32 s6;
	[sflag:s13] =	ssyncadd.s32 $0xFFFF9C00  }
0x20: {  	[tilespmem:s14], [sflag:$0x2] =	stream.indirect.gather [hbm4b:s4+s10], $0x80, s12, s10, $0xb8;
	[tilespmem:$0xCA00] =	vst v63  }
.LBB2_2:
0x21: {  	s21 =	smulhi.u32 $0x10624DD3, s19  }
0x22: {  	p0 =	sne.s32 s18, $0xE10;
	s22 =	smov.u32 s18;
	s18 =	sadd.s32 $0x190, s18  }
0x23: {  	[hbm4b:s17+s2] =	stream.linear.scatter [tilespmem:s11], [sflag:$0x3], $0x6400, $0x38;
	[tilespmem:$0xCA00] =	vst v63  }
0x24: {  	s23 =	smulhi.u32 $0x10624DD3, s20;
	s21 =	sshrl.u32 s21, $0x9;
	_ =	swait.ge [sflag:s9], $0x6400  }
0x25: {  	s21 =	smul.u32 $0xA410, s21;
	[sflag:s9] =	ssyncset.done $0x0  }
0x26: {  	s23 =	sshrl.u32 s23, $0x9;
	[sflag:s9] =	ssyncadd.s32 $0xFFFF9C00  }
0x27: {  	s23 =	smul.u32 $0xA410, s23;
	s21 =	sadd.s32 s21, s7;
	_ =	swait.ge [sflag:s15], $0x6400  }
0x28: {  	s24 =	sadd.s32 $0xC80, s17;
	s21 =	sadd.s32 s21, s22;
	[sflag:s15] =	ssyncset.done $0x0  }
0x29: {  	s23 =	sadd.s32 s23, s8;
	s21 =	sshrl.u32 s21, $0x3;
	[sflag:s15] =	ssyncadd.s32 $0xFFFF9C00  }
0x2a: {  	[hbm4b:s24+s2] =	stream.linear.scatter [tilespmem:s14], [sflag:$0x3], $0x6400, $0x38;
	[tilespmem:$0xCA00] =	vst v63  }
0x2b: {  	s22 =	sadd.s32 s23, s22;
	_ =	swait.ge [sflag:s9], $0x6400  }
0x2c: {  	s22 =	sshrl.u32 s22, $0x3;
	[sflag:s9] =	ssyncset.done $0x0  }
0x2d: {  	s21 =	sadd.s32 s3, s21;
	[sflag:s9] =	ssyncadd.s32 $0xFFFF9C00  }
0x2e: {  	[tilespmem:s2], [sflag:$0x3] =	stream.linear.gather [hbm4b:s21+s2], $0xC8, $0x38;
	[tilespmem:$0xCA00] =	vst v63  }
0x2f: {  	_ =	swait.ge [sflag:s9], $0xC8  }
0x30: {  	[sflag:s9] =	ssyncset.done $0x0  }
0x31: {  	[sflag:s9] =	ssyncadd.s32 $0xFFFFFF38  }
0x32: {  	[tilespmem:s11], [sflag:$0x1] =	stream.indirect.gather [hbm4b:s4+s10], $0x80, s2, s10, $0xb8;
	[tilespmem:$0xCA00] =	vst v63  }
0x33: {  	s21 =	sadd.s32 s3, s22  }
0x34: {  	[tilespmem:s12], [sflag:$0x3] =	stream.linear.gather [hbm4b:s21+s2], $0xC8, $0x38;
	[tilespmem:$0xCA00] =	vst v63  }
0x35: {  	_ =	swait.ge [sflag:s9], $0xC8  }
0x36: {  	[sflag:s9] =	ssyncset.done $0x0  }
.Ltmp0:
0x37: {  	[sflag:s9] =	ssyncadd.s32 $0xFFFFFF38;
	(pc) =	sbr.rel @p0 .LBB2_2-.Ltmp0, $4  }
0x38: {  	_ =	swait.ge [sflag:s13], $0x6400  }
0x39: {  	s17 =	sadd.s32 $0x1900, s17;
	[sflag:s13] =	ssyncset.done $0x0  }
0x3a: {  	s19 =	sadd.s32 $0x190, s19;
	s20 =	sadd.s32 $0x190, s20;
	[sflag:s13] =	ssyncadd.s32 $0xFFFF9C00  }
0x3b: {  	[tilespmem:s14], [sflag:$0x2] =	stream.indirect.gather [hbm4b:s4+s10], $0x80, s12, s10, $0xb8;
	[tilespmem:$0xCA00] =	vst v63  }
0x3c: {  	[hbm4b:s17+s2] =	stream.linear.scatter [tilespmem:s11], [sflag:$0x3], $0x6400, $0x38;
	[tilespmem:$0xCA00] =	vst v63  }
0x3d: {  	_ =	swait.ge [sflag:s9], $0x6400  }
0x3e: {  	[sflag:s9] =	ssyncset.done $0x0  }
0x3f: {  	[sflag:s9] =	ssyncadd.s32 $0xFFFF9C00  }
0x40: {  	s16 =	sadd.s32 $0x1, s16;
	_ =	swait.ge [sflag:s15], $0x6400  }
0x41: {  	p0 =	sne.s32 s16, s5;
	[sflag:s15] =	ssyncset.done $0x0  }
.Ltmp1:
0x42: {  	s31 =	sadd.s32 $0xC80, s17;
	[sflag:s15] =	ssyncadd.s32 $0xFFFF9C00;
	(pc) =	sbr.rel @p0 .LBB2_1-.Ltmp1, $4  }
0x43: {  	[hbm4b:s31+s2] =	stream.linear.scatter [tilespmem:s14], [sflag:$0x3], $0x6400, $0x38;
	[tilespmem:$0xCA00] =	vst v63  }
0x44: {  	_ =	swait.ge [sflag:s9], $0x6400  }
0x45: {  	[sflag:s9] =	ssyncset.done $0x0  }
0x46: {  	[sflag:s9] =	ssyncadd.s32 $0xFFFF9C00  }
0x47: {  	_ =	sfence.sel $0x180000  }
0x48: {  	[bflag:$0x0] =	sbarrier.arrive $0xFFFF  }
0x49: {  	p0 =	sne.s32 s1, $0x0;
	_ =	strace $0x90000047  }
0x4a: {  	s0 =	sadd.s32 @!p0 $0x100000, s0;
	[bflag:$0x2] =	sbarrier.arrive $0xFFFF  }
0x4b: {  	[sflag:s0] =	ssyncadd.tile.s32 @!p0 $0x1;
	_ =	shalt  }
.Lfunc_end2:
_tile_overlayer_lowered:
.L_overlay_start_2:
0x4c: {  	(tag) =	ssettag $0x2  }
0x4d: {  	s0 =	rddreg [dreg:$0x0];
	s2 =	stileid.u32  }
0x4e: {  	s1 =	rddreg [dreg:$0x1];
	p0 =	sne.s32 s2, $0x0  }
0x4f: {  	s3 =	rddreg [dreg:$0x2];
	[bflag:$0x3] =	sbarrier.arrive $0xFFFF;
	s2 =	simm.s32 @!p0 $0x1C03  }
0x50: {  	[timem:s3], [sflag:s2] =	dma.local @!p0 [hbm:s0], s1  }
0x51: {  	s0 =	simm.s32 @!p0 $0x3  }
0x52: {  	_ =	swait.ge @!p0 [sflag:s0], s1  }
0x53: {  	s1 =	ssub.s32 @!p0 $0x0, s1;
	[sflag:s0] =	ssyncset.done @!p0 $0x0  }
0x54: {  	[sflag:s0] =	ssyncadd.s32 @!p0 s1  }
0x55: {  	[bflag:$0x3] =	sbarrier.arrive $0xFFFF  }
0x56: {  	_ =	shalt  }

// kernel: kernel.14.cloned.1.call-start
scs
__scs_entry_jumppad:
0x0: {  	(pc) =	sbr.rel $0x88, $3  }
0x1: {  	(tag) =	ssettag $0x0;
	lr =	simm.s32 $0x1  }
0x2: {  	[smem:$0x3F86] =	sst lr;
	_ =	strace $0xD0000000  }
0x3: {  	_ = 	snop  }
0x4: {  	_ = 	snop  }
0x5: {  	_ = 	snop  }
0x6: {  	_ = 	snop  }
0x7: {  	_ = 	snop  }
__scs_overlays_trampoline_lowered:
0x8: {  	[smem:$0x3F95] =	sst s0  }
0x9: {  	[smem:$0x3F96] =	sst s1  }
0xa: {  	[smem:$0x3F97] =	sst s2  }
0xb: {  	[smem:$0x3F98] =	sst s3  }
0xc: {  	[smem:$0x3F99] =	sst s4  }
0xd: {  	[smem:$0x3F9A] =	sst s5  }
0xe: {  	[smem:$0x3F9B] =	sst s6  }
0xf: {  	[smem:$0x3F9C] =	sst s7  }
0x10: {  	[smem:$0x3F9D] =	sst s8  }
0x11: {  	[smem:$0x3F9E] =	sst s9;
	s0 =	simm.s32 @!p0 $0x0  }
0x12: {  	s1 =	sld [smem:$0x3F84];
	s0 =	simm.s32 @p0 $0x1  }
0x13: {  	[smem:$0x3F9F] =	sst s0;
	s0 =	simm.s32 @!p1 $0x0  }
0x14: {  	s2 =	sld [smem:$0x3F83];
	s0 =	simm.s32 @p1 $0x1  }
0x15: {  	[smem:$0x3FA0] =	sst s0;
	s0 =	simm.s32 @!p2 $0x0  }
0x16: {  	s3 =	sld [smem:$0x3FDB];
	s0 =	simm.s32 @p2 $0x1  }
0x17: {  	s4 =	simm.s32 $0x1BF5;
	[smem:$0x3FA2] =	sst s0  }
0x18: {  	s0 =	sld [smem:$0x3F85];
	_ =	swait.ge [sflag:s4], $0x0  }
0x19: {  	s7 =	sld [smem:$0x3F86]  }
0x1a: {  	s8 =	sadd.s32 $0xFFFFE003, lr  }
0x1b: {  	s9 =	sadd.s32 $0xFFFFFEF7, lr;
	s5 =	simm.s32 $0xFFFFFFFF;
	p2 =	slt.u32 s8, $0xFFFFF086  }
0x1c: {  	p1 =	slt.u32 s9, $0xF7A;
	s5 =	simm.s32 @!p2 $0x0  }
0x1d: {  	s5 =	simm.s32 @p1 $0x1;
	p0 =	seq.s32 s7, s2  }
0x1e: {  	s7 =	smul.u32 @!p0 $0xF7A, s2;
	p2 =	seq.s32 @!p0 s5, $0x0  }
0x1f: {  	s9 =	smul.u32 $0xF7A, s1;
	s8 =	simm.s32 @!p0 $0x1BF5;
	p2 =	por !p2, p0  }
0x20: {  	[sflag:s8] =	ssyncset.s32 @!p0 $0xFFFFF086;
	s6 =	sadd.s32 @!p0 s3, s7;
	s7 =	simm.s32 @!p0 $0x108  }
0x21: {  	s3 =	sadd.s32 s3, s9;
	s6 =	sadd.s32 @!p0 $0x88, s6;
	s7 =	simm.s32 @p2 $0x1082  }
0x22: {  	[simem:s7], [sflag:s8] =	dma.local @!p0 [hbm:s6], $0xF7A  }
0x23: {  	s9 =	sor.u32 $0xD0000000, s2;
	s6 =	simm.s32 $0x108;
	_ =	swait.ge @!p0 [sflag:s8], $0x0  }
0x24: {  	s3 =	sadd.s32 $0x88, s3;
	s6 =	simm.s32 @!p1 $0x1082;
	[sflag:s4] =	ssyncset.s32 $0xFFFFF086  }
0x25: {  	[simem:s6], [sflag:s4] =	dma.local [hbm:s3], $0xF7A  }
0x26: {  	[smem:$0x3F86] =	sst s1;
	(tag) =	ssettag s2;
	_ =	strace s9  }
0x27: {  	s1 =	sld [smem:$0x3F96]  }
0x28: {  	s2 =	sld [smem:$0x3F97]  }
0x29: {  	s4 =	sld [smem:$0x3F99]  }
0x2a: {  	p0 =	seq.s32 s5, $0x0;
	s5 =	sld [smem:$0x3F9A]  }
0x2b: {  	s6 =	sld [smem:$0x3F9B]  }
0x2c: {  	s7 =	sld [smem:$0x3F9C]  }
0x2d: {  	s3 =	simm.s32 $0x108;
	s8 =	sld [smem:$0x3F9D]  }
0x2e: {  	s3 =	simm.s32 @!p0 $0x1082;
	s9 =	sld [smem:$0x3F9E]  }
0x2f: {  	lr =	sadd.s32 s0, s3;
	s0 =	sld [smem:$0x3F95]  }
0x30: {  	s3 =	sld [smem:$0x3F98]  }
0x31: {  	[smem:$0x3FA1] =	sst s10  }
0x32: {  	s10 =	sld [smem:$0x3F9F];
	_ =	sdelay $0x3  }
0x33: {  	p0 =	seq.s32 s10, $0x1;
	s10 =	sld [smem:$0x3FA1];
	_ =	sdelay $0x3  }
0x34: {  	[smem:$0x3FA1] =	sst s10  }
0x35: {  	s10 =	sld [smem:$0x3FA0];
	_ =	sdelay $0x3  }
0x36: {  	p1 =	seq.s32 s10, $0x1;
	s10 =	sld [smem:$0x3FA1];
	_ =	sdelay $0x3  }
0x37: {  	[smem:$0x3FA1] =	sst s10  }
0x38: {  	s10 =	sld [smem:$0x3FA2]  }
0x39: {  	_ = 	snop;
	(pc) =	sbr.ind lr, $3  }
0x3a: {  	_ = 	snop  }
0x3b: {  	_ = 	snop  }
0x3c: {  	p2 =	seq.s32 s10, $0x1;
	s10 =	sld [smem:$0x3FA1]  }
0x3d: {  	_ =	shalt  }
0x3e: {  	_ =	shalt  }
0x3f: {  	_ =	shalt  }
0x40: {  	_ =	shalt  }
0x41: {  	_ =	shalt  }
0x42: {  	_ =	shalt  }
0x43: {  	_ =	shalt  }
0x44: {  	_ =	shalt  }
0x45: {  	_ =	shalt  }
0x46: {  	_ =	shalt  }
0x47: {  	_ =	shalt  }
0x48: {  	_ =	shalt  }
0x49: {  	_ =	shalt  }
0x4a: {  	_ =	shalt  }
0x4b: {  	_ =	shalt  }
0x4c: {  	_ =	shalt  }
0x4d: {  	_ =	shalt  }
0x4e: {  	_ =	shalt  }
0x4f: {  	_ =	shalt  }
0x50: {  	_ =	shalt  }
0x51: {  	_ =	shalt  }
0x52: {  	_ =	shalt  }
0x53: {  	_ =	shalt  }
0x54: {  	_ =	shalt  }
0x55: {  	_ =	shalt  }
0x56: {  	_ =	shalt  }
0x57: {  	_ =	shalt  }
0x58: {  	_ =	shalt  }
0x59: {  	_ =	shalt  }
0x5a: {  	_ =	shalt  }
0x5b: {  	_ =	shalt  }
0x5c: {  	_ =	shalt  }
0x5d: {  	_ =	shalt  }
0x5e: {  	_ =	shalt  }
0x5f: {  	_ =	shalt  }
0x60: {  	_ =	shalt  }
0x61: {  	_ =	shalt  }
0x62: {  	_ =	shalt  }
0x63: {  	_ =	shalt  }
0x64: {  	_ =	shalt  }
0x65: {  	_ =	shalt  }
0x66: {  	_ =	shalt  }
0x67: {  	_ =	shalt  }
0x68: {  	_ =	shalt  }
0x69: {  	_ =	shalt  }
0x6a: {  	_ =	shalt  }
0x6b: {  	_ =	shalt  }
0x6c: {  	_ =	shalt  }
0x6d: {  	_ =	shalt  }
0x6e: {  	_ =	shalt  }
0x6f: {  	_ =	shalt  }
0x70: {  	_ =	shalt  }
0x71: {  	_ =	shalt  }
0x72: {  	_ =	shalt  }
0x73: {  	_ =	shalt  }
0x74: {  	_ =	shalt  }
0x75: {  	_ =	shalt  }
0x76: {  	_ =	shalt  }
0x77: {  	_ =	shalt  }
0x78: {  	_ =	shalt  }
0x79: {  	_ =	shalt  }
0x7a: {  	_ =	shalt  }
0x7b: {  	_ =	shalt  }
0x7c: {  	_ =	shalt  }
0x7d: {  	_ =	shalt  }
0x7e: {  	_ =	shalt  }
0x7f: {  	_ =	shalt  }
0x80: {  	_ =	shalt  }
0x81: {  	_ =	shalt  }
0x82: {  	_ =	shalt  }
0x83: {  	_ =	shalt  }
0x84: {  	_ =	shalt  }
0x85: {  	_ =	shalt  }
0x86: {  	_ =	shalt  }
0x87: {  	_ =	shalt  }
.Lfunc_end0:
.L_simem_size_0:
called_computation.1_lowered:
.L_overlay_start_0:
0x88: {  	s2 =	sld [smem:$0x3FD9]  }
0x89: {  	s3 =	sld [smem:$0x3FFE];
	_ =	sdelay $0x1  }
0x8a: {  	s1 =	srdreg.scid  }
0x8b: {  	s0 =	sand.u32 $0x1, s1  }
0x8c: {  	s17 =	sshll.u32 s0, $0xA;
	s2 =	sadd.s32 s3, s2  }
0x8d: {  	s2 =	sadd.s32 s2, s17  }
0x8e: {  	[smem:$0x3FAD] =	sst s2  }
0x8f: {  	_ = 	snop  }
0x90: {  	(tm) =	ssettm $0x1  }
0x91: {  	s18 =	sld [smem:$0x3FFB];
	_ =	sdelay $0x3  }
0x92: {  	_ =	strace s18  }
0x93: {  	s2 =	sld [smem:$0x3FFC];
	_ =	sdelay $0x3  }
0x94: {  	_ =	strace s2  }
0x95: {  	s2 =	sld [smem:$0x3FFD];
	_ =	sdelay $0x3  }
0x96: {  	_ =	strace s2  }
0x97: {  	_ =	strace $0x8FFFFFFF  }
0x98: {  	s19 =	sld [smem:$0x3FDB];
	_ =	sdelay $0x1  }
0x99: {  	s20 =	simm.s32 $_scs_section_size  }
0x9a: {  	s4 =	simm.s32 $_size__tile_overlayer_lowered;
	s5 =	simm.s32 $_tile_overlayer_lowered  }
0x9b: {  	s6 =	simm.s32 $0x1BFF;
	s21 =	sshll.u32 s5, $0x1;
	s3 =	sadd.s32 s20, s19  }
0x9c: {  	s22 =	simm.s32 $0x0;
	s4 =	sshll.u32 s4, $0x1;
	s5 =	sadd.s32 s21, s3  }
0x9d: {  	[timem:s22], [sflag:s6] =	dma.local [hbm:s5], s4  }
0x9e: {  	_ =	swait.ge [sflag:s6], s4  }
0x9f: {  	s4 =	ssub.s32 $0x0, s4;
	[sflag:s6] =	ssyncset.done $0x0  }
0xa0: {  	[sflag:s6] =	ssyncadd.s32 s4;
	_ =	sdelay $0x1  }
0xa1: {  	s23 =	simm.s32 $0x1B8B  }
0xa2: {  	_ =	swait.ge [sflag:s23], $0x1  }
0xa3: {  	[sflag:s23] =	ssyncset.done $0x0  }
0xa4: {  	[sflag:s23] =	ssyncadd.s32 $0xFFFFFFFF  }
0xa5: {  	s4 =	sld [smem:$0x0]  }
0xa6: {  	s5 =	sand.u32 $0xFFFFFFFE, s1  }
0xa7: {  	p0 =	sne.s32 s1, s5  }
0xa8: {  	s5 =	sshll.u32 @p0 s5, $0xE  }
0xa9: {  	s5 =	sadd.s32 @p0 $0x11B8D, s5;
	s6 =	sshll.u32 @p0 s4, $0x11  }
0xaa: {  	s5 =	sor.u32 @p0 s6, s5  }
0xab: {  	[sflag:s5] =	ssyncadd.remote.s32 @p0 $0x1;
	_ =	sdelay $0x1  }
0xac: {  	s5 =	simm.s32 @p0 $0x1B8D  }
0xad: {  	_ =	swait.eq @p0 [sflag:s5], $0x1  }
0xae: {  	[sflag:s5] =	ssyncadd.s32 @p0 $0xFFFFFFFF  }
0xaf: {  	s6 =	sshll.u32 @!p0 s1, $0xE  }
0xb0: {  	s6 =	sor.u32 @!p0 $0x4000, s6;
	s5 =	simm.s32 @!p0 $0x1B8D  }
0xb1: {  	s4 =	sshll.u32 @!p0 s4, $0x11;
	s6 =	sadd.s32 @!p0 $0x11B8D, s6;
	_ =	swait.eq @!p0 [sflag:s5], $0x1  }
0xb2: {  	s4 =	sor.u32 @!p0 s4, s6;
	[sflag:s5] =	ssyncadd.s32 @!p0 $0xFFFFFFFF  }
0xb3: {  	s25 =	simm.s32 $0x1B8E;
	s24 =	sld [smem:$0x3FFE];
	[sflag:s4] =	ssyncadd.remote.s32 @!p0 $0x1  }
0xb4: {  	s26 =	simm.s32 $execute0_lowered;
	[smem:$0x3FD2] =	sst s25  }
0xb5: {  	s5 =	sshll.u32 s26, $0x1;
	_ =	strace $0x8000004F;
	[dreg:$0x1] =	wrdreg $0xFFFFFFFF  }
0xb6: {  	s28 =	simm.s32 $_size_execute0_lowered;
	s3 =	sadd.s32 s3, s5;
	[dreg:$0x0] =	wrdreg $0x0  }
0xb7: {  	s5 =	sshll.u32 s28, $0x1;
	[dreg:$0x2] =	wrdreg s3  }
0xb8: {  	[dreg:$0x3] =	wrdreg s5  }
0xb9: {  	[dreg:$0x4] =	wrdreg $0xC0  }
0xba: {  	_ =	task [dreg:s22], $0x5FFFF  }
0xbb: {  	[dreg:$0x1] =	wrdreg $0xFFFFFFFF  }
0xbc: {  	[dreg:$0x0] =	wrdreg $0x60  }
0xbd: {  	[dreg:$0x2] =	wrdreg s24  }
0xbe: {  	[dreg:$0x3] =	wrdreg $0xA  }
0xbf: {  	_ =	task.clear_ibuf [dreg:s22], $0x4FFFF;
	_ =	strace $0x9000004F  }
0xc0: {  	s29 =	simm.s32 $0xA;
	_ =	strace $0x80000051  }
0xc1: {  	_ =	swait.ge [sflag:s29], $0x1  }
0xc2: {  	[sflag:s29] =	ssyncadd.s32 $0xFFFFFFFF  }
0xc3: {  	_ =	strace $0x90000051  }
0xc4: {  	_ =	sfence  }
0xc5: {  	s30 =	sld [smem:$0x0];
	_ =	sdelay $0x2  }
0xc6: {  	s31 =	sshll.u32 s1, $0xD;
	s1 =	sshrl.u32 s1, $0x2  }
0xc7: {  	s4 =	sand.u32 $0x4000, s31;
	s1 =	sadd.s32 s1, s30  }
0xc8: {  	s0 =	sor.u32 s4, s0;
	s1 =	sshll.u32 s1, $0x11  }
0xc9: {  	s0 =	sor.u32 s1, s0  }
0xca: {  	s0 =	sadd.s32 $0x8F2B, s0  }
0xcb: {  	[sflag:s0] =	ssyncadd.remote.s32 $0x1  }
0xcc: {  	_ =	sfence.sel $0xFFFF  }
0xcd: {  	[dreg:$0x0] =	wrdreg $0xFFFFFFFF;
	(pc) =	sbr.abs _section_cstart, $3  }
0xce: {  	[dreg:$0x1] =	wrdreg $0xFFFFFFFF  }
0xcf: {  	_ =	task.clear_ibuf [dreg:s22], $0x2FFFF;
	_ =	strace $0x9FFFFFFF  }
0xd0: {  	(tm) =	ssettm $0x7FFFFFFF  }
0xd1: {  	_ =	shalt  }
tec
execute0_lowered:
.L_overlay_start_1:
0x0: {  	(tag) =	ssettag $0x1  }
0x1: {  	s1 =	srdreg.scid  }
0x2: {  	s0 =	stileid.u32;
	s5 =	rddreg [dreg:$0x0];
	s2 =	simm.s32 $0x0  }
0x3: {  	s14 =	simm.s32 $0x200;
	s7 =	sand.u32 $0x1, s1;
	s24 =	sshll.u32 s0, $0x1  }
0x4: {  	s15 =	simm.s32 $0x100;
	s11 =	smul.u32 $0x36B0, s0;
	s1 =	sor.u32 s7, s24  }
0x5: {  	s16 =	simm.s32 $0x1;
	s17 =	simm.s32 $0x6600;
	s1 =	smul.u32 $0x1B58, s1  }
0x6: {  	s18 =	simm.s32 $0x2;
	s19 =	simm.s32 $0x0;
	s12 =	smul.u32 $0x36B00, s0  }
0x7: {  	[smem:$0x7FF] =	sst s2;
	s29 =	smul.u32 $0x1B58, s7;
	s6 =	sadd.s32 $0x1A90, s1  }
0x8: {  	s4 =	sadd.s32 $0x3EFE00, s5;
	s25 =	ssub.s32 $0x2, s7;
	s3 =	smulhi.u32 $0x95CBF, s6  }
0x9: {  	s10 =	sadd.s32 $0xB89400, s5;
	s13 =	smul.u32 $0x1B580, s7;
	s26 =	sshrl.u32 s25, $0x1  }
0xa: {  	s30 =	sadd.s32 s12, s10;
	s12 =	simm.s32 $0x3;
	s3 =	sshrl.u32 s3, $0x1  }
0xb: {  	s7 =	sadd.s32 s29, s11;
	s1 =	rddreg [dreg:$0x1];
	s8 =	smul.u32 $0x36B0, s3  }
0xc: {  	_ =	strace $0x80000050;
	s31 =	sadd.s32 $0x1F40, s7;
	s9 =	smul.u32 $0xC350, s3  }
0xd: {  	s11 =	sadd.s32 $0xC8, s7;
	[dreg:$0x2] =	wrdreg s31;
	s8 =	ssub.s32 s6, s8  }
0xe: {  	s3 =	sadd.s32 $0x6800, s5;
	s6 =	sshll.u32 s6, $0x4;
	s8 =	sadd.s32 s9, s8  }
0xf: {  	s9 =	ssub.s32 s25, s26;
	s6 =	sadd.s32 s10, s6;
	s8 =	sshrl.u32 s8, $0x3  }
0x10: {  	s10 =	sadd.s32 $0x2008, s7;
	s28 =	sadd.s32 s3, s8;
	s8 =	smax.u32 s9, $0x1  }
0x11: {  	s9 =	sadd.s32 s13, s30;
	s13 =	simm.s32 $0xC8;
	s5 =	sadd.s32 $0x3E8, s28  }
.LBB2_1:
0x12: {  	s20 =	smulhi.u32 $0x95CBEC1B, s7;
	_ =	sdelay $0x1  }
0x13: {  	s20 =	sshrl.u32 s20, $0xD  }
0x14: {  	s20 =	smul.u32 $0x8CA0, s20  }
0x15: {  	s21 =	rddreg [dreg:$0x2]  }
0x16: {  	s28 =	smulhi.u32 $0x95CBEC1B, s11;
	s20 =	sadd.s32 s20, s21  }
0x17: {  	s20 =	sadd.s32 $0x0, s20  }
0x18: {  	s21 =	sshrl.u32 s28, $0xD;
	s20 =	sshrl.u32 s20, $0x3  }
0x19: {  	s21 =	smul.u32 $0x8CA0, s21;
	s20 =	sadd.s32 s3, s20  }
0x1a: {  	[tilespmem:s2], [sflag:$0x3] =	stream.linear.gather [hbm4b:s20+s2], $0xC8, $0x38;
	[tilespmem:$0xCA00] =	vst v63  }
0x1b: {  	s29 =	sadd.s32 s21, s10;
	_ =	swait.ge [sflag:s12], $0xC8  }
0x1c: {  	s20 =	sadd.s32 $0x0, s29;
	[sflag:s12] =	ssyncset.done $0x0  }
0x1d: {  	s20 =	sshrl.u32 s20, $0x3;
	[sflag:s12] =	ssyncadd.s32 $0xFFFFFF38  }
0x1e: {  	[tilespmem:s14], [sflag:$0x1] =	stream.indirect.gather [hbm4b:s4+s13], $0x80, s2, s13, $0xb8;
	[tilespmem:$0xCA00] =	vst v63  }
0x1f: {  	s20 =	sadd.s32 s3, s20  }
0x20: {  	[tilespmem:s15], [sflag:$0x3] =	stream.linear.gather [hbm4b:s20+s2], $0xC8, $0x38;
	[tilespmem:$0xCA00] =	vst v63  }
0x21: {  	_ =	swait.ge [sflag:s12], $0xC8  }
0x22: {  	[sflag:s12] =	ssyncset.done $0x0  }
0x23: {  	[sflag:s12] =	ssyncadd.s32 $0xFFFFFF38  }
0x24: {  	_ =	swait.ge [sflag:s16], $0x6400  }
0x25: {  	[sflag:s16] =	ssyncset.done $0x0  }
0x26: {  	[sflag:s16] =	ssyncadd.s32 $0xFFFF9C00  }
0x27: {  	[tilespmem:s17], [sflag:$0x2] =	stream.indirect.gather [hbm4b:s4+s13], $0x80, s15, s13, $0xb8;
	[tilespmem:$0xCA00] =	vst v63  }
0x28: {  	_ = 	snop  }
0x29: {  	[hbm4b:s9+s2] =	stream.linear.scatter [tilespmem:s14], [sflag:$0x3], $0x6400, $0x38;
	[tilespmem:$0xCA00] =	vst v63  }
0x2a: {  	_ =	swait.ge [sflag:s12], $0x6400  }
0x2b: {  	[sflag:s12] =	ssyncset.done $0x0  }
0x2c: {  	s22 =	sadd.s32 $0x190, s7;
	[sflag:s12] =	ssyncadd.s32 $0xFFFF9C00  }
0x2d: {  	s30 =	smulhi.u32 $0x95CBEC1B, s22;
	_ =	swait.ge [sflag:s18], $0x6400  }
0x2e: {  	s31 =	sadd.s32 $0xC80, s9;
	s24 =	simm.s32 $0x320;
	[sflag:s18] =	ssyncset.done $0x0  }
0x2f: {  	s23 =	sadd.s32 $0x190, s11;
	s25 =	sshrl.u32 s30, $0xD;
	[sflag:s18] =	ssyncadd.s32 $0xFFFF9C00  }
0x30: {  	[hbm4b:s31+s2] =	stream.linear.scatter [tilespmem:s17], [sflag:$0x3], $0x6400, $0x38;
	[tilespmem:$0xCA00] =	vst v63  }
0x31: {  	s21 =	simm.s32 $0x190;
	s20 =	sadd.s32 $0x1900, s9;
	_ =	swait.ge [sflag:s12], $0x6400  }
.LBB2_2:
0x32: {  	s25 =	smul.u32 $0x8CA0, s25  }
0x33: {  	s26 =	rddreg [dreg:$0x2]  }
0x34: {  	s31 =	smulhi.u32 $0x95CBEC1B, s23;
	s25 =	sadd.s32 s25, s26  }
0x35: {  	s25 =	sadd.s32 s25, s21  }
0x36: {  	[sflag:s12] =	ssyncset.done $0x0;
	s26 =	sshrl.u32 s31, $0xD;
	s25 =	sshrl.u32 s25, $0x3  }
0x37: {  	[sflag:s12] =	ssyncadd.s32 $0xFFFF9C00;
	s26 =	smul.u32 $0x8CA0, s26;
	s25 =	sadd.s32 s3, s25  }
0x38: {  	[tilespmem:s2], [sflag:$0x3] =	stream.linear.gather [hbm4b:s25+s2], $0xC8, $0x38;
	[tilespmem:$0xCA00] =	vst v63  }
0x39: {  	s29 =	sadd.s32 s26, s10;
	_ =	swait.ge [sflag:s12], $0xC8  }
0x3a: {  	s25 =	sadd.s32 s29, s21;
	[sflag:s12] =	ssyncset.done $0x0  }
0x3b: {  	s25 =	sshrl.u32 s25, $0x3;
	[sflag:s12] =	ssyncadd.s32 $0xFFFFFF38  }
0x3c: {  	[tilespmem:s14], [sflag:$0x1] =	stream.indirect.gather [hbm4b:s4+s13], $0x80, s2, s13, $0xb8;
	[tilespmem:$0xCA00] =	vst v63  }
0x3d: {  	s25 =	sadd.s32 s3, s25  }
0x3e: {  	[tilespmem:s15], [sflag:$0x3] =	stream.linear.gather [hbm4b:s25+s2], $0xC8, $0x38;
	[tilespmem:$0xCA00] =	vst v63  }
0x3f: {  	_ =	swait.ge [sflag:s12], $0xC8  }
0x40: {  	[sflag:s12] =	ssyncset.done $0x0  }
0x41: {  	[sflag:s12] =	ssyncadd.s32 $0xFFFFFF38  }
0x42: {  	_ =	swait.ge [sflag:s16], $0x6400  }
0x43: {  	[sflag:s16] =	ssyncset.done $0x0  }
0x44: {  	[sflag:s16] =	ssyncadd.s32 $0xFFFF9C00  }
0x45: {  	[tilespmem:s17], [sflag:$0x2] =	stream.indirect.gather [hbm4b:s4+s13], $0x80, s15, s13, $0xb8;
	[tilespmem:$0xCA00] =	vst v63  }
0x46: {  	_ = 	snop  }
0x47: {  	[hbm4b:s20+s2] =	stream.linear.scatter [tilespmem:s14], [sflag:$0x3], $0x6400, $0x38;
	[tilespmem:$0xCA00] =	vst v63  }
0x48: {  	_ =	swait.ge [sflag:s12], $0x6400  }
0x49: {  	s28 =	smov.u32 s24;
	[sflag:s12] =	ssyncset.done $0x0  }
0x4a: {  	p0 =	sne.s32 s24, $0x1900;
	s24 =	sadd.s32 $0x190, s24;
	[sflag:s12] =	ssyncadd.s32 $0xFFFF9C00  }
.Ltmp0:
0x4b: {  	s22 =	sadd.s32 $0x190, s22;
	_ =	swait.ge [sflag:s18], $0x6400;
	(pc) =	sbr.rel @p0 .LBB2_2-.Ltmp0, $4  }
0x4c: {  	s23 =	sadd.s32 $0x190, s23;
	s30 =	smulhi.u32 $0x95CBEC1B, s22;
	[sflag:s18] =	ssyncset.done $0x0  }
0x4d: {  	s31 =	sadd.s32 $0xC80, s20;
	s21 =	smov.u32 s28;
	[sflag:s18] =	ssyncadd.s32 $0xFFFF9C00  }
0x4e: {  	[hbm4b:s31+s2] =	stream.linear.scatter [tilespmem:s17], [sflag:$0x3], $0x6400, $0x38;
	[tilespmem:$0xCA00] =	vst v63  }
0x4f: {  	s25 =	sshrl.u32 s30, $0xD;
	s20 =	sadd.s32 $0x1900, s20;
	_ =	swait.ge [sflag:s12], $0x6400  }
0x50: {  	s24 =	smul.u32 $0x8CA0, s25  }
0x51: {  	s22 =	rddreg [dreg:$0x2]  }
0x52: {  	s23 =	smulhi.u32 $0x95CBEC1B, s23;
	s22 =	sadd.s32 s24, s22  }
0x53: {  	s22 =	sadd.s32 s22, s21  }
0x54: {  	[sflag:s12] =	ssyncset.done $0x0;
	s23 =	sshrl.u32 s23, $0xD;
	s22 =	sshrl.u32 s22, $0x3  }
0x55: {  	[sflag:s12] =	ssyncadd.s32 $0xFFFF9C00;
	s23 =	smul.u32 $0x8CA0, s23;
	s22 =	sadd.s32 s3, s22  }
0x56: {  	[tilespmem:s2], [sflag:$0x3] =	stream.linear.gather [hbm4b:s22+s2], $0xC8, $0x38;
	[tilespmem:$0xCA00] =	vst v63  }
0x57: {  	s29 =	sadd.s32 s23, s10;
	_ =	swait.ge [sflag:s12], $0xC8  }
0x58: {  	s30 =	sadd.s32 s29, s21;
	[sflag:s12] =	ssyncset.done $0x0  }
0x59: {  	s21 =	sshrl.u32 s30, $0x3;
	[sflag:s12] =	ssyncadd.s32 $0xFFFFFF38  }
0x5a: {  	[tilespmem:s14], [sflag:$0x1] =	stream.indirect.gather [hbm4b:s4+s13], $0x80, s2, s13, $0xb8;
	[tilespmem:$0xCA00] =	vst v63  }
0x5b: {  	s21 =	sadd.s32 s3, s21  }
0x5c: {  	[tilespmem:s15], [sflag:$0x3] =	stream.linear.gather [hbm4b:s21+s2], $0xC8, $0x38;
	[tilespmem:$0xCA00] =	vst v63  }
0x5d: {  	_ =	swait.ge [sflag:s12], $0xC8  }
0x5e: {  	[sflag:s12] =	ssyncset.done $0x0  }
0x5f: {  	[sflag:s12] =	ssyncadd.s32 $0xFFFFFF38  }
0x60: {  	_ =	swait.ge [sflag:s16], $0x6400  }
0x61: {  	[sflag:s16] =	ssyncset.done $0x0  }
0x62: {  	[sflag:s16] =	ssyncadd.s32 $0xFFFF9C00  }
0x63: {  	[tilespmem:s17], [sflag:$0x2] =	stream.indirect.gather [hbm4b:s4+s13], $0x80, s15, s13, $0xb8;
	[tilespmem:$0xCA00] =	vst v63  }
0x64: {  	_ = 	snop  }
0x65: {  	[hbm4b:s20+s2] =	stream.linear.scatter [tilespmem:s14], [sflag:$0x3], $0x6400, $0x38;
	[tilespmem:$0xCA00] =	vst v63  }
0x66: {  	_ =	swait.ge [sflag:s12], $0x6400  }
0x67: {  	[sflag:s12] =	ssyncset.done $0x0  }
0x68: {  	[sflag:s12] =	ssyncadd.s32 $0xFFFF9C00  }
0x69: {  	_ =	swait.ge [sflag:s18], $0x6400  }
0x6a: {  	[sflag:s18] =	ssyncset.done $0x0  }
0x6b: {  	s31 =	sadd.s32 $0xC80, s20;
	[sflag:s18] =	ssyncadd.s32 $0xFFFF9C00  }
0x6c: {  	[hbm4b:s31+s2] =	stream.linear.scatter [tilespmem:s17], [sflag:$0x3], $0x6400, $0x38;
	[tilespmem:$0xCA00] =	vst v63  }
0x6d: {  	_ =	swait.ge [sflag:s12], $0x6400  }
0x6e: {  	[sflag:s12] =	ssyncset.done $0x0  }
0x6f: {  	[sflag:s12] =	ssyncadd.s32 $0xFFFF9C00  }
0x70: {  	[tilespmem:s2], [sflag:$0x3] =	stream.linear.gather [hbm4b:s5+s2], $0xC8, $0x38;
	[tilespmem:$0xCA00] =	vst v63  }
0x71: {  	_ =	swait.ge [sflag:s12], $0xC8  }
0x72: {  	[sflag:s12] =	ssyncset.done $0x0  }
0x73: {  	[sflag:s12] =	ssyncadd.s32 $0xFFFFFF38  }
0x74: {  	[tilespmem:s14], [sflag:$0x1] =	stream.indirect.gather [hbm4b:s4+s13], $0x80, s2, s13, $0xb8;
	[tilespmem:$0xCA00] =	vst v63  }
0x75: {  	s19 =	sadd.s32 $0x1, s19;
	_ =	swait.ge [sflag:s16], $0x6400  }
0x76: {  	p0 =	sne.s32 s19, s8;
	[sflag:s16] =	ssyncset.done $0x0  }
.Ltmp1:
0x77: {  	[sflag:s16] =	ssyncadd.s32 $0xFFFF9C00;
	(pc) =	sbr.rel @p0 .LBB2_1-.Ltmp1, $4  }
0x78: {  	[hbm4b:s6+s2] =	stream.linear.scatter [tilespmem:s14], [sflag:$0x3], $0x6400, $0x38;
	[tilespmem:$0xCA00] =	vst v63  }
0x79: {  	_ =	swait.ge [sflag:s12], $0x6400  }
0x7a: {  	[sflag:s12] =	ssyncset.done $0x0  }
0x7b: {  	[sflag:s12] =	ssyncadd.s32 $0xFFFF9C00  }
0x7c: {  	_ =	sfence.sel $0x180000  }
0x7d: {  	[bflag:$0x0] =	sbarrier.arrive $0xFFFF  }
0x7e: {  	p0 =	sne.s32 s0, $0x0;
	_ =	strace $0x90000050  }
0x7f: {  	s0 =	sadd.s32 @!p0 $0x100000, s1;
	[bflag:$0x2] =	sbarrier.arrive $0xFFFF  }
0x80: {  	[sflag:s0] =	ssyncadd.tile.s32 @!p0 $0x1;
	_ =	shalt  }
.Lfunc_end2:
_tile_overlayer_lowered:
.L_overlay_start_2:
0x81: {  	(tag) =	ssettag $0x2  }
0x82: {  	s0 =	rddreg [dreg:$0x0];
	s2 =	stileid.u32  }
0x83: {  	s1 =	rddreg [dreg:$0x1];
	p0 =	sne.s32 s2, $0x0  }
0x84: {  	s3 =	rddreg [dreg:$0x2];
	[bflag:$0x3] =	sbarrier.arrive $0xFFFF;
	s2 =	simm.s32 @!p0 $0x1C03  }
0x85: {  	[timem:s3], [sflag:s2] =	dma.local @!p0 [hbm:s0], s1  }
0x86: {  	s0 =	simm.s32 @!p0 $0x3  }
0x87: {  	_ =	swait.ge @!p0 [sflag:s0], s1  }
0x88: {  	s1 =	ssub.s32 @!p0 $0x0, s1;
	[sflag:s0] =	ssyncset.done @!p0 $0x0  }
0x89: {  	[sflag:s0] =	ssyncadd.s32 @!p0 s1  }
0x8a: {  	[bflag:$0x3] =	sbarrier.arrive $0xFFFF  }
0x8b: {  	_ =	shalt  }

// kernel: kernel.17.cloned.1.call-start
scs
__scs_entry_jumppad:
0x0: {  	(pc) =	sbr.rel $0x88, $3  }
0x1: {  	(tag) =	ssettag $0x0;
	lr =	simm.s32 $0x1  }
0x2: {  	[smem:$0x3F86] =	sst lr;
	_ =	strace $0xD0000000  }
0x3: {  	_ = 	snop  }
0x4: {  	_ = 	snop  }
0x5: {  	_ = 	snop  }
0x6: {  	_ = 	snop  }
0x7: {  	_ = 	snop  }
__scs_overlays_trampoline_lowered:
0x8: {  	[smem:$0x3F95] =	sst s0  }
0x9: {  	[smem:$0x3F96] =	sst s1  }
0xa: {  	[smem:$0x3F97] =	sst s2  }
0xb: {  	[smem:$0x3F98] =	sst s3  }
0xc: {  	[smem:$0x3F99] =	sst s4  }
0xd: {  	[smem:$0x3F9A] =	sst s5  }
0xe: {  	[smem:$0x3F9B] =	sst s6  }
0xf: {  	[smem:$0x3F9C] =	sst s7  }
0x10: {  	[smem:$0x3F9D] =	sst s8  }
0x11: {  	[smem:$0x3F9E] =	sst s9;
	s0 =	simm.s32 @!p0 $0x0  }
0x12: {  	s1 =	sld [smem:$0x3F84];
	s0 =	simm.s32 @p0 $0x1  }
0x13: {  	[smem:$0x3F9F] =	sst s0;
	s0 =	simm.s32 @!p1 $0x0  }
0x14: {  	s2 =	sld [smem:$0x3F83];
	s0 =	simm.s32 @p1 $0x1  }
0x15: {  	[smem:$0x3FA0] =	sst s0;
	s0 =	simm.s32 @!p2 $0x0  }
0x16: {  	s3 =	sld [smem:$0x3FDB];
	s0 =	simm.s32 @p2 $0x1  }
0x17: {  	s4 =	simm.s32 $0x1BF5;
	[smem:$0x3FA2] =	sst s0  }
0x18: {  	s0 =	sld [smem:$0x3F85];
	_ =	swait.ge [sflag:s4], $0x0  }
0x19: {  	s7 =	sld [smem:$0x3F86]  }
0x1a: {  	s8 =	sadd.s32 $0xFFFFE003, lr  }
0x1b: {  	s9 =	sadd.s32 $0xFFFFFEF7, lr;
	s5 =	simm.s32 $0xFFFFFFFF;
	p2 =	slt.u32 s8, $0xFFFFF086  }
0x1c: {  	p1 =	slt.u32 s9, $0xF7A;
	s5 =	simm.s32 @!p2 $0x0  }
0x1d: {  	s5 =	simm.s32 @p1 $0x1;
	p0 =	seq.s32 s7, s2  }
0x1e: {  	s7 =	smul.u32 @!p0 $0xF7A, s2;
	p2 =	seq.s32 @!p0 s5, $0x0  }
0x1f: {  	s9 =	smul.u32 $0xF7A, s1;
	s8 =	simm.s32 @!p0 $0x1BF5;
	p2 =	por !p2, p0  }
0x20: {  	[sflag:s8] =	ssyncset.s32 @!p0 $0xFFFFF086;
	s6 =	sadd.s32 @!p0 s3, s7;
	s7 =	simm.s32 @!p0 $0x108  }
0x21: {  	s3 =	sadd.s32 s3, s9;
	s6 =	sadd.s32 @!p0 $0x88, s6;
	s7 =	simm.s32 @p2 $0x1082  }
0x22: {  	[simem:s7], [sflag:s8] =	dma.local @!p0 [hbm:s6], $0xF7A  }
0x23: {  	s9 =	sor.u32 $0xD0000000, s2;
	s6 =	simm.s32 $0x108;
	_ =	swait.ge @!p0 [sflag:s8], $0x0  }
0x24: {  	s3 =	sadd.s32 $0x88, s3;
	s6 =	simm.s32 @!p1 $0x1082;
	[sflag:s4] =	ssyncset.s32 $0xFFFFF086  }
0x25: {  	[simem:s6], [sflag:s4] =	dma.local [hbm:s3], $0xF7A  }
0x26: {  	[smem:$0x3F86] =	sst s1;
	(tag) =	ssettag s2;
	_ =	strace s9  }
0x27: {  	s1 =	sld [smem:$0x3F96]  }
0x28: {  	s2 =	sld [smem:$0x3F97]  }
0x29: {  	s4 =	sld [smem:$0x3F99]  }
0x2a: {  	p0 =	seq.s32 s5, $0x0;
	s5 =	sld [smem:$0x3F9A]  }
0x2b: {  	s6 =	sld [smem:$0x3F9B]  }
0x2c: {  	s7 =	sld [smem:$0x3F9C]  }
0x2d: {  	s3 =	simm.s32 $0x108;
	s8 =	sld [smem:$0x3F9D]  }
0x2e: {  	s3 =	simm.s32 @!p0 $0x1082;
	s9 =	sld [smem:$0x3F9E]  }
0x2f: {  	lr =	sadd.s32 s0, s3;
	s0 =	sld [smem:$0x3F95]  }
0x30: {  	s3 =	sld [smem:$0x3F98]  }
0x31: {  	[smem:$0x3FA1] =	sst s10  }
0x32: {  	s10 =	sld [smem:$0x3F9F];
	_ =	sdelay $0x3  }
0x33: {  	p0 =	seq.s32 s10, $0x1;
	s10 =	sld [smem:$0x3FA1];
	_ =	sdelay $0x3  }
0x34: {  	[smem:$0x3FA1] =	sst s10  }
0x35: {  	s10 =	sld [smem:$0x3FA0];
	_ =	sdelay $0x3  }
0x36: {  	p1 =	seq.s32 s10, $0x1;
	s10 =	sld [smem:$0x3FA1];
	_ =	sdelay $0x3  }
0x37: {  	[smem:$0x3FA1] =	sst s10  }
0x38: {  	s10 =	sld [smem:$0x3FA2]  }
0x39: {  	_ = 	snop;
	(pc) =	sbr.ind lr, $3  }
0x3a: {  	_ = 	snop  }
0x3b: {  	_ = 	snop  }
0x3c: {  	p2 =	seq.s32 s10, $0x1;
	s10 =	sld [smem:$0x3FA1]  }
0x3d: {  	_ =	shalt  }
0x3e: {  	_ =	shalt  }
0x3f: {  	_ =	shalt  }
0x40: {  	_ =	shalt  }
0x41: {  	_ =	shalt  }
0x42: {  	_ =	shalt  }
0x43: {  	_ =	shalt  }
0x44: {  	_ =	shalt  }
0x45: {  	_ =	shalt  }
0x46: {  	_ =	shalt  }
0x47: {  	_ =	shalt  }
0x48: {  	_ =	shalt  }
0x49: {  	_ =	shalt  }
0x4a: {  	_ =	shalt  }
0x4b: {  	_ =	shalt  }
0x4c: {  	_ =	shalt  }
0x4d: {  	_ =	shalt  }
0x4e: {  	_ =	shalt  }
0x4f: {  	_ =	shalt  }
0x50: {  	_ =	shalt  }
0x51: {  	_ =	shalt  }
0x52: {  	_ =	shalt  }
0x53: {  	_ =	shalt  }
0x54: {  	_ =	shalt  }
0x55: {  	_ =	shalt  }
0x56: {  	_ =	shalt  }
0x57: {  	_ =	shalt  }
0x58: {  	_ =	shalt  }
0x59: {  	_ =	shalt  }
0x5a: {  	_ =	shalt  }
0x5b: {  	_ =	shalt  }
0x5c: {  	_ =	shalt  }
0x5d: {  	_ =	shalt  }
0x5e: {  	_ =	shalt  }
0x5f: {  	_ =	shalt  }
0x60: {  	_ =	shalt  }
0x61: {  	_ =	shalt  }
0x62: {  	_ =	shalt  }
0x63: {  	_ =	shalt  }
0x64: {  	_ =	shalt  }
0x65: {  	_ =	shalt  }
0x66: {  	_ =	shalt  }
0x67: {  	_ =	shalt  }
0x68: {  	_ =	shalt  }
0x69: {  	_ =	shalt  }
0x6a: {  	_ =	shalt  }
0x6b: {  	_ =	shalt  }
0x6c: {  	_ =	shalt  }
0x6d: {  	_ =	shalt  }
0x6e: {  	_ =	shalt  }
0x6f: {  	_ =	shalt  }
0x70: {  	_ =	shalt  }
0x71: {  	_ =	shalt  }
0x72: {  	_ =	shalt  }
0x73: {  	_ =	shalt  }
0x74: {  	_ =	shalt  }
0x75: {  	_ =	shalt  }
0x76: {  	_ =	shalt  }
0x77: {  	_ =	shalt  }
0x78: {  	_ =	shalt  }
0x79: {  	_ =	shalt  }
0x7a: {  	_ =	shalt  }
0x7b: {  	_ =	shalt  }
0x7c: {  	_ =	shalt  }
0x7d: {  	_ =	shalt  }
0x7e: {  	_ =	shalt  }
0x7f: {  	_ =	shalt  }
0x80: {  	_ =	shalt  }
0x81: {  	_ =	shalt  }
0x82: {  	_ =	shalt  }
0x83: {  	_ =	shalt  }
0x84: {  	_ =	shalt  }
0x85: {  	_ =	shalt  }
0x86: {  	_ =	shalt  }
0x87: {  	_ =	shalt  }
.Lfunc_end0:
.L_simem_size_0:
called_computation.2_lowered:
.L_overlay_start_0:
0x88: {  	s2 =	sld [smem:$0x3FD9]  }
0x89: {  	s3 =	sld [smem:$0x3FFE];
	_ =	sdelay $0x1  }
0x8a: {  	s1 =	srdreg.scid  }
0x8b: {  	s0 =	sand.u32 $0x1, s1  }
0x8c: {  	s17 =	sshll.u32 s0, $0xA;
	s2 =	sadd.s32 s3, s2  }
0x8d: {  	s2 =	sadd.s32 s2, s17  }
0x8e: {  	[smem:$0x3FAD] =	sst s2  }
0x8f: {  	_ = 	snop  }
0x90: {  	(tm) =	ssettm $0x1  }
0x91: {  	s18 =	sld [smem:$0x3FFB];
	_ =	sdelay $0x3  }
0x92: {  	_ =	strace s18  }
0x93: {  	s2 =	sld [smem:$0x3FFC];
	_ =	sdelay $0x3  }
0x94: {  	_ =	strace s2  }
0x95: {  	s2 =	sld [smem:$0x3FFD];
	_ =	sdelay $0x3  }
0x96: {  	_ =	strace s2  }
0x97: {  	_ =	strace $0x8FFFFFFF  }
0x98: {  	s19 =	sld [smem:$0x3FDB];
	_ =	sdelay $0x1  }
0x99: {  	s20 =	simm.s32 $_scs_section_size  }
0x9a: {  	s4 =	simm.s32 $_size__tile_overlayer_lowered;
	s5 =	simm.s32 $_tile_overlayer_lowered  }
0x9b: {  	s6 =	simm.s32 $0x1BFF;
	s21 =	sshll.u32 s5, $0x1;
	s3 =	sadd.s32 s20, s19  }
0x9c: {  	s22 =	simm.s32 $0x0;
	s4 =	sshll.u32 s4, $0x1;
	s5 =	sadd.s32 s21, s3  }
0x9d: {  	[timem:s22], [sflag:s6] =	dma.local [hbm:s5], s4  }
0x9e: {  	_ =	swait.ge [sflag:s6], s4  }
0x9f: {  	s4 =	ssub.s32 $0x0, s4;
	[sflag:s6] =	ssyncset.done $0x0  }
0xa0: {  	[sflag:s6] =	ssyncadd.s32 s4;
	_ =	sdelay $0x1  }
0xa1: {  	s23 =	simm.s32 $0x1B8B  }
0xa2: {  	_ =	swait.ge [sflag:s23], $0x1  }
0xa3: {  	[sflag:s23] =	ssyncset.done $0x0  }
0xa4: {  	[sflag:s23] =	ssyncadd.s32 $0xFFFFFFFF  }
0xa5: {  	s4 =	sld [smem:$0x0]  }
0xa6: {  	s5 =	sand.u32 $0xFFFFFFFE, s1  }
0xa7: {  	p0 =	sne.s32 s1, s5  }
0xa8: {  	s5 =	sshll.u32 @p0 s5, $0xE  }
0xa9: {  	s5 =	sadd.s32 @p0 $0x11B8D, s5;
	s6 =	sshll.u32 @p0 s4, $0x11  }
0xaa: {  	s5 =	sor.u32 @p0 s6, s5  }
0xab: {  	[sflag:s5] =	ssyncadd.remote.s32 @p0 $0x1;
	_ =	sdelay $0x1  }
0xac: {  	s5 =	simm.s32 @p0 $0x1B8D  }
0xad: {  	_ =	swait.eq @p0 [sflag:s5], $0x1  }
0xae: {  	[sflag:s5] =	ssyncadd.s32 @p0 $0xFFFFFFFF  }
0xaf: {  	s6 =	sshll.u32 @!p0 s1, $0xE  }
0xb0: {  	s6 =	sor.u32 @!p0 $0x4000, s6;
	s5 =	simm.s32 @!p0 $0x1B8D  }
0xb1: {  	s4 =	sshll.u32 @!p0 s4, $0x11;
	s6 =	sadd.s32 @!p0 $0x11B8D, s6;
	_ =	swait.eq @!p0 [sflag:s5], $0x1  }
0xb2: {  	s4 =	sor.u32 @!p0 s4, s6;
	[sflag:s5] =	ssyncadd.s32 @!p0 $0xFFFFFFFF  }
0xb3: {  	s25 =	simm.s32 $0x1B8E;
	s24 =	sld [smem:$0x3FFE];
	[sflag:s4] =	ssyncadd.remote.s32 @!p0 $0x1  }
0xb4: {  	s26 =	simm.s32 $execute0_lowered;
	[smem:$0x3FD2] =	sst s25  }
0xb5: {  	s5 =	sshll.u32 s26, $0x1;
	_ =	strace $0x8000004C;
	[dreg:$0x1] =	wrdreg $0xFFFFFFFF  }
0xb6: {  	s28 =	simm.s32 $_size_execute0_lowered;
	s3 =	sadd.s32 s3, s5;
	[dreg:$0x0] =	wrdreg $0x0  }
0xb7: {  	s5 =	sshll.u32 s28, $0x1;
	[dreg:$0x2] =	wrdreg s3  }
0xb8: {  	[dreg:$0x3] =	wrdreg s5  }
0xb9: {  	[dreg:$0x4] =	wrdreg $0xC0  }
0xba: {  	_ =	task [dreg:s22], $0x5FFFF  }
0xbb: {  	[dreg:$0x1] =	wrdreg $0xFFFFFFFF  }
0xbc: {  	[dreg:$0x0] =	wrdreg $0x60  }
0xbd: {  	[dreg:$0x2] =	wrdreg s24  }
0xbe: {  	[dreg:$0x3] =	wrdreg $0xB  }
0xbf: {  	_ =	task.clear_ibuf [dreg:s22], $0x4FFFF;
	_ =	strace $0x9000004C  }
0xc0: {  	s29 =	simm.s32 $0xB;
	_ =	strace $0x8000004E  }
0xc1: {  	_ =	swait.ge [sflag:s29], $0x1  }
0xc2: {  	[sflag:s29] =	ssyncadd.s32 $0xFFFFFFFF  }
0xc3: {  	_ =	strace $0x9000004E  }
0xc4: {  	_ =	sfence  }
0xc5: {  	s30 =	sld [smem:$0x0];
	_ =	sdelay $0x2  }
0xc6: {  	s31 =	sshll.u32 s1, $0xD;
	s1 =	sshrl.u32 s1, $0x2  }
0xc7: {  	s4 =	sand.u32 $0x4000, s31;
	s1 =	sadd.s32 s1, s30  }
0xc8: {  	s0 =	sor.u32 s4, s0;
	s1 =	sshll.u32 s1, $0x11  }
0xc9: {  	s0 =	sor.u32 s1, s0  }
0xca: {  	s0 =	sadd.s32 $0x8F2B, s0  }
0xcb: {  	[sflag:s0] =	ssyncadd.remote.s32 $0x1  }
0xcc: {  	_ =	sfence.sel $0xFFFF  }
0xcd: {  	[dreg:$0x0] =	wrdreg $0xFFFFFFFF;
	(pc) =	sbr.abs _section_cstart, $3  }
0xce: {  	[dreg:$0x1] =	wrdreg $0xFFFFFFFF  }
0xcf: {  	_ =	task.clear_ibuf [dreg:s22], $0x2FFFF;
	_ =	strace $0x9FFFFFFF  }
0xd0: {  	(tm) =	ssettm $0x7FFFFFFF  }
0xd1: {  	_ =	shalt  }
tec
execute0_lowered:
.L_overlay_start_1:
0x0: {  	(tag) =	ssettag $0x1  }
0x1: {  	s1 =	srdreg.scid  }
0x2: {  	s0 =	stileid.u32;
	s5 =	rddreg [dreg:$0x0];
	s2 =	simm.s32 $0x0  }
0x3: {  	s14 =	simm.s32 $0x200;
	s7 =	sand.u32 $0x1, s1;
	s24 =	sshll.u32 s0, $0x1  }
0x4: {  	s15 =	simm.s32 $0x100;
	s11 =	smul.u32 $0x36B0, s0;
	s1 =	sor.u32 s7, s24  }
0x5: {  	s16 =	simm.s32 $0x1;
	s17 =	simm.s32 $0x6600;
	s1 =	smul.u32 $0x1B58, s1  }
0x6: {  	s18 =	simm.s32 $0x2;
	s19 =	simm.s32 $0x0;
	s12 =	smul.u32 $0x36B00, s0  }
0x7: {  	[smem:$0x7FF] =	sst s2;
	s29 =	smul.u32 $0x1B58, s7;
	s6 =	sadd.s32 $0x1A90, s1  }
0x8: {  	s4 =	sadd.s32 $0x3EFE00, s5;
	s25 =	ssub.s32 $0x2, s7;
	s3 =	smulhi.u32 $0x95CBF, s6  }
0x9: {  	s10 =	sadd.s32 $0x81E400, s5;
	s13 =	smul.u32 $0x1B580, s7;
	s26 =	sshrl.u32 s25, $0x1  }
0xa: {  	s30 =	sadd.s32 s12, s10;
	s12 =	simm.s32 $0x3;
	s3 =	sshrl.u32 s3, $0x1  }
0xb: {  	s7 =	sadd.s32 s29, s11;
	s1 =	rddreg [dreg:$0x1];
	s8 =	smul.u32 $0x36B0, s3  }
0xc: {  	_ =	strace $0x8000004D;
	s31 =	sadd.s32 $0x55F0, s7;
	s9 =	smul.u32 $0xC350, s3  }
0xd: {  	s11 =	sadd.s32 $0xC8, s7;
	[dreg:$0x2] =	wrdreg s31;
	s8 =	ssub.s32 s6, s8  }
0xe: {  	s3 =	sadd.s32 $0x6800, s5;
	s6 =	sshll.u32 s6, $0x4;
	s8 =	sadd.s32 s9, s8  }
0xf: {  	s9 =	ssub.s32 s25, s26;
	s6 =	sadd.s32 s10, s6;
	s8 =	sshrl.u32 s8, $0x3  }
0x10: {  	s10 =	sadd.s32 $0x56B8, s7;
	s28 =	sadd.s32 s3, s8;
	s8 =	smax.u32 s9, $0x1  }
0x11: {  	s9 =	sadd.s32 s13, s30;
	s13 =	simm.s32 $0xC8;
	s5 =	sadd.s32 $0xABE, s28  }
.LBB2_1:
0x12: {  	s20 =	smulhi.u32 $0x95CBEC1B, s7;
	_ =	sdelay $0x1  }
0x13: {  	s20 =	sshrl.u32 s20, $0xD  }
0x14: {  	s20 =	smul.u32 $0x8CA0, s20  }
0x15: {  	s21 =	rddreg [dreg:$0x2]  }
0x16: {  	s28 =	smulhi.u32 $0x95CBEC1B, s11;
	s20 =	sadd.s32 s20, s21  }
0x17: {  	s20 =	sadd.s32 $0x0, s20  }
0x18: {  	s21 =	sshrl.u32 s28, $0xD;
	s20 =	sshrl.u32 s20, $0x3  }
0x19: {  	s21 =	smul.u32 $0x8CA0, s21;
	s20 =	sadd.s32 s3, s20  }
0x1a: {  	[tilespmem:s2], [sflag:$0x3] =	stream.linear.gather [hbm4b:s20+s2], $0xC8, $0x38;
	[tilespmem:$0xCA00] =	vst v63  }
0x1b: {  	s29 =	sadd.s32 s21, s10;
	_ =	swait.ge [sflag:s12], $0xC8  }
0x1c: {  	s20 =	sadd.s32 $0x0, s29;
	[sflag:s12] =	ssyncset.done $0x0  }
0x1d: {  	s20 =	sshrl.u32 s20, $0x3;
	[sflag:s12] =	ssyncadd.s32 $0xFFFFFF38  }
0x1e: {  	[tilespmem:s14], [sflag:$0x1] =	stream.indirect.gather [hbm4b:s4+s13], $0x80, s2, s13, $0xb8;
	[tilespmem:$0xCA00] =	vst v63  }
0x1f: {  	s20 =	sadd.s32 s3, s20  }
0x20: {  	[tilespmem:s15], [sflag:$0x3] =	stream.linear.gather [hbm4b:s20+s2], $0xC8, $0x38;
	[tilespmem:$0xCA00] =	vst v63  }
0x21: {  	_ =	swait.ge [sflag:s12], $0xC8  }
0x22: {  	[sflag:s12] =	ssyncset.done $0x0  }
0x23: {  	[sflag:s12] =	ssyncadd.s32 $0xFFFFFF38  }
0x24: {  	_ =	swait.ge [sflag:s16], $0x6400  }
0x25: {  	[sflag:s16] =	ssyncset.done $0x0  }
0x26: {  	[sflag:s16] =	ssyncadd.s32 $0xFFFF9C00  }
0x27: {  	[tilespmem:s17], [sflag:$0x2] =	stream.indirect.gather [hbm4b:s4+s13], $0x80, s15, s13, $0xb8;
	[tilespmem:$0xCA00] =	vst v63  }
0x28: {  	_ = 	snop  }
0x29: {  	[hbm4b:s9+s2] =	stream.linear.scatter [tilespmem:s14], [sflag:$0x3], $0x6400, $0x38;
	[tilespmem:$0xCA00] =	vst v63  }
0x2a: {  	_ =	swait.ge [sflag:s12], $0x6400  }
0x2b: {  	[sflag:s12] =	ssyncset.done $0x0  }
0x2c: {  	s22 =	sadd.s32 $0x190, s7;
	[sflag:s12] =	ssyncadd.s32 $0xFFFF9C00  }
0x2d: {  	s30 =	smulhi.u32 $0x95CBEC1B, s22;
	_ =	swait.ge [sflag:s18], $0x6400  }
0x2e: {  	s31 =	sadd.s32 $0xC80, s9;
	s24 =	simm.s32 $0x320;
	[sflag:s18] =	ssyncset.done $0x0  }
0x2f: {  	s23 =	sadd.s32 $0x190, s11;
	s25 =	sshrl.u32 s30, $0xD;
	[sflag:s18] =	ssyncadd.s32 $0xFFFF9C00  }
0x30: {  	[hbm4b:s31+s2] =	stream.linear.scatter [tilespmem:s17], [sflag:$0x3], $0x6400, $0x38;
	[tilespmem:$0xCA00] =	vst v63  }
0x31: {  	s21 =	simm.s32 $0x190;
	s20 =	sadd.s32 $0x1900, s9;
	_ =	swait.ge [sflag:s12], $0x6400  }
.LBB2_2:
0x32: {  	s25 =	smul.u32 $0x8CA0, s25  }
0x33: {  	s26 =	rddreg [dreg:$0x2]  }
0x34: {  	s31 =	smulhi.u32 $0x95CBEC1B, s23;
	s25 =	sadd.s32 s25, s26  }
0x35: {  	s25 =	sadd.s32 s25, s21  }
0x36: {  	[sflag:s12] =	ssyncset.done $0x0;
	s26 =	sshrl.u32 s31, $0xD;
	s25 =	sshrl.u32 s25, $0x3  }
0x37: {  	[sflag:s12] =	ssyncadd.s32 $0xFFFF9C00;
	s26 =	smul.u32 $0x8CA0, s26;
	s25 =	sadd.s32 s3, s25  }
0x38: {  	[tilespmem:s2], [sflag:$0x3] =	stream.linear.gather [hbm4b:s25+s2], $0xC8, $0x38;
	[tilespmem:$0xCA00] =	vst v63  }
0x39: {  	s29 =	sadd.s32 s26, s10;
	_ =	swait.ge [sflag:s12], $0xC8  }
0x3a: {  	s25 =	sadd.s32 s29, s21;
	[sflag:s12] =	ssyncset.done $0x0  }
0x3b: {  	s25 =	sshrl.u32 s25, $0x3;
	[sflag:s12] =	ssyncadd.s32 $0xFFFFFF38  }
0x3c: {  	[tilespmem:s14], [sflag:$0x1] =	stream.indirect.gather [hbm4b:s4+s13], $0x80, s2, s13, $0xb8;
	[tilespmem:$0xCA00] =	vst v63  }
0x3d: {  	s25 =	sadd.s32 s3, s25  }
0x3e: {  	[tilespmem:s15], [sflag:$0x3] =	stream.linear.gather [hbm4b:s25+s2], $0xC8, $0x38;
	[tilespmem:$0xCA00] =	vst v63  }
0x3f: {  	_ =	swait.ge [sflag:s12], $0xC8  }
0x40: {  	[sflag:s12] =	ssyncset.done $0x0  }
0x41: {  	[sflag:s12] =	ssyncadd.s32 $0xFFFFFF38  }
0x42: {  	_ =	swait.ge [sflag:s16], $0x6400  }
0x43: {  	[sflag:s16] =	ssyncset.done $0x0  }
0x44: {  	[sflag:s16] =	ssyncadd.s32 $0xFFFF9C00  }
0x45: {  	[tilespmem:s17], [sflag:$0x2] =	stream.indirect.gather [hbm4b:s4+s13], $0x80, s15, s13, $0xb8;
	[tilespmem:$0xCA00] =	vst v63  }
0x46: {  	_ = 	snop  }
0x47: {  	[hbm4b:s20+s2] =	stream.linear.scatter [tilespmem:s14], [sflag:$0x3], $0x6400, $0x38;
	[tilespmem:$0xCA00] =	vst v63  }
0x48: {  	_ =	swait.ge [sflag:s12], $0x6400  }
0x49: {  	s28 =	smov.u32 s24;
	[sflag:s12] =	ssyncset.done $0x0  }
0x4a: {  	p0 =	sne.s32 s24, $0x1900;
	s24 =	sadd.s32 $0x190, s24;
	[sflag:s12] =	ssyncadd.s32 $0xFFFF9C00  }
.Ltmp0:
0x4b: {  	s22 =	sadd.s32 $0x190, s22;
	_ =	swait.ge [sflag:s18], $0x6400;
	(pc) =	sbr.rel @p0 .LBB2_2-.Ltmp0, $4  }
0x4c: {  	s23 =	sadd.s32 $0x190, s23;
	s30 =	smulhi.u32 $0x95CBEC1B, s22;
	[sflag:s18] =	ssyncset.done $0x0  }
0x4d: {  	s31 =	sadd.s32 $0xC80, s20;
	s21 =	smov.u32 s28;
	[sflag:s18] =	ssyncadd.s32 $0xFFFF9C00  }
0x4e: {  	[hbm4b:s31+s2] =	stream.linear.scatter [tilespmem:s17], [sflag:$0x3], $0x6400, $0x38;
	[tilespmem:$0xCA00] =	vst v63  }
0x4f: {  	s25 =	sshrl.u32 s30, $0xD;
	s20 =	sadd.s32 $0x1900, s20;
	_ =	swait.ge [sflag:s12], $0x6400  }
0x50: {  	s24 =	smul.u32 $0x8CA0, s25  }
0x51: {  	s22 =	rddreg [dreg:$0x2]  }
0x52: {  	s23 =	smulhi.u32 $0x95CBEC1B, s23;
	s22 =	sadd.s32 s24, s22  }
0x53: {  	s22 =	sadd.s32 s22, s21  }
0x54: {  	[sflag:s12] =	ssyncset.done $0x0;
	s23 =	sshrl.u32 s23, $0xD;
	s22 =	sshrl.u32 s22, $0x3  }
0x55: {  	[sflag:s12] =	ssyncadd.s32 $0xFFFF9C00;
	s23 =	smul.u32 $0x8CA0, s23;
	s22 =	sadd.s32 s3, s22  }
0x56: {  	[tilespmem:s2], [sflag:$0x3] =	stream.linear.gather [hbm4b:s22+s2], $0xC8, $0x38;
	[tilespmem:$0xCA00] =	vst v63  }
0x57: {  	s29 =	sadd.s32 s23, s10;
	_ =	swait.ge [sflag:s12], $0xC8  }
0x58: {  	s30 =	sadd.s32 s29, s21;
	[sflag:s12] =	ssyncset.done $0x0  }
0x59: {  	s21 =	sshrl.u32 s30, $0x3;
	[sflag:s12] =	ssyncadd.s32 $0xFFFFFF38  }
0x5a: {  	[tilespmem:s14], [sflag:$0x1] =	stream.indirect.gather [hbm4b:s4+s13], $0x80, s2, s13, $0xb8;
	[tilespmem:$0xCA00] =	vst v63  }
0x5b: {  	s21 =	sadd.s32 s3, s21  }
0x5c: {  	[tilespmem:s15], [sflag:$0x3] =	stream.linear.gather [hbm4b:s21+s2], $0xC8, $0x38;
	[tilespmem:$0xCA00] =	vst v63  }
0x5d: {  	_ =	swait.ge [sflag:s12], $0xC8  }
0x5e: {  	[sflag:s12] =	ssyncset.done $0x0  }
0x5f: {  	[sflag:s12] =	ssyncadd.s32 $0xFFFFFF38  }
0x60: {  	_ =	swait.ge [sflag:s16], $0x6400  }
0x61: {  	[sflag:s16] =	ssyncset.done $0x0  }
0x62: {  	[sflag:s16] =	ssyncadd.s32 $0xFFFF9C00  }
0x63: {  	[tilespmem:s17], [sflag:$0x2] =	stream.indirect.gather [hbm4b:s4+s13], $0x80, s15, s13, $0xb8;
	[tilespmem:$0xCA00] =	vst v63  }
0x64: {  	_ = 	snop  }
0x65: {  	[hbm4b:s20+s2] =	stream.linear.scatter [tilespmem:s14], [sflag:$0x3], $0x6400, $0x38;
	[tilespmem:$0xCA00] =	vst v63  }
0x66: {  	_ =	swait.ge [sflag:s12], $0x6400  }
0x67: {  	[sflag:s12] =	ssyncset.done $0x0  }
0x68: {  	[sflag:s12] =	ssyncadd.s32 $0xFFFF9C00  }
0x69: {  	_ =	swait.ge [sflag:s18], $0x6400  }
0x6a: {  	[sflag:s18] =	ssyncset.done $0x0  }
0x6b: {  	s31 =	sadd.s32 $0xC80, s20;
	[sflag:s18] =	ssyncadd.s32 $0xFFFF9C00  }
0x6c: {  	[hbm4b:s31+s2] =	stream.linear.scatter [tilespmem:s17], [sflag:$0x3], $0x6400, $0x38;
	[tilespmem:$0xCA00] =	vst v63  }
0x6d: {  	_ =	swait.ge [sflag:s12], $0x6400  }
0x6e: {  	[sflag:s12] =	ssyncset.done $0x0  }
0x6f: {  	[sflag:s12] =	ssyncadd.s32 $0xFFFF9C00  }
0x70: {  	[tilespmem:s2], [sflag:$0x3] =	stream.linear.gather [hbm4b:s5+s2], $0xC8, $0x38;
	[tilespmem:$0xCA00] =	vst v63  }
0x71: {  	_ =	swait.ge [sflag:s12], $0xC8  }
0x72: {  	[sflag:s12] =	ssyncset.done $0x0  }
0x73: {  	[sflag:s12] =	ssyncadd.s32 $0xFFFFFF38  }
0x74: {  	[tilespmem:s14], [sflag:$0x1] =	stream.indirect.gather [hbm4b:s4+s13], $0x80, s2, s13, $0xb8;
	[tilespmem:$0xCA00] =	vst v63  }
0x75: {  	s19 =	sadd.s32 $0x1, s19;
	_ =	swait.ge [sflag:s16], $0x6400  }
0x76: {  	p0 =	sne.s32 s19, s8;
	[sflag:s16] =	ssyncset.done $0x0  }
.Ltmp1:
0x77: {  	[sflag:s16] =	ssyncadd.s32 $0xFFFF9C00;
	(pc) =	sbr.rel @p0 .LBB2_1-.Ltmp1, $4  }
0x78: {  	[hbm4b:s6+s2] =	stream.linear.scatter [tilespmem:s14], [sflag:$0x3], $0x6400, $0x38;
	[tilespmem:$0xCA00] =	vst v63  }
0x79: {  	_ =	swait.ge [sflag:s12], $0x6400  }
0x7a: {  	[sflag:s12] =	ssyncset.done $0x0  }
0x7b: {  	[sflag:s12] =	ssyncadd.s32 $0xFFFF9C00  }
0x7c: {  	_ =	sfence.sel $0x180000  }
0x7d: {  	[bflag:$0x0] =	sbarrier.arrive $0xFFFF  }
0x7e: {  	p0 =	sne.s32 s0, $0x0;
	_ =	strace $0x9000004D  }
0x7f: {  	s0 =	sadd.s32 @!p0 $0x100000, s1;
	[bflag:$0x2] =	sbarrier.arrive $0xFFFF  }
0x80: {  	[sflag:s0] =	ssyncadd.tile.s32 @!p0 $0x1;
	_ =	shalt  }
.Lfunc_end2:
_tile_overlayer_lowered:
.L_overlay_start_2:
0x81: {  	(tag) =	ssettag $0x2  }
0x82: {  	s0 =	rddreg [dreg:$0x0];
	s2 =	stileid.u32  }
0x83: {  	s1 =	rddreg [dreg:$0x1];
	p0 =	sne.s32 s2, $0x0  }
0x84: {  	s3 =	rddreg [dreg:$0x2];
	[bflag:$0x3] =	sbarrier.arrive $0xFFFF;
	s2 =	simm.s32 @!p0 $0x1C03  }
0x85: {  	[timem:s3], [sflag:s2] =	dma.local @!p0 [hbm:s0], s1  }
0x86: {  	s0 =	simm.s32 @!p0 $0x3  }
0x87: {  	_ =	swait.ge @!p0 [sflag:s0], s1  }
0x88: {  	s1 =	ssub.s32 @!p0 $0x0, s1;
	[sflag:s0] =	ssyncset.done @!p0 $0x0  }
0x89: {  	[sflag:s0] =	ssyncadd.s32 @!p0 s1  }
0x8a: {  	[bflag:$0x3] =	sbarrier.arrive $0xFFFF  }
0x8b: {  	_ =	shalt  }

// kernel: kernel.20.cloned.1.call-start
scs
__scs_entry_jumppad:
0x0: {  	(pc) =	sbr.rel $0x88, $3  }
0x1: {  	(tag) =	ssettag $0x0;
	lr =	simm.s32 $0x1  }
0x2: {  	[smem:$0x3F86] =	sst lr;
	_ =	strace $0xD0000000  }
0x3: {  	_ = 	snop  }
0x4: {  	_ = 	snop  }
0x5: {  	_ = 	snop  }
0x6: {  	_ = 	snop  }
0x7: {  	_ = 	snop  }
__scs_overlays_trampoline_lowered:
0x8: {  	[smem:$0x3F95] =	sst s0  }
0x9: {  	[smem:$0x3F96] =	sst s1  }
0xa: {  	[smem:$0x3F97] =	sst s2  }
0xb: {  	[smem:$0x3F98] =	sst s3  }
0xc: {  	[smem:$0x3F99] =	sst s4  }
0xd: {  	[smem:$0x3F9A] =	sst s5  }
0xe: {  	[smem:$0x3F9B] =	sst s6  }
0xf: {  	[smem:$0x3F9C] =	sst s7  }
0x10: {  	[smem:$0x3F9D] =	sst s8  }
0x11: {  	[smem:$0x3F9E] =	sst s9;
	s0 =	simm.s32 @!p0 $0x0  }
0x12: {  	s1 =	sld [smem:$0x3F84];
	s0 =	simm.s32 @p0 $0x1  }
0x13: {  	[smem:$0x3F9F] =	sst s0;
	s0 =	simm.s32 @!p1 $0x0  }
0x14: {  	s2 =	sld [smem:$0x3F83];
	s0 =	simm.s32 @p1 $0x1  }
0x15: {  	[smem:$0x3FA0] =	sst s0;
	s0 =	simm.s32 @!p2 $0x0  }
0x16: {  	s3 =	sld [smem:$0x3FDB];
	s0 =	simm.s32 @p2 $0x1  }
0x17: {  	s4 =	simm.s32 $0x1BF5;
	[smem:$0x3FA2] =	sst s0  }
0x18: {  	s0 =	sld [smem:$0x3F85];
	_ =	swait.ge [sflag:s4], $0x0  }
0x19: {  	s7 =	sld [smem:$0x3F86]  }
0x1a: {  	s8 =	sadd.s32 $0xFFFFE003, lr  }
0x1b: {  	s9 =	sadd.s32 $0xFFFFFEF7, lr;
	s5 =	simm.s32 $0xFFFFFFFF;
	p2 =	slt.u32 s8, $0xFFFFF086  }
0x1c: {  	p1 =	slt.u32 s9, $0xF7A;
	s5 =	simm.s32 @!p2 $0x0  }
0x1d: {  	s5 =	simm.s32 @p1 $0x1;
	p0 =	seq.s32 s7, s2  }
0x1e: {  	s7 =	smul.u32 @!p0 $0xF7A, s2;
	p2 =	seq.s32 @!p0 s5, $0x0  }
0x1f: {  	s9 =	smul.u32 $0xF7A, s1;
	s8 =	simm.s32 @!p0 $0x1BF5;
	p2 =	por !p2, p0  }
0x20: {  	[sflag:s8] =	ssyncset.s32 @!p0 $0xFFFFF086;
	s6 =	sadd.s32 @!p0 s3, s7;
	s7 =	simm.s32 @!p0 $0x108  }
0x21: {  	s3 =	sadd.s32 s3, s9;
	s6 =	sadd.s32 @!p0 $0x88, s6;
	s7 =	simm.s32 @p2 $0x1082  }
0x22: {  	[simem:s7], [sflag:s8] =	dma.local @!p0 [hbm:s6], $0xF7A  }
0x23: {  	s9 =	sor.u32 $0xD0000000, s2;
	s6 =	simm.s32 $0x108;
	_ =	swait.ge @!p0 [sflag:s8], $0x0  }
0x24: {  	s3 =	sadd.s32 $0x88, s3;
	s6 =	simm.s32 @!p1 $0x1082;
	[sflag:s4] =	ssyncset.s32 $0xFFFFF086  }
0x25: {  	[simem:s6], [sflag:s4] =	dma.local [hbm:s3], $0xF7A  }
0x26: {  	[smem:$0x3F86] =	sst s1;
	(tag) =	ssettag s2;
	_ =	strace s9  }
0x27: {  	s1 =	sld [smem:$0x3F96]  }
0x28: {  	s2 =	sld [smem:$0x3F97]  }
0x29: {  	s4 =	sld [smem:$0x3F99]  }
0x2a: {  	p0 =	seq.s32 s5, $0x0;
	s5 =	sld [smem:$0x3F9A]  }
0x2b: {  	s6 =	sld [smem:$0x3F9B]  }
0x2c: {  	s7 =	sld [smem:$0x3F9C]  }
0x2d: {  	s3 =	simm.s32 $0x108;
	s8 =	sld [smem:$0x3F9D]  }
0x2e: {  	s3 =	simm.s32 @!p0 $0x1082;
	s9 =	sld [smem:$0x3F9E]  }
0x2f: {  	lr =	sadd.s32 s0, s3;
	s0 =	sld [smem:$0x3F95]  }
0x30: {  	s3 =	sld [smem:$0x3F98]  }
0x31: {  	[smem:$0x3FA1] =	sst s10  }
0x32: {  	s10 =	sld [smem:$0x3F9F];
	_ =	sdelay $0x3  }
0x33: {  	p0 =	seq.s32 s10, $0x1;
	s10 =	sld [smem:$0x3FA1];
	_ =	sdelay $0x3  }
0x34: {  	[smem:$0x3FA1] =	sst s10  }
0x35: {  	s10 =	sld [smem:$0x3FA0];
	_ =	sdelay $0x3  }
0x36: {  	p1 =	seq.s32 s10, $0x1;
	s10 =	sld [smem:$0x3FA1];
	_ =	sdelay $0x3  }
0x37: {  	[smem:$0x3FA1] =	sst s10  }
0x38: {  	s10 =	sld [smem:$0x3FA2]  }
0x39: {  	_ = 	snop;
	(pc) =	sbr.ind lr, $3  }
0x3a: {  	_ = 	snop  }
0x3b: {  	_ = 	snop  }
0x3c: {  	p2 =	seq.s32 s10, $0x1;
	s10 =	sld [smem:$0x3FA1]  }
0x3d: {  	_ =	shalt  }
0x3e: {  	_ =	shalt  }
0x3f: {  	_ =	shalt  }
0x40: {  	_ =	shalt  }
0x41: {  	_ =	shalt  }
0x42: {  	_ =	shalt  }
0x43: {  	_ =	shalt  }
0x44: {  	_ =	shalt  }
0x45: {  	_ =	shalt  }
0x46: {  	_ =	shalt  }
0x47: {  	_ =	shalt  }
0x48: {  	_ =	shalt  }
0x49: {  	_ =	shalt  }
0x4a: {  	_ =	shalt  }
0x4b: {  	_ =	shalt  }
0x4c: {  	_ =	shalt  }
0x4d: {  	_ =	shalt  }
0x4e: {  	_ =	shalt  }
0x4f: {  	_ =	shalt  }
0x50: {  	_ =	shalt  }
0x51: {  	_ =	shalt  }
0x52: {  	_ =	shalt  }
0x53: {  	_ =	shalt  }
0x54: {  	_ =	shalt  }
0x55: {  	_ =	shalt  }
0x56: {  	_ =	shalt  }
0x57: {  	_ =	shalt  }
0x58: {  	_ =	shalt  }
0x59: {  	_ =	shalt  }
0x5a: {  	_ =	shalt  }
0x5b: {  	_ =	shalt  }
0x5c: {  	_ =	shalt  }
0x5d: {  	_ =	shalt  }
0x5e: {  	_ =	shalt  }
0x5f: {  	_ =	shalt  }
0x60: {  	_ =	shalt  }
0x61: {  	_ =	shalt  }
0x62: {  	_ =	shalt  }
0x63: {  	_ =	shalt  }
0x64: {  	_ =	shalt  }
0x65: {  	_ =	shalt  }
0x66: {  	_ =	shalt  }
0x67: {  	_ =	shalt  }
0x68: {  	_ =	shalt  }
0x69: {  	_ =	shalt  }
0x6a: {  	_ =	shalt  }
0x6b: {  	_ =	shalt  }
0x6c: {  	_ =	shalt  }
0x6d: {  	_ =	shalt  }
0x6e: {  	_ =	shalt  }
0x6f: {  	_ =	shalt  }
0x70: {  	_ =	shalt  }
0x71: {  	_ =	shalt  }
0x72: {  	_ =	shalt  }
0x73: {  	_ =	shalt  }
0x74: {  	_ =	shalt  }
0x75: {  	_ =	shalt  }
0x76: {  	_ =	shalt  }
0x77: {  	_ =	shalt  }
0x78: {  	_ =	shalt  }
0x79: {  	_ =	shalt  }
0x7a: {  	_ =	shalt  }
0x7b: {  	_ =	shalt  }
0x7c: {  	_ =	shalt  }
0x7d: {  	_ =	shalt  }
0x7e: {  	_ =	shalt  }
0x7f: {  	_ =	shalt  }
0x80: {  	_ =	shalt  }
0x81: {  	_ =	shalt  }
0x82: {  	_ =	shalt  }
0x83: {  	_ =	shalt  }
0x84: {  	_ =	shalt  }
0x85: {  	_ =	shalt  }
0x86: {  	_ =	shalt  }
0x87: {  	_ =	shalt  }
.Lfunc_end0:
.L_simem_size_0:
called_computation.3_lowered:
.L_overlay_start_0:
0x88: {  	s2 =	sld [smem:$0x3FD9]  }
0x89: {  	s3 =	sld [smem:$0x3FFE];
	_ =	sdelay $0x1  }
0x8a: {  	s1 =	srdreg.scid  }
0x8b: {  	s0 =	sand.u32 $0x1, s1  }
0x8c: {  	s17 =	sshll.u32 s0, $0xA;
	s2 =	sadd.s32 s3, s2  }
0x8d: {  	s2 =	sadd.s32 s2, s17  }
0x8e: {  	[smem:$0x3FAD] =	sst s2  }
0x8f: {  	_ = 	snop  }
0x90: {  	(tm) =	ssettm $0x1  }
0x91: {  	s18 =	sld [smem:$0x3FFB];
	_ =	sdelay $0x3  }
0x92: {  	_ =	strace s18  }
0x93: {  	s2 =	sld [smem:$0x3FFC];
	_ =	sdelay $0x3  }
0x94: {  	_ =	strace s2  }
0x95: {  	s2 =	sld [smem:$0x3FFD];
	_ =	sdelay $0x3  }
0x96: {  	_ =	strace s2  }
0x97: {  	_ =	strace $0x8FFFFFFF  }
0x98: {  	s19 =	sld [smem:$0x3FDB];
	_ =	sdelay $0x1  }
0x99: {  	s20 =	simm.s32 $_scs_section_size  }
0x9a: {  	s4 =	simm.s32 $_size__tile_overlayer_lowered;
	s5 =	simm.s32 $_tile_overlayer_lowered  }
0x9b: {  	s6 =	simm.s32 $0x1BFF;
	s21 =	sshll.u32 s5, $0x1;
	s3 =	sadd.s32 s20, s19  }
0x9c: {  	s22 =	simm.s32 $0x0;
	s4 =	sshll.u32 s4, $0x1;
	s5 =	sadd.s32 s21, s3  }
0x9d: {  	[timem:s22], [sflag:s6] =	dma.local [hbm:s5], s4  }
0x9e: {  	_ =	swait.ge [sflag:s6], s4  }
0x9f: {  	s4 =	ssub.s32 $0x0, s4;
	[sflag:s6] =	ssyncset.done $0x0  }
0xa0: {  	[sflag:s6] =	ssyncadd.s32 s4;
	_ =	sdelay $0x1  }
0xa1: {  	s23 =	simm.s32 $0x1B8B  }
0xa2: {  	_ =	swait.ge [sflag:s23], $0x1  }
0xa3: {  	[sflag:s23] =	ssyncset.done $0x0  }
0xa4: {  	[sflag:s23] =	ssyncadd.s32 $0xFFFFFFFF  }
0xa5: {  	s4 =	sld [smem:$0x0]  }
0xa6: {  	s5 =	sand.u32 $0xFFFFFFFE, s1  }
0xa7: {  	p0 =	sne.s32 s1, s5  }
0xa8: {  	s5 =	sshll.u32 @p0 s5, $0xE  }
0xa9: {  	s5 =	sadd.s32 @p0 $0x11B8D, s5;
	s6 =	sshll.u32 @p0 s4, $0x11  }
0xaa: {  	s5 =	sor.u32 @p0 s6, s5  }
0xab: {  	[sflag:s5] =	ssyncadd.remote.s32 @p0 $0x1;
	_ =	sdelay $0x1  }
0xac: {  	s5 =	simm.s32 @p0 $0x1B8D  }
0xad: {  	_ =	swait.eq @p0 [sflag:s5], $0x1  }
0xae: {  	[sflag:s5] =	ssyncadd.s32 @p0 $0xFFFFFFFF  }
0xaf: {  	s6 =	sshll.u32 @!p0 s1, $0xE  }
0xb0: {  	s6 =	sor.u32 @!p0 $0x4000, s6;
	s5 =	simm.s32 @!p0 $0x1B8D  }
0xb1: {  	s4 =	sshll.u32 @!p0 s4, $0x11;
	s6 =	sadd.s32 @!p0 $0x11B8D, s6;
	_ =	swait.eq @!p0 [sflag:s5], $0x1  }
0xb2: {  	s4 =	sor.u32 @!p0 s4, s6;
	[sflag:s5] =	ssyncadd.s32 @!p0 $0xFFFFFFFF  }
0xb3: {  	s25 =	simm.s32 $0x1B8E;
	s24 =	sld [smem:$0x3FFE];
	[sflag:s4] =	ssyncadd.remote.s32 @!p0 $0x1  }
0xb4: {  	s26 =	simm.s32 $execute0_lowered;
	[smem:$0x3FD2] =	sst s25  }
0xb5: {  	s5 =	sshll.u32 s26, $0x1;
	_ =	strace $0x80000049;
	[dreg:$0x1] =	wrdreg $0xFFFFFFFF  }
0xb6: {  	s28 =	simm.s32 $_size_execute0_lowered;
	s3 =	sadd.s32 s3, s5;
	[dreg:$0x0] =	wrdreg $0x0  }
0xb7: {  	s5 =	sshll.u32 s28, $0x1;
	[dreg:$0x2] =	wrdreg s3  }
0xb8: {  	[dreg:$0x3] =	wrdreg s5  }
0xb9: {  	[dreg:$0x4] =	wrdreg $0xC0  }
0xba: {  	_ =	task [dreg:s22], $0x5FFFF  }
0xbb: {  	[dreg:$0x1] =	wrdreg $0xFFFFFFFF  }
0xbc: {  	[dreg:$0x0] =	wrdreg $0x60  }
0xbd: {  	[dreg:$0x2] =	wrdreg s24  }
0xbe: {  	[dreg:$0x3] =	wrdreg $0xC  }
0xbf: {  	_ =	task.clear_ibuf [dreg:s22], $0x4FFFF;
	_ =	strace $0x90000049  }
0xc0: {  	s29 =	simm.s32 $0xC;
	_ =	strace $0x8000004B  }
0xc1: {  	_ =	swait.ge [sflag:s29], $0x1  }
0xc2: {  	[sflag:s29] =	ssyncadd.s32 $0xFFFFFFFF  }
0xc3: {  	_ =	strace $0x9000004B  }
0xc4: {  	_ =	sfence  }
0xc5: {  	s30 =	sld [smem:$0x0];
	_ =	sdelay $0x2  }
0xc6: {  	s31 =	sshll.u32 s1, $0xD;
	s1 =	sshrl.u32 s1, $0x2  }
0xc7: {  	s4 =	sand.u32 $0x4000, s31;
	s1 =	sadd.s32 s1, s30  }
0xc8: {  	s0 =	sor.u32 s4, s0;
	s1 =	sshll.u32 s1, $0x11  }
0xc9: {  	s0 =	sor.u32 s1, s0  }
0xca: {  	s0 =	sadd.s32 $0x8F2B, s0  }
0xcb: {  	[sflag:s0] =	ssyncadd.remote.s32 $0x1  }
0xcc: {  	_ =	sfence.sel $0xFFFF  }
0xcd: {  	[dreg:$0x0] =	wrdreg $0xFFFFFFFF;
	(pc) =	sbr.abs _section_cstart, $3  }
0xce: {  	[dreg:$0x1] =	wrdreg $0xFFFFFFFF  }
0xcf: {  	_ =	task.clear_ibuf [dreg:s22], $0x2FFFF;
	_ =	strace $0x9FFFFFFF  }
0xd0: {  	(tm) =	ssettm $0x7FFFFFFF  }
0xd1: {  	_ =	shalt  }
tec
execute0_lowered:
.L_overlay_start_1:
0x0: {  	(tag) =	ssettag $0x1  }
0x1: {  	s1 =	srdreg.scid  }
0x2: {  	s0 =	stileid.u32;
	s5 =	rddreg [dreg:$0x0];
	s2 =	simm.s32 $0x0  }
0x3: {  	s14 =	simm.s32 $0x200;
	s7 =	sand.u32 $0x1, s1;
	s24 =	sshll.u32 s0, $0x1  }
0x4: {  	s15 =	simm.s32 $0x100;
	s11 =	smul.u32 $0x36B0, s0;
	s1 =	sor.u32 s7, s24  }
0x5: {  	s16 =	simm.s32 $0x1;
	s17 =	simm.s32 $0x6600;
	s1 =	smul.u32 $0x1B58, s1  }
0x6: {  	s18 =	simm.s32 $0x2;
	s19 =	simm.s32 $0x0;
	s12 =	smul.u32 $0x36B00, s0  }
0x7: {  	[smem:$0x7FF] =	sst s2;
	s29 =	smul.u32 $0x1B58, s7;
	s6 =	sadd.s32 $0x1A90, s1  }
0x8: {  	s4 =	sadd.s32 $0x3EFE00, s5;
	s25 =	ssub.s32 $0x2, s7;
	s3 =	smulhi.u32 $0x95CBF, s6  }
0x9: {  	s10 =	sadd.s32 $0x4B3400, s5;
	s13 =	smul.u32 $0x1B580, s7;
	s26 =	sshrl.u32 s25, $0x1  }
0xa: {  	s30 =	sadd.s32 s12, s10;
	s12 =	simm.s32 $0x3;
	s3 =	sshrl.u32 s3, $0x1  }
0xb: {  	s7 =	sadd.s32 s29, s11;
	s1 =	rddreg [dreg:$0x1];
	s8 =	smul.u32 $0x36B0, s3  }
0xc: {  	_ =	strace $0x8000004A;
	s31 =	sadd.s32 $0x8CA0, s7;
	s9 =	smul.u32 $0xC350, s3  }
0xd: {  	s11 =	sadd.s32 $0xC8, s7;
	[dreg:$0x2] =	wrdreg s31;
	s8 =	ssub.s32 s6, s8  }
0xe: {  	s3 =	sadd.s32 $0x6800, s5;
	s6 =	sshll.u32 s6, $0x4;
	s8 =	sadd.s32 s9, s8  }
0xf: {  	s9 =	ssub.s32 s25, s26;
	s6 =	sadd.s32 s10, s6;
	s8 =	sshrl.u32 s8, $0x3  }
0x10: {  	s10 =	sadd.s32 $0x8D68, s7;
	s28 =	sadd.s32 s3, s8;
	s8 =	smax.u32 s9, $0x1  }
0x11: {  	s9 =	sadd.s32 s13, s30;
	s13 =	simm.s32 $0xC8;
	s5 =	sadd.s32 $0x1194, s28  }
.LBB2_1:
0x12: {  	s20 =	smulhi.u32 $0x95CBEC1B, s7;
	_ =	sdelay $0x1  }
0x13: {  	s20 =	sshrl.u32 s20, $0xD  }
0x14: {  	s20 =	smul.u32 $0x8CA0, s20  }
0x15: {  	s21 =	rddreg [dreg:$0x2]  }
0x16: {  	s28 =	smulhi.u32 $0x95CBEC1B, s11;
	s20 =	sadd.s32 s20, s21  }
0x17: {  	s20 =	sadd.s32 $0x0, s20  }
0x18: {  	s21 =	sshrl.u32 s28, $0xD;
	s20 =	sshrl.u32 s20, $0x3  }
0x19: {  	s21 =	smul.u32 $0x8CA0, s21;
	s20 =	sadd.s32 s3, s20  }
0x1a: {  	[tilespmem:s2], [sflag:$0x3] =	stream.linear.gather [hbm4b:s20+s2], $0xC8, $0x38;
	[tilespmem:$0xCA00] =	vst v63  }
0x1b: {  	s29 =	sadd.s32 s21, s10;
	_ =	swait.ge [sflag:s12], $0xC8  }
0x1c: {  	s20 =	sadd.s32 $0x0, s29;
	[sflag:s12] =	ssyncset.done $0x0  }
0x1d: {  	s20 =	sshrl.u32 s20, $0x3;
	[sflag:s12] =	ssyncadd.s32 $0xFFFFFF38  }
0x1e: {  	[tilespmem:s14], [sflag:$0x1] =	stream.indirect.gather [hbm4b:s4+s13], $0x80, s2, s13, $0xb8;
	[tilespmem:$0xCA00] =	vst v63  }
0x1f: {  	s20 =	sadd.s32 s3, s20  }
0x20: {  	[tilespmem:s15], [sflag:$0x3] =	stream.linear.gather [hbm4b:s20+s2], $0xC8, $0x38;
	[tilespmem:$0xCA00] =	vst v63  }
0x21: {  	_ =	swait.ge [sflag:s12], $0xC8  }
0x22: {  	[sflag:s12] =	ssyncset.done $0x0  }
0x23: {  	[sflag:s12] =	ssyncadd.s32 $0xFFFFFF38  }
0x24: {  	_ =	swait.ge [sflag:s16], $0x6400  }
0x25: {  	[sflag:s16] =	ssyncset.done $0x0  }
0x26: {  	[sflag:s16] =	ssyncadd.s32 $0xFFFF9C00  }
0x27: {  	[tilespmem:s17], [sflag:$0x2] =	stream.indirect.gather [hbm4b:s4+s13], $0x80, s15, s13, $0xb8;
	[tilespmem:$0xCA00] =	vst v63  }
0x28: {  	_ = 	snop  }
0x29: {  	[hbm4b:s9+s2] =	stream.linear.scatter [tilespmem:s14], [sflag:$0x3], $0x6400, $0x38;
	[tilespmem:$0xCA00] =	vst v63  }
0x2a: {  	_ =	swait.ge [sflag:s12], $0x6400  }
0x2b: {  	[sflag:s12] =	ssyncset.done $0x0  }
0x2c: {  	s22 =	sadd.s32 $0x190, s7;
	[sflag:s12] =	ssyncadd.s32 $0xFFFF9C00  }
0x2d: {  	s30 =	smulhi.u32 $0x95CBEC1B, s22;
	_ =	swait.ge [sflag:s18], $0x6400  }
0x2e: {  	s31 =	sadd.s32 $0xC80, s9;
	s24 =	simm.s32 $0x320;
	[sflag:s18] =	ssyncset.done $0x0  }
0x2f: {  	s23 =	sadd.s32 $0x190, s11;
	s25 =	sshrl.u32 s30, $0xD;
	[sflag:s18] =	ssyncadd.s32 $0xFFFF9C00  }
0x30: {  	[hbm4b:s31+s2] =	stream.linear.scatter [tilespmem:s17], [sflag:$0x3], $0x6400, $0x38;
	[tilespmem:$0xCA00] =	vst v63  }
0x31: {  	s21 =	simm.s32 $0x190;
	s20 =	sadd.s32 $0x1900, s9;
	_ =	swait.ge [sflag:s12], $0x6400  }
.LBB2_2:
0x32: {  	s25 =	smul.u32 $0x8CA0, s25  }
0x33: {  	s26 =	rddreg [dreg:$0x2]  }
0x34: {  	s31 =	smulhi.u32 $0x95CBEC1B, s23;
	s25 =	sadd.s32 s25, s26  }
0x35: {  	s25 =	sadd.s32 s25, s21  }
0x36: {  	[sflag:s12] =	ssyncset.done $0x0;
	s26 =	sshrl.u32 s31, $0xD;
	s25 =	sshrl.u32 s25, $0x3  }
0x37: {  	[sflag:s12] =	ssyncadd.s32 $0xFFFF9C00;
	s26 =	smul.u32 $0x8CA0, s26;
	s25 =	sadd.s32 s3, s25  }
0x38: {  	[tilespmem:s2], [sflag:$0x3] =	stream.linear.gather [hbm4b:s25+s2], $0xC8, $0x38;
	[tilespmem:$0xCA00] =	vst v63  }
0x39: {  	s29 =	sadd.s32 s26, s10;
	_ =	swait.ge [sflag:s12], $0xC8  }
0x3a: {  	s25 =	sadd.s32 s29, s21;
	[sflag:s12] =	ssyncset.done $0x0  }
0x3b: {  	s25 =	sshrl.u32 s25, $0x3;
	[sflag:s12] =	ssyncadd.s32 $0xFFFFFF38  }
0x3c: {  	[tilespmem:s14], [sflag:$0x1] =	stream.indirect.gather [hbm4b:s4+s13], $0x80, s2, s13, $0xb8;
	[tilespmem:$0xCA00] =	vst v63  }
0x3d: {  	s25 =	sadd.s32 s3, s25  }
0x3e: {  	[tilespmem:s15], [sflag:$0x3] =	stream.linear.gather [hbm4b:s25+s2], $0xC8, $0x38;
	[tilespmem:$0xCA00] =	vst v63  }
0x3f: {  	_ =	swait.ge [sflag:s12], $0xC8  }
0x40: {  	[sflag:s12] =	ssyncset.done $0x0  }
0x41: {  	[sflag:s12] =	ssyncadd.s32 $0xFFFFFF38  }
0x42: {  	_ =	swait.ge [sflag:s16], $0x6400  }
0x43: {  	[sflag:s16] =	ssyncset.done $0x0  }
0x44: {  	[sflag:s16] =	ssyncadd.s32 $0xFFFF9C00  }
0x45: {  	[tilespmem:s17], [sflag:$0x2] =	stream.indirect.gather [hbm4b:s4+s13], $0x80, s15, s13, $0xb8;
	[tilespmem:$0xCA00] =	vst v63  }
0x46: {  	_ = 	snop  }
0x47: {  	[hbm4b:s20+s2] =	stream.linear.scatter [tilespmem:s14], [sflag:$0x3], $0x6400, $0x38;
	[tilespmem:$0xCA00] =	vst v63  }
0x48: {  	_ =	swait.ge [sflag:s12], $0x6400  }
0x49: {  	s28 =	smov.u32 s24;
	[sflag:s12] =	ssyncset.done $0x0  }
0x4a: {  	p0 =	sne.s32 s24, $0x1900;
	s24 =	sadd.s32 $0x190, s24;
	[sflag:s12] =	ssyncadd.s32 $0xFFFF9C00  }
.Ltmp0:
0x4b: {  	s22 =	sadd.s32 $0x190, s22;
	_ =	swait.ge [sflag:s18], $0x6400;
	(pc) =	sbr.rel @p0 .LBB2_2-.Ltmp0, $4  }
0x4c: {  	s23 =	sadd.s32 $0x190, s23;
	s30 =	smulhi.u32 $0x95CBEC1B, s22;
	[sflag:s18] =	ssyncset.done $0x0  }
0x4d: {  	s31 =	sadd.s32 $0xC80, s20;
	s21 =	smov.u32 s28;
	[sflag:s18] =	ssyncadd.s32 $0xFFFF9C00  }
0x4e: {  	[hbm4b:s31+s2] =	stream.linear.scatter [tilespmem:s17], [sflag:$0x3], $0x6400, $0x38;
	[tilespmem:$0xCA00] =	vst v63  }
0x4f: {  	s25 =	sshrl.u32 s30, $0xD;
	s20 =	sadd.s32 $0x1900, s20;
	_ =	swait.ge [sflag:s12], $0x6400  }
0x50: {  	s24 =	smul.u32 $0x8CA0, s25  }
0x51: {  	s22 =	rddreg [dreg:$0x2]  }
0x52: {  	s23 =	smulhi.u32 $0x95CBEC1B, s23;
	s22 =	sadd.s32 s24, s22  }
0x53: {  	s22 =	sadd.s32 s22, s21  }
0x54: {  	[sflag:s12] =	ssyncset.done $0x0;
	s23 =	sshrl.u32 s23, $0xD;
	s22 =	sshrl.u32 s22, $0x3  }
0x55: {  	[sflag:s12] =	ssyncadd.s32 $0xFFFF9C00;
	s23 =	smul.u32 $0x8CA0, s23;
	s22 =	sadd.s32 s3, s22  }
0x56: {  	[tilespmem:s2], [sflag:$0x3] =	stream.linear.gather [hbm4b:s22+s2], $0xC8, $0x38;
	[tilespmem:$0xCA00] =	vst v63  }
0x57: {  	s29 =	sadd.s32 s23, s10;
	_ =	swait.ge [sflag:s12], $0xC8  }
0x58: {  	s30 =	sadd.s32 s29, s21;
	[sflag:s12] =	ssyncset.done $0x0  }
0x59: {  	s21 =	sshrl.u32 s30, $0x3;
	[sflag:s12] =	ssyncadd.s32 $0xFFFFFF38  }
0x5a: {  	[tilespmem:s14], [sflag:$0x1] =	stream.indirect.gather [hbm4b:s4+s13], $0x80, s2, s13, $0xb8;
	[tilespmem:$0xCA00] =	vst v63  }
0x5b: {  	s21 =	sadd.s32 s3, s21  }
0x5c: {  	[tilespmem:s15], [sflag:$0x3] =	stream.linear.gather [hbm4b:s21+s2], $0xC8, $0x38;
	[tilespmem:$0xCA00] =	vst v63  }
0x5d: {  	_ =	swait.ge [sflag:s12], $0xC8  }
0x5e: {  	[sflag:s12] =	ssyncset.done $0x0  }
0x5f: {  	[sflag:s12] =	ssyncadd.s32 $0xFFFFFF38  }
0x60: {  	_ =	swait.ge [sflag:s16], $0x6400  }
0x61: {  	[sflag:s16] =	ssyncset.done $0x0  }
0x62: {  	[sflag:s16] =	ssyncadd.s32 $0xFFFF9C00  }
0x63: {  	[tilespmem:s17], [sflag:$0x2] =	stream.indirect.gather [hbm4b:s4+s13], $0x80, s15, s13, $0xb8;
	[tilespmem:$0xCA00] =	vst v63  }
0x64: {  	_ = 	snop  }
0x65: {  	[hbm4b:s20+s2] =	stream.linear.scatter [tilespmem:s14], [sflag:$0x3], $0x6400, $0x38;
	[tilespmem:$0xCA00] =	vst v63  }
0x66: {  	_ =	swait.ge [sflag:s12], $0x6400  }
0x67: {  	[sflag:s12] =	ssyncset.done $0x0  }
0x68: {  	[sflag:s12] =	ssyncadd.s32 $0xFFFF9C00  }
0x69: {  	_ =	swait.ge [sflag:s18], $0x6400  }
0x6a: {  	[sflag:s18] =	ssyncset.done $0x0  }
0x6b: {  	s31 =	sadd.s32 $0xC80, s20;
	[sflag:s18] =	ssyncadd.s32 $0xFFFF9C00  }
0x6c: {  	[hbm4b:s31+s2] =	stream.linear.scatter [tilespmem:s17], [sflag:$0x3], $0x6400, $0x38;
	[tilespmem:$0xCA00] =	vst v63  }
0x6d: {  	_ =	swait.ge [sflag:s12], $0x6400  }
0x6e: {  	[sflag:s12] =	ssyncset.done $0x0  }
0x6f: {  	[sflag:s12] =	ssyncadd.s32 $0xFFFF9C00  }
0x70: {  	[tilespmem:s2], [sflag:$0x3] =	stream.linear.gather [hbm4b:s5+s2], $0xC8, $0x38;
	[tilespmem:$0xCA00] =	vst v63  }
0x71: {  	_ =	swait.ge [sflag:s12], $0xC8  }
0x72: {  	[sflag:s12] =	ssyncset.done $0x0  }
0x73: {  	[sflag:s12] =	ssyncadd.s32 $0xFFFFFF38  }
0x74: {  	[tilespmem:s14], [sflag:$0x1] =	stream.indirect.gather [hbm4b:s4+s13], $0x80, s2, s13, $0xb8;
	[tilespmem:$0xCA00] =	vst v63  }
0x75: {  	s19 =	sadd.s32 $0x1, s19;
	_ =	swait.ge [sflag:s16], $0x6400  }
0x76: {  	p0 =	sne.s32 s19, s8;
	[sflag:s16] =	ssyncset.done $0x0  }
.Ltmp1:
0x77: {  	[sflag:s16] =	ssyncadd.s32 $0xFFFF9C00;
	(pc) =	sbr.rel @p0 .LBB2_1-.Ltmp1, $4  }
0x78: {  	[hbm4b:s6+s2] =	stream.linear.scatter [tilespmem:s14], [sflag:$0x3], $0x6400, $0x38;
	[tilespmem:$0xCA00] =	vst v63  }
0x79: {  	_ =	swait.ge [sflag:s12], $0x6400  }
0x7a: {  	[sflag:s12] =	ssyncset.done $0x0  }
0x7b: {  	[sflag:s12] =	ssyncadd.s32 $0xFFFF9C00  }
0x7c: {  	_ =	sfence.sel $0x180000  }
0x7d: {  	[bflag:$0x0] =	sbarrier.arrive $0xFFFF  }
0x7e: {  	p0 =	sne.s32 s0, $0x0;
	_ =	strace $0x9000004A  }
0x7f: {  	s0 =	sadd.s32 @!p0 $0x100000, s1;
	[bflag:$0x2] =	sbarrier.arrive $0xFFFF  }
0x80: {  	[sflag:s0] =	ssyncadd.tile.s32 @!p0 $0x1;
	_ =	shalt  }
.Lfunc_end2:
_tile_overlayer_lowered:
.L_overlay_start_2:
0x81: {  	(tag) =	ssettag $0x2  }
0x82: {  	s0 =	rddreg [dreg:$0x0];
	s2 =	stileid.u32  }
0x83: {  	s1 =	rddreg [dreg:$0x1];
	p0 =	sne.s32 s2, $0x0  }
0x84: {  	s3 =	rddreg [dreg:$0x2];
	[bflag:$0x3] =	sbarrier.arrive $0xFFFF;
	s2 =	simm.s32 @!p0 $0x1C03  }
0x85: {  	[timem:s3], [sflag:s2] =	dma.local @!p0 [hbm:s0], s1  }
0x86: {  	s0 =	simm.s32 @!p0 $0x3  }
0x87: {  	_ =	swait.ge @!p0 [sflag:s0], s1  }
0x88: {  	s1 =	ssub.s32 @!p0 $0x0, s1;
	[sflag:s0] =	ssyncset.done @!p0 $0x0  }
0x89: {  	[sflag:s0] =	ssyncadd.s32 @!p0 s1  }
0x8a: {  	[bflag:$0x3] =	sbarrier.arrive $0xFFFF  }
0x8b: {  	_ =	shalt  }

</sc_bundles>
